<compile_context>
chip_gen: v7x
topology: tpu7x:2x2x1
jax: 0.10.2.dev20260603
libtpu: 0.0.44.dev20260713+nightly
codegen_flags: <defaults>
</compile_context>

<pallas_src>
import jax
import jax.numpy as jnp
from jax import lax
from jax.experimental import pallas as pl
from jax.experimental.pallas import tpu as pltpu
from jax.experimental.pallas import tpu_sc as plsc

N = 10000
D = 128
E = 320000
C = 64

NC = 2
NS = 16
NW = NC * NS
EPW = E // NW
CHUNK = 128
NCHUNK = 80
EPAD = NCHUNK * CHUNK - EPW
PN = 10240
ROWS_PT = PN // NS
NBUF = 6
GLEAD = 4
SLAG = 2


def _zero_fill(buf, rows, width):
    zv = jnp.zeros((32,), jnp.bfloat16)

    def body(r, carry):
        for c32 in range(width // 32):
            buf[r, pl.ds(c32 * 32, 32)] = zv
        return carry

    lax.fori_loop(0, rows, body, 0)


def _deg_body(dst_hbm, out_hbm, didx, ones_v, zb, dsem, dacc):
    c = lax.axis_index("c")
    s = lax.axis_index("s")
    wid = c * NS + s
    r0 = s * ROWS_PT
    for q in range(CHUNK // 16):
        ones_v[pl.ds(q * 16, 16)] = jnp.ones((16,), jnp.float32)
    for q in range(ROWS_PT // 16):
        zb[pl.ds(q * 16, 16)] = jnp.zeros((16,), jnp.float32)
    pltpu.sync_copy(zb, dacc.at[pl.ds(r0, ROWS_PT)])
    pltpu.sync_copy(dst_hbm.at[wid], didx)
    plsc.subcore_barrier()

    def body(j, carry):
        pltpu.async_copy(ones_v, dacc.at[didx.at[j]], dsem, add=True)
        return carry

    lax.fori_loop(0, NCHUNK, body, 0)

    def drain(j, carry):
        pltpu.make_async_copy(ones_v, dacc.at[didx.at[j]], dsem).wait()
        return carry

    lax.fori_loop(0, NCHUNK, drain, 0)
    plsc.subcore_barrier()
    pltpu.sync_copy(dacc.at[pl.ds(r0, ROWS_PT)],
                    out_hbm.at[c, pl.ds(r0, ROWS_PT)])


def _prop_body(g_hbm, src_hbm, dst_hbm, out_hbm,
               sidx, didx, bufs, gsems, ssems, zb, acc):
    c = lax.axis_index("c")
    s = lax.axis_index("s")
    wid = c * NS + s
    r0 = s * ROWS_PT
    _zero_fill(zb, 80, C)
    for q in range(ROWS_PT // 80):
        pltpu.sync_copy(zb, acc.at[pl.ds(r0 + 80 * q, 80)])
    pltpu.sync_copy(src_hbm.at[wid], sidx)
    pltpu.sync_copy(dst_hbm.at[wid], didx)
    for j in range(GLEAD):
        pltpu.async_copy(g_hbm.at[sidx.at[j]], bufs[j], gsems[j])
    plsc.subcore_barrier()

    def wait_gather(j, b):
        pltpu.make_async_copy(g_hbm.at[sidx.at[j]], bufs[b], gsems[b]).wait()

    def fire_gather(j, b):
        pltpu.async_copy(g_hbm.at[sidx.at[j]], bufs[b], gsems[b])

    def fire_scatter(j, b, sb):
        pltpu.async_copy(bufs[b], acc.at[didx.at[j]], ssems[sb], add=True)

    def wait_scatter(j, b, sb):
        pltpu.make_async_copy(bufs[b], acc.at[didx.at[j]], ssems[sb]).wait()

    def slot(j, m, retire, refill):
        wait_gather(j, m % NBUF)
        if retire:
            wait_scatter(j - SLAG, (m - SLAG) % NBUF, m % SLAG)
        fire_scatter(j, m % NBUF, m % SLAG)
        if refill:
            fire_gather(j + GLEAD, (m + GLEAD) % NBUF)

    for j in range(SLAG):
        slot(j, j, False, True)
    for j in range(SLAG, GLEAD):
        slot(j, j, True, True)

    def body(i, carry):
        base = GLEAD + NBUF * i
        for k in range(NBUF):
            slot(base + k, GLEAD + k, True, True)
        return carry

    lax.fori_loop(0, (NCHUNK - 2 * GLEAD) // NBUF, body, 0)
    tail0 = GLEAD + NBUF * ((NCHUNK - 2 * GLEAD) // NBUF)
    for j in range(tail0, NCHUNK):
        slot(j, j, True, j + GLEAD < NCHUNK)
    for j in range(NCHUNK - SLAG, NCHUNK):
        wait_scatter(j, j % NBUF, j % SLAG)
    plsc.subcore_barrier()
    pltpu.sync_copy(acc.at[pl.ds(r0, ROWS_PT)],
                    out_hbm.at[c, pl.ds(r0, ROWS_PT)])


RB = 1000


def _mm_body(x_ref, w_ref, d_ref, g0_ref):
    dis = lax.rsqrt(d_ref[...])
    y = lax.dot_general(x_ref[...], w_ref[...], (((1,), (1,)), ((), ())),
                        preferred_element_type=jnp.float32,
                        precision=lax.Precision.HIGHEST)
    g0_ref[...] = (y * dis).astype(jnp.bfloat16)


def _comb_body(p_ref, g_ref, d_ref, o_ref):
    p = p_ref[...].astype(jnp.float32)
    g = g_ref[...].astype(jnp.float32)
    o_ref[...] = ((p[0] + p[1] + g) / d_ref[...]).astype(jnp.bfloat16)


def _out_body(p_ref, g_ref, d_ref, b_ref, o_ref):
    p = p_ref[...].astype(jnp.float32)
    g = g_ref[...].astype(jnp.float32)
    o_ref[...] = (p[0] + p[1] + g) * lax.rsqrt(d_ref[...]) + b_ref[...]


def _prop(g, src, dst, mesh):
    return pl.kernel(
        _prop_body,
        out_type=jax.ShapeDtypeStruct((NC, PN, C), jnp.bfloat16),
        mesh=mesh,
        scratch_types=[
            pltpu.VMEM((NCHUNK, CHUNK), jnp.int32),
            pltpu.VMEM((NCHUNK, CHUNK), jnp.int32),
            [pltpu.VMEM((CHUNK, C), jnp.bfloat16) for _ in range(NBUF)],
            [pltpu.SemaphoreType.DMA for _ in range(NBUF)],
            [pltpu.SemaphoreType.DMA for _ in range(SLAG)],
            pltpu.VMEM((80, C), jnp.bfloat16),
            pltpu.VMEM_SHARED((PN, C), jnp.bfloat16),
        ],
        compiler_params=pltpu.CompilerParams(use_tc_tiling_on_sc=False),
    )(g, src, dst)


def _combine(partial, g, degb, bias=None):
    if bias is None:
        body, extra = _comb_body, []
        in_specs_extra = []
    else:
        body, extra = _out_body, [bias]
        in_specs_extra = [pl.BlockSpec((1, C), lambda i: (0, 0))]
    return pl.pallas_call(
        body,
        grid=(N // RB,),
        in_specs=[
            pl.BlockSpec((NC, RB, C), lambda i: (0, i, 0)),
            pl.BlockSpec((RB, C), lambda i: (i, 0)),
            pl.BlockSpec((RB, C), lambda i: (i, 0)),
        ] + in_specs_extra,
        out_specs=pl.BlockSpec((RB, C), lambda i: (i, 0)),
        out_shape=jax.ShapeDtypeStruct(
            (N, C), jnp.float32 if bias is not None else jnp.bfloat16),
    )(partial, g, degb, *extra)


def kernel(x, edge_index, W, b):
    ei = edge_index.astype(jnp.int32).reshape(2, NW, EPW)
    lane = jnp.arange(EPAD, dtype=jnp.int32)
    tile = jnp.arange(NW, dtype=jnp.int32)
    pad_src = (tile[:, None] * 997 + lane[None, :] * 41) % N
    pad_dst = jnp.broadcast_to(N + lane[None, :], (NW, EPAD))
    src = jnp.concatenate([ei[0], pad_src], axis=1).reshape(NW, NCHUNK, CHUNK)
    dst = jnp.concatenate([ei[1], pad_dst], axis=1).reshape(NW, NCHUNK, CHUNK)
    mesh = plsc.VectorSubcoreMesh(core_axis_name="c", subcore_axis_name="s",
                                  num_cores=NC, num_subcores=NS)

    deg_partial = pl.kernel(
        _deg_body,
        out_type=jax.ShapeDtypeStruct((NC, PN), jnp.float32),
        mesh=mesh,
        scratch_types=[
            pltpu.VMEM((NCHUNK, CHUNK), jnp.int32),
            pltpu.VMEM((CHUNK,), jnp.float32),
            pltpu.VMEM((ROWS_PT,), jnp.float32),
            pltpu.SemaphoreType.DMA,
            pltpu.VMEM_SHARED((PN,), jnp.float32),
        ],
        compiler_params=pltpu.CompilerParams(use_tc_tiling_on_sc=False),
    )(dst)

    degb = jnp.broadcast_to(
        (deg_partial[0] + deg_partial[1] + 1.0)[:, None], (PN, C))

    g0 = pl.pallas_call(
        _mm_body,
        grid=(N // RB,),
        in_specs=[
            pl.BlockSpec((RB, D), lambda i: (i, 0)),
            pl.BlockSpec((C, D), lambda i: (0, 0)),
            pl.BlockSpec((RB, C), lambda i: (i, 0)),
        ],
        out_specs=pl.BlockSpec((RB, C), lambda i: (i, 0)),
        out_shape=jax.ShapeDtypeStruct((N, C), jnp.bfloat16),
    )(x, W, degb)

    p1 = _prop(g0, src, dst, mesh)
    g1 = _combine(p1, g0, degb)
    p2 = _prop(g1, src, dst, mesh)
    return _combine(p2, g1, degb, bias=b.reshape(1, C))

# --- scband reference (transcript-rebuilt; emitter-appended) ---
"""Pipeline reference for scband-sgc-8967891714113 (READ-ONLY COPY).

The authoritative reference and input builder live on the scoring server;
editing this copy changes nothing except your own understanding.
"""

import jax, jax.numpy as jnp
import numpy as np

N_NODES = 10000
D_FEAT = 128
N_EDGES = 320000
N_CLASS = 64


def setup_inputs(seed: int = 0) -> dict:
    key = jax.random.key(seed)
    k1, k2, k3 = jax.random.split(key, 3)
    x = jax.random.normal(k1, (N_NODES, D_FEAT), dtype=jnp.float32)
    edge_index = jax.random.randint(k2, (2, N_EDGES), 0, N_NODES, dtype=jnp.int32).astype(jnp.int64)
    # SGConv(nfeat, nclass, K=2, cached=False): lin = Linear(nfeat, nclass, bias=True)
    W = jax.random.normal(k3, (N_CLASS, D_FEAT), dtype=jnp.float32) * 0.05
    b = jnp.zeros((N_CLASS,), dtype=jnp.float32)
    return {"x": x, "edge_index": edge_index, "W": W, "b": b}


def reference(x, edge_index, W, b):
    # Faithful PyG SGConv with K=2, add_self_loops=True, symmetric gcn_norm.
    N = x.shape[0]
    src = edge_index[0]
    dst = edge_index[1]
    loop = jnp.arange(N, dtype=src.dtype)
    src = jnp.concatenate([src, loop])
    dst = jnp.concatenate([dst, loop])
    ew = jnp.ones(src.shape[0], dtype=x.dtype)
    deg = jax.ops.segment_sum(ew, dst, num_segments=N)
    deg_inv_sqrt = jnp.where(deg > 0, 1.0 / jnp.sqrt(deg), 0.0)
    norm = deg_inv_sqrt[src] * ew * deg_inv_sqrt[dst]

    def prop(h):
        msg = h[src] * norm[:, None]
        return jax.ops.segment_sum(msg, dst, num_segments=N)

    h = prop(prop(x))  # K = 2 propagation steps
    return h @ W.T + b

if __name__ == "__main__":
    import jax
    _d = setup_inputs()
    print(jax.jit(kernel)(*tuple(_d.values())))

</pallas_src>

<mosaic_0001>
#map = affine_map<(d0, d1) -> (0, 0)>
#map1 = affine_map<(d0, d1) -> (0, 0, 0)>
module attributes {stable_mosaic.version = 14 : i64} {
  func.func @_prop_body(%arg0: i32, %arg1: i32, %arg2: memref<10000x64xbf16, #tpu.memory_space<hbm>>, %arg3: memref<32x80x128xi32, #tpu.memory_space<hbm>>, %arg4: memref<32x80x128xi32, #tpu.memory_space<hbm>>, %arg5: memref<2x10240x64xbf16, #tpu.memory_space<hbm>>, %arg6: memref<80x128xi32, #tpu.memory_space<vmem>>, %arg7: memref<80x128xi32, #tpu.memory_space<vmem>>, %arg8: memref<128x64xbf16, #tpu.memory_space<vmem>>, %arg9: memref<128x64xbf16, #tpu.memory_space<vmem>>, %arg10: memref<128x64xbf16, #tpu.memory_space<vmem>>, %arg11: memref<128x64xbf16, #tpu.memory_space<vmem>>, %arg12: memref<128x64xbf16, #tpu.memory_space<vmem>>, %arg13: memref<128x64xbf16, #tpu.memory_space<vmem>>, %arg14: memref<!tpu.dma_semaphore, #tpu.memory_space<semaphore_mem>>, %arg15: memref<!tpu.dma_semaphore, #tpu.memory_space<semaphore_mem>>, %arg16: memref<!tpu.dma_semaphore, #tpu.memory_space<semaphore_mem>>, %arg17: memref<!tpu.dma_semaphore, #tpu.memory_space<semaphore_mem>>, %arg18: memref<!tpu.dma_semaphore, #tpu.memory_space<semaphore_mem>>, %arg19: memref<!tpu.dma_semaphore, #tpu.memory_space<semaphore_mem>>, %arg20: memref<!tpu.dma_semaphore, #tpu.memory_space<semaphore_mem>>, %arg21: memref<!tpu.dma_semaphore, #tpu.memory_space<semaphore_mem>>, %arg22: memref<80x64xbf16, #tpu.memory_space<vmem>>, %arg23: memref<10240x64xbf16, #tpu.memory_space<vmem_shared>>) attributes {dimension_semantics = [#tpu.dimension_semantics<core_parallel>, #tpu.dimension_semantics<subcore_parallel>], iteration_bounds = array<i64: 2, 16>, scalar_prefetch = 0 : i64, scratch_operands = 18 : i64, tpu.core_type = #tpu.core_type<sc_vector_subcore>, window_params = [{transform_indices = #map}, {transform_indices = #map1}, {transform_indices = #map1}, {transform_indices = #map1}]} {
    %mul3A = arith.constant 16 : i32
    %mul3A_0 = arith.muli %arg0, %mul3A : i32
    %add3A = arith.addi %mul3A_0, %arg1 : i32
    %mul3A_1 = arith.constant 640 : i32
    %mul3A_2 = arith.muli %arg1, %mul3A_1 : i32
    %broadcast_in_dim3A = arith.constant 0.000000e+00 : bf16
    %broadcast_in_dim3A_3 = vector.broadcast %broadcast_in_dim3A : bf16 to vector<32xbf16>
    %scan3A = arith.constant 0 : i32
    %scan3A_4 = arith.constant 0 : i32
    %scan3A_5 = arith.constant 80 : i32
    %scan3A_6 = arith.addi %scan3A_4, %scan3A_5 : i32
    %scan3A_7 = arith.constant 1 : i32
    scf.for %scan3A_254 = %scan3A_4 to %scan3A_6 step %scan3A_7  : i32 {
      %swap3A = arith.index_cast %scan3A_254 : i32 to index
      %swap3A_255 = arith.constant 0 : index
      %swap3A_256 = tpu.vector_load %arg22[%swap3A, %swap3A_255] {strides = array<i32>} : memref<80x64xbf16, #tpu.memory_space<vmem>>, vector<1x32xbf16>,
      %swap3A_257 = vector.shape_cast %swap3A_256 : vector<1x32xbf16> to vector<32xbf16>
      %swap3A_258 = vector.shape_cast %broadcast_in_dim3A_3 : vector<32xbf16> to vector<1x32xbf16>
      tpu.vector_store %arg22[%swap3A, %swap3A_255], %swap3A_258 {strides = array<i32>} : memref<80x64xbf16, #tpu.memory_space<vmem>>, vector<1x32xbf16>,
      %swap3A_259 = arith.index_cast %scan3A_254 : i32 to index
      %swap3A_260 = arith.constant 32 : index
      %swap3A_261 = tpu.vector_load %arg22[%swap3A_259, %swap3A_260] {strides = array<i32>} : memref<80x64xbf16, #tpu.memory_space<vmem>>, vector<1x32xbf16>,
      %swap3A_262 = vector.shape_cast %swap3A_261 : vector<1x32xbf16> to vector<32xbf16>
      %swap3A_263 = vector.shape_cast %broadcast_in_dim3A_3 : vector<32xbf16> to vector<1x32xbf16>
      tpu.vector_store %arg22[%swap3A_259, %swap3A_260], %swap3A_263 {strides = array<i32>} : memref<80x64xbf16, #tpu.memory_space<vmem>>, vector<1x32xbf16>,
    }
    %scan3A_8 = arith.constant 80 : i32
    %add3A_9 = arith.constant 0 : i32
    %add3A_10 = arith.addi %mul3A_2, %add3A_9 : i32
    "tpu.region"() ({
      %run_scoped3A = tpu.sem_alloc : memref<!tpu.dma_semaphore, #tpu.memory_space<semaphore_mem>>
      %dma_start3A_254 = arith.constant 0 : i32
      %dma_start3A_255 = tpu.memref_slice %arg23[%add3A_10, %dma_start3A_254] : memref<10240x64xbf16, #tpu.memory_space<vmem_shared>> -> memref<80x64xbf16, #tpu.memory_space<vmem_shared>>
      %dma_start3A_256 = arith.constant 0 : i32
      %dma_start3A_257 = tpu.memref_slice %arg23[%add3A_10, %dma_start3A_256] : memref<10240x64xbf16, #tpu.memory_space<vmem_shared>> -> memref<80x64xbf16, #tpu.memory_space<vmem_shared>>
      tpu.enqueue_dma source(%arg22 : memref<80x64xbf16, #tpu.memory_space<vmem>>) target(%dma_start3A_257 : memref<80x64xbf16, #tpu.memory_space<vmem_shared>>) target_semaphore(%run_scoped3A : memref<!tpu.dma_semaphore, #tpu.memory_space<semaphore_mem>>)
      %dma_wait3A_258 = arith.constant 0 : i32
      %dma_wait3A_259 = tpu.memref_slice %arg23[%add3A_10, %dma_wait3A_258] : memref<10240x64xbf16, #tpu.memory_space<vmem_shared>> -> memref<80x64xbf16, #tpu.memory_space<vmem_shared>>
      %dma_wait3A_260 = arith.constant 0 : i32
      %dma_wait3A_261 = tpu.memref_slice %arg23[%add3A_10, %dma_wait3A_260] : memref<10240x64xbf16, #tpu.memory_space<vmem_shared>> -> memref<80x64xbf16, #tpu.memory_space<vmem_shared>>
      tpu.wait_dma2 semaphore(%run_scoped3A : memref<!tpu.dma_semaphore, #tpu.memory_space<semaphore_mem>>) src(%arg22 : memref<80x64xbf16, #tpu.memory_space<vmem>>) dst(%dma_wait3A_261 : memref<80x64xbf16, #tpu.memory_space<vmem_shared>>)
      tpu.yield
    }) : () -> ()
    %add3A_11 = arith.constant 80 : i32
    %add3A_12 = arith.addi %mul3A_2, %add3A_11 : i32
    "tpu.region"() ({
      %run_scoped3A = tpu.sem_alloc : memref<!tpu.dma_semaphore, #tpu.memory_space<semaphore_mem>>
      %dma_start3A_254 = arith.constant 0 : i32
      %dma_start3A_255 = tpu.memref_slice %arg23[%add3A_12, %dma_start3A_254] : memref<10240x64xbf16, #tpu.memory_space<vmem_shared>> -> memref<80x64xbf16, #tpu.memory_space<vmem_shared>>
      %dma_start3A_256 = arith.constant 0 : i32
      %dma_start3A_257 = tpu.memref_slice %arg23[%add3A_12, %dma_start3A_256] : memref<10240x64xbf16, #tpu.memory_space<vmem_shared>> -> memref<80x64xbf16, #tpu.memory_space<vmem_shared>>
      tpu.enqueue_dma source(%arg22 : memref<80x64xbf16, #tpu.memory_space<vmem>>) target(%dma_start3A_257 : memref<80x64xbf16, #tpu.memory_space<vmem_shared>>) target_semaphore(%run_scoped3A : memref<!tpu.dma_semaphore, #tpu.memory_space<semaphore_mem>>)
      %dma_wait3A_258 = arith.constant 0 : i32
      %dma_wait3A_259 = tpu.memref_slice %arg23[%add3A_12, %dma_wait3A_258] : memref<10240x64xbf16, #tpu.memory_space<vmem_shared>> -> memref<80x64xbf16, #tpu.memory_space<vmem_shared>>
      %dma_wait3A_260 = arith.constant 0 : i32
      %dma_wait3A_261 = tpu.memref_slice %arg23[%add3A_12, %dma_wait3A_260] : memref<10240x64xbf16, #tpu.memory_space<vmem_shared>> -> memref<80x64xbf16, #tpu.memory_space<vmem_shared>>
      tpu.wait_dma2 semaphore(%run_scoped3A : memref<!tpu.dma_semaphore, #tpu.memory_space<semaphore_mem>>) src(%arg22 : memref<80x64xbf16, #tpu.memory_space<vmem>>) dst(%dma_wait3A_261 : memref<80x64xbf16, #tpu.memory_space<vmem_shared>>)
      tpu.yield
    }) : () -> ()
    %add3A_13 = arith.constant 160 : i32
    %add3A_14 = arith.addi %mul3A_2, %add3A_13 : i32
    "tpu.region"() ({
      %run_scoped3A = tpu.sem_alloc : memref<!tpu.dma_semaphore, #tpu.memory_space<semaphore_mem>>
      %dma_start3A_254 = arith.constant 0 : i32
      %dma_start3A_255 = tpu.memref_slice %arg23[%add3A_14, %dma_start3A_254] : memref<10240x64xbf16, #tpu.memory_space<vmem_shared>> -> memref<80x64xbf16, #tpu.memory_space<vmem_shared>>
      %dma_start3A_256 = arith.constant 0 : i32
      %dma_start3A_257 = tpu.memref_slice %arg23[%add3A_14, %dma_start3A_256] : memref<10240x64xbf16, #tpu.memory_space<vmem_shared>> -> memref<80x64xbf16, #tpu.memory_space<vmem_shared>>
      tpu.enqueue_dma source(%arg22 : memref<80x64xbf16, #tpu.memory_space<vmem>>) target(%dma_start3A_257 : memref<80x64xbf16, #tpu.memory_space<vmem_shared>>) target_semaphore(%run_scoped3A : memref<!tpu.dma_semaphore, #tpu.memory_space<semaphore_mem>>)
      %dma_wait3A_258 = arith.constant 0 : i32
      %dma_wait3A_259 = tpu.memref_slice %arg23[%add3A_14, %dma_wait3A_258] : memref<10240x64xbf16, #tpu.memory_space<vmem_shared>> -> memref<80x64xbf16, #tpu.memory_space<vmem_shared>>
      %dma_wait3A_260 = arith.constant 0 : i32
      %dma_wait3A_261 = tpu.memref_slice %arg23[%add3A_14, %dma_wait3A_260] : memref<10240x64xbf16, #tpu.memory_space<vmem_shared>> -> memref<80x64xbf16, #tpu.memory_space<vmem_shared>>
      tpu.wait_dma2 semaphore(%run_scoped3A : memref<!tpu.dma_semaphore, #tpu.memory_space<semaphore_mem>>) src(%arg22 : memref<80x64xbf16, #tpu.memory_space<vmem>>) dst(%dma_wait3A_261 : memref<80x64xbf16, #tpu.memory_space<vmem_shared>>)
      tpu.yield
    }) : () -> ()
    %add3A_15 = arith.constant 240 : i32
    %add3A_16 = arith.addi %mul3A_2, %add3A_15 : i32
    "tpu.region"() ({
      %run_scoped3A = tpu.sem_alloc : memref<!tpu.dma_semaphore, #tpu.memory_space<semaphore_mem>>
      %dma_start3A_254 = arith.constant 0 : i32
      %dma_start3A_255 = tpu.memref_slice %arg23[%add3A_16, %dma_start3A_254] : memref<10240x64xbf16, #tpu.memory_space<vmem_shared>> -> memref<80x64xbf16, #tpu.memory_space<vmem_shared>>
      %dma_start3A_256 = arith.constant 0 : i32
      %dma_start3A_257 = tpu.memref_slice %arg23[%add3A_16, %dma_start3A_256] : memref<10240x64xbf16, #tpu.memory_space<vmem_shared>> -> memref<80x64xbf16, #tpu.memory_space<vmem_shared>>
      tpu.enqueue_dma source(%arg22 : memref<80x64xbf16, #tpu.memory_space<vmem>>) target(%dma_start3A_257 : memref<80x64xbf16, #tpu.memory_space<vmem_shared>>) target_semaphore(%run_scoped3A : memref<!tpu.dma_semaphore, #tpu.memory_space<semaphore_mem>>)
      %dma_wait3A_258 = arith.constant 0 : i32
      %dma_wait3A_259 = tpu.memref_slice %arg23[%add3A_16, %dma_wait3A_258] : memref<10240x64xbf16, #tpu.memory_space<vmem_shared>> -> memref<80x64xbf16, #tpu.memory_space<vmem_shared>>
      %dma_wait3A_260 = arith.constant 0 : i32
      %dma_wait3A_261 = tpu.memref_slice %arg23[%add3A_16, %dma_wait3A_260] : memref<10240x64xbf16, #tpu.memory_space<vmem_shared>> -> memref<80x64xbf16, #tpu.memory_space<vmem_shared>>
      tpu.wait_dma2 semaphore(%run_scoped3A : memref<!tpu.dma_semaphore, #tpu.memory_space<semaphore_mem>>) src(%arg22 : memref<80x64xbf16, #tpu.memory_space<vmem>>) dst(%dma_wait3A_261 : memref<80x64xbf16, #tpu.memory_space<vmem_shared>>)
      tpu.yield
    }) : () -> ()
    %add3A_17 = arith.constant 320 : i32
    %add3A_18 = arith.addi %mul3A_2, %add3A_17 : i32
    "tpu.region"() ({
      %run_scoped3A = tpu.sem_alloc : memref<!tpu.dma_semaphore, #tpu.memory_space<semaphore_mem>>
      %dma_start3A_254 = arith.constant 0 : i32
      %dma_start3A_255 = tpu.memref_slice %arg23[%add3A_18, %dma_start3A_254] : memref<10240x64xbf16, #tpu.memory_space<vmem_shared>> -> memref<80x64xbf16, #tpu.memory_space<vmem_shared>>
      %dma_start3A_256 = arith.constant 0 : i32
      %dma_start3A_257 = tpu.memref_slice %arg23[%add3A_18, %dma_start3A_256] : memref<10240x64xbf16, #tpu.memory_space<vmem_shared>> -> memref<80x64xbf16, #tpu.memory_space<vmem_shared>>
      tpu.enqueue_dma source(%arg22 : memref<80x64xbf16, #tpu.memory_space<vmem>>) target(%dma_start3A_257 : memref<80x64xbf16, #tpu.memory_space<vmem_shared>>) target_semaphore(%run_scoped3A : memref<!tpu.dma_semaphore, #tpu.memory_space<semaphore_mem>>)
      %dma_wait3A_258 = arith.constant 0 : i32
      %dma_wait3A_259 = tpu.memref_slice %arg23[%add3A_18, %dma_wait3A_258] : memref<10240x64xbf16, #tpu.memory_space<vmem_shared>> -> memref<80x64xbf16, #tpu.memory_space<vmem_shared>>
      %dma_wait3A_260 = arith.constant 0 : i32
      %dma_wait3A_261 = tpu.memref_slice %arg23[%add3A_18, %dma_wait3A_260] : memref<10240x64xbf16, #tpu.memory_space<vmem_shared>> -> memref<80x64xbf16, #tpu.memory_space<vmem_shared>>
      tpu.wait_dma2 semaphore(%run_scoped3A : memref<!tpu.dma_semaphore, #tpu.memory_space<semaphore_mem>>) src(%arg22 : memref<80x64xbf16, #tpu.memory_space<vmem>>) dst(%dma_wait3A_261 : memref<80x64xbf16, #tpu.memory_space<vmem_shared>>)
      tpu.yield
    }) : () -> ()
    %add3A_19 = arith.constant 400 : i32
    %add3A_20 = arith.addi %mul3A_2, %add3A_19 : i32
    "tpu.region"() ({
      %run_scoped3A = tpu.sem_alloc : memref<!tpu.dma_semaphore, #tpu.memory_space<semaphore_mem>>
      %dma_start3A_254 = arith.constant 0 : i32
      %dma_start3A_255 = tpu.memref_slice %arg23[%add3A_20, %dma_start3A_254] : memref<10240x64xbf16, #tpu.memory_space<vmem_shared>> -> memref<80x64xbf16, #tpu.memory_space<vmem_shared>>
      %dma_start3A_256 = arith.constant 0 : i32
      %dma_start3A_257 = tpu.memref_slice %arg23[%add3A_20, %dma_start3A_256] : memref<10240x64xbf16, #tpu.memory_space<vmem_shared>> -> memref<80x64xbf16, #tpu.memory_space<vmem_shared>>
      tpu.enqueue_dma source(%arg22 : memref<80x64xbf16, #tpu.memory_space<vmem>>) target(%dma_start3A_257 : memref<80x64xbf16, #tpu.memory_space<vmem_shared>>) target_semaphore(%run_scoped3A : memref<!tpu.dma_semaphore, #tpu.memory_space<semaphore_mem>>)
      %dma_wait3A_258 = arith.constant 0 : i32
      %dma_wait3A_259 = tpu.memref_slice %arg23[%add3A_20, %dma_wait3A_258] : memref<10240x64xbf16, #tpu.memory_space<vmem_shared>> -> memref<80x64xbf16, #tpu.memory_space<vmem_shared>>
      %dma_wait3A_260 = arith.constant 0 : i32
      %dma_wait3A_261 = tpu.memref_slice %arg23[%add3A_20, %dma_wait3A_260] : memref<10240x64xbf16, #tpu.memory_space<vmem_shared>> -> memref<80x64xbf16, #tpu.memory_space<vmem_shared>>
      tpu.wait_dma2 semaphore(%run_scoped3A : memref<!tpu.dma_semaphore, #tpu.memory_space<semaphore_mem>>) src(%arg22 : memref<80x64xbf16, #tpu.memory_space<vmem>>) dst(%dma_wait3A_261 : memref<80x64xbf16, #tpu.memory_space<vmem_shared>>)
      tpu.yield
    }) : () -> ()
    %add3A_21 = arith.constant 480 : i32
    %add3A_22 = arith.addi %mul3A_2, %add3A_21 : i32
    "tpu.region"() ({
      %run_scoped3A = tpu.sem_alloc : memref<!tpu.dma_semaphore, #tpu.memory_space<semaphore_mem>>
      %dma_start3A_254 = arith.constant 0 : i32
      %dma_start3A_255 = tpu.memref_slice %arg23[%add3A_22, %dma_start3A_254] : memref<10240x64xbf16, #tpu.memory_space<vmem_shared>> -> memref<80x64xbf16, #tpu.memory_space<vmem_shared>>
      %dma_start3A_256 = arith.constant 0 : i32
      %dma_start3A_257 = tpu.memref_slice %arg23[%add3A_22, %dma_start3A_256] : memref<10240x64xbf16, #tpu.memory_space<vmem_shared>> -> memref<80x64xbf16, #tpu.memory_space<vmem_shared>>
      tpu.enqueue_dma source(%arg22 : memref<80x64xbf16, #tpu.memory_space<vmem>>) target(%dma_start3A_257 : memref<80x64xbf16, #tpu.memory_space<vmem_shared>>) target_semaphore(%run_scoped3A : memref<!tpu.dma_semaphore, #tpu.memory_space<semaphore_mem>>)
      %dma_wait3A_258 = arith.constant 0 : i32
      %dma_wait3A_259 = tpu.memref_slice %arg23[%add3A_22, %dma_wait3A_258] : memref<10240x64xbf16, #tpu.memory_space<vmem_shared>> -> memref<80x64xbf16, #tpu.memory_space<vmem_shared>>
      %dma_wait3A_260 = arith.constant 0 : i32
      %dma_wait3A_261 = tpu.memref_slice %arg23[%add3A_22, %dma_wait3A_260] : memref<10240x64xbf16, #tpu.memory_space<vmem_shared>> -> memref<80x64xbf16, #tpu.memory_space<vmem_shared>>
      tpu.wait_dma2 semaphore(%run_scoped3A : memref<!tpu.dma_semaphore, #tpu.memory_space<semaphore_mem>>) src(%arg22 : memref<80x64xbf16, #tpu.memory_space<vmem>>) dst(%dma_wait3A_261 : memref<80x64xbf16, #tpu.memory_space<vmem_shared>>)
      tpu.yield
    }) : () -> ()
    %add3A_23 = arith.constant 560 : i32
    %add3A_24 = arith.addi %mul3A_2, %add3A_23 : i32
    "tpu.region"() ({
      %run_scoped3A = tpu.sem_alloc : memref<!tpu.dma_semaphore, #tpu.memory_space<semaphore_mem>>
      %dma_start3A_254 = arith.constant 0 : i32
      %dma_start3A_255 = tpu.memref_slice %arg23[%add3A_24, %dma_start3A_254] : memref<10240x64xbf16, #tpu.memory_space<vmem_shared>> -> memref<80x64xbf16, #tpu.memory_space<vmem_shared>>
      %dma_start3A_256 = arith.constant 0 : i32
      %dma_start3A_257 = tpu.memref_slice %arg23[%add3A_24, %dma_start3A_256] : memref<10240x64xbf16, #tpu.memory_space<vmem_shared>> -> memref<80x64xbf16, #tpu.memory_space<vmem_shared>>
      tpu.enqueue_dma source(%arg22 : memref<80x64xbf16, #tpu.memory_space<vmem>>) target(%dma_start3A_257 : memref<80x64xbf16, #tpu.memory_space<vmem_shared>>) target_semaphore(%run_scoped3A : memref<!tpu.dma_semaphore, #tpu.memory_space<semaphore_mem>>)
      %dma_wait3A_258 = arith.constant 0 : i32
      %dma_wait3A_259 = tpu.memref_slice %arg23[%add3A_24, %dma_wait3A_258] : memref<10240x64xbf16, #tpu.memory_space<vmem_shared>> -> memref<80x64xbf16, #tpu.memory_space<vmem_shared>>
      %dma_wait3A_260 = arith.constant 0 : i32
      %dma_wait3A_261 = tpu.memref_slice %arg23[%add3A_24, %dma_wait3A_260] : memref<10240x64xbf16, #tpu.memory_space<vmem_shared>> -> memref<80x64xbf16, #tpu.memory_space<vmem_shared>>
      tpu.wait_dma2 semaphore(%run_scoped3A : memref<!tpu.dma_semaphore, #tpu.memory_space<semaphore_mem>>) src(%arg22 : memref<80x64xbf16, #tpu.memory_space<vmem>>) dst(%dma_wait3A_261 : memref<80x64xbf16, #tpu.memory_space<vmem_shared>>)
      tpu.yield
    }) : () -> ()
    "tpu.region"() ({
      %run_scoped3A = tpu.sem_alloc : memref<!tpu.dma_semaphore, #tpu.memory_space<semaphore_mem>>
      %dma_start3A_254 = arith.constant 0 : i32
      %dma_start3A_255 = arith.constant 0 : i32
      %dma_start3A_256 = tpu.memref_slice %arg3[%add3A, %dma_start3A_254, %dma_start3A_255] : memref<32x80x128xi32, #tpu.memory_space<hbm>> -> memref<1x80x128xi32, #tpu.memory_space<hbm>>
      %dma_start3A_257 = tpu.memref_squeeze %dma_start3A_256 : memref<1x80x128xi32, #tpu.memory_space<hbm>> -> memref<80x128xi32, #tpu.memory_space<hbm>>
      %dma_start3A_258 = arith.constant 0 : i32
      %dma_start3A_259 = arith.constant 0 : i32
      %dma_start3A_260 = tpu.memref_slice %arg3[%add3A, %dma_start3A_258, %dma_start3A_259] : memref<32x80x128xi32, #tpu.memory_space<hbm>> -> memref<1x80x128xi32, #tpu.memory_space<hbm>>
      %dma_start3A_261 = tpu.memref_squeeze %dma_start3A_260 : memref<1x80x128xi32, #tpu.memory_space<hbm>> -> memref<80x128xi32, #tpu.memory_space<hbm>>
      tpu.enqueue_dma source(%dma_start3A_261 : memref<80x128xi32, #tpu.memory_space<hbm>>) target(%arg6 : memref<80x128xi32, #tpu.memory_space<vmem>>) target_semaphore(%run_scoped3A : memref<!tpu.dma_semaphore, #tpu.memory_space<semaphore_mem>>)
      %dma_wait3A_262 = arith.constant 0 : i32
      %dma_wait3A_263 = arith.constant 0 : i32
      %dma_wait3A_264 = tpu.memref_slice %arg3[%add3A, %dma_wait3A_262, %dma_wait3A_263] : memref<32x80x128xi32, #tpu.memory_space<hbm>> -> memref<1x80x128xi32, #tpu.memory_space<hbm>>
      %dma_wait3A_265 = tpu.memref_squeeze %dma_wait3A_264 : memref<1x80x128xi32, #tpu.memory_space<hbm>> -> memref<80x128xi32, #tpu.memory_space<hbm>>
      %dma_wait3A_266 = arith.constant 0 : i32
      %dma_wait3A_267 = arith.constant 0 : i32
      %dma_wait3A_268 = tpu.memref_slice %arg3[%add3A, %dma_wait3A_266, %dma_wait3A_267] : memref<32x80x128xi32, #tpu.memory_space<hbm>> -> memref<1x80x128xi32, #tpu.memory_space<hbm>>
      %dma_wait3A_269 = tpu.memref_squeeze %dma_wait3A_268 : memref<1x80x128xi32, #tpu.memory_space<hbm>> -> memref<80x128xi32, #tpu.memory_space<hbm>>
      tpu.wait_dma2 semaphore(%run_scoped3A : memref<!tpu.dma_semaphore, #tpu.memory_space<semaphore_mem>>) src(%dma_wait3A_269 : memref<80x128xi32, #tpu.memory_space<hbm>>) dst(%arg6 : memref<80x128xi32, #tpu.memory_space<vmem>>)
      tpu.yield
    }) : () -> ()
    "tpu.region"() ({
      %run_scoped3A = tpu.sem_alloc : memref<!tpu.dma_semaphore, #tpu.memory_space<semaphore_mem>>
      %dma_start3A_254 = arith.constant 0 : i32
      %dma_start3A_255 = arith.constant 0 : i32
      %dma_start3A_256 = tpu.memref_slice %arg4[%add3A, %dma_start3A_254, %dma_start3A_255] : memref<32x80x128xi32, #tpu.memory_space<hbm>> -> memref<1x80x128xi32, #tpu.memory_space<hbm>>
      %dma_start3A_257 = tpu.memref_squeeze %dma_start3A_256 : memref<1x80x128xi32, #tpu.memory_space<hbm>> -> memref<80x128xi32, #tpu.memory_space<hbm>>
      %dma_start3A_258 = arith.constant 0 : i32
      %dma_start3A_259 = arith.constant 0 : i32
      %dma_start3A_260 = tpu.memref_slice %arg4[%add3A, %dma_start3A_258, %dma_start3A_259] : memref<32x80x128xi32, #tpu.memory_space<hbm>> -> memref<1x80x128xi32, #tpu.memory_space<hbm>>
      %dma_start3A_261 = tpu.memref_squeeze %dma_start3A_260 : memref<1x80x128xi32, #tpu.memory_space<hbm>> -> memref<80x128xi32, #tpu.memory_space<hbm>>
      tpu.enqueue_dma source(%dma_start3A_261 : memref<80x128xi32, #tpu.memory_space<hbm>>) target(%arg7 : memref<80x128xi32, #tpu.memory_space<vmem>>) target_semaphore(%run_scoped3A : memref<!tpu.dma_semaphore, #tpu.memory_space<semaphore_mem>>)
      %dma_wait3A_262 = arith.constant 0 : i32
      %dma_wait3A_263 = arith.constant 0 : i32
      %dma_wait3A_264 = tpu.memref_slice %arg4[%add3A, %dma_wait3A_262, %dma_wait3A_263] : memref<32x80x128xi32, #tpu.memory_space<hbm>> -> memref<1x80x128xi32, #tpu.memory_space<hbm>>
      %dma_wait3A_265 = tpu.memref_squeeze %dma_wait3A_264 : memref<1x80x128xi32, #tpu.memory_space<hbm>> -> memref<80x128xi32, #tpu.memory_space<hbm>>
      %dma_wait3A_266 = arith.constant 0 : i32
      %dma_wait3A_267 = arith.constant 0 : i32
      %dma_wait3A_268 = tpu.memref_slice %arg4[%add3A, %dma_wait3A_266, %dma_wait3A_267] : memref<32x80x128xi32, #tpu.memory_space<hbm>> -> memref<1x80x128xi32, #tpu.memory_space<hbm>>
      %dma_wait3A_269 = tpu.memref_squeeze %dma_wait3A_268 : memref<1x80x128xi32, #tpu.memory_space<hbm>> -> memref<80x128xi32, #tpu.memory_space<hbm>>
      tpu.wait_dma2 semaphore(%run_scoped3A : memref<!tpu.dma_semaphore, #tpu.memory_space<semaphore_mem>>) src(%dma_wait3A_269 : memref<80x128xi32, #tpu.memory_space<hbm>>) dst(%arg7 : memref<80x128xi32, #tpu.memory_space<vmem>>)
      tpu.yield
    }) : () -> ()
    %dma_start3A = arith.constant 0 : i32
    %dma_start3A_25 = arith.constant 0 : i32
    %dma_start3A_26 = tpu.memref_slice %arg6[%dma_start3A, %dma_start3A_25] : memref<80x128xi32, #tpu.memory_space<vmem>> -> memref<1x128xi32, #tpu.memory_space<vmem>>
    %dma_start3A_27 = tpu.memref_squeeze %dma_start3A_26 : memref<1x128xi32, #tpu.memory_space<vmem>> -> memref<128xi32, #tpu.memory_space<vmem>>
    %dma_start3A_28 = arith.constant 0 : i32
    %dma_start3A_29 = arith.constant 0 : i32
    %dma_start3A_30 = tpu.memref_slice %arg2[%dma_start3A_28, %dma_start3A_29] : memref<10000x64xbf16, #tpu.memory_space<hbm>> -> memref<10000x64xbf16, #tpu.memory_space<hbm>>
    tpu.enqueue_indirect_dma source(%dma_start3A_30 : memref<10000x64xbf16, #tpu.memory_space<hbm>>) target(%arg8 : memref<128x64xbf16, #tpu.memory_space<vmem>>) offsets(%dma_start3A_27 : memref<128xi32, #tpu.memory_space<vmem>>) semaphore(%arg14 : memref<!tpu.dma_semaphore, #tpu.memory_space<semaphore_mem>>)
    %dma_start3A_31 = arith.constant 1 : i32
    %dma_start3A_32 = arith.constant 0 : i32
    %dma_start3A_33 = tpu.memref_slice %arg6[%dma_start3A_31, %dma_start3A_32] : memref<80x128xi32, #tpu.memory_space<vmem>> -> memref<1x128xi32, #tpu.memory_space<vmem>>
    %dma_start3A_34 = tpu.memref_squeeze %dma_start3A_33 : memref<1x128xi32, #tpu.memory_space<vmem>> -> memref<128xi32, #tpu.memory_space<vmem>>
    %dma_start3A_35 = arith.constant 0 : i32
    %dma_start3A_36 = arith.constant 0 : i32
    %dma_start3A_37 = tpu.memref_slice %arg2[%dma_start3A_35, %dma_start3A_36] : memref<10000x64xbf16, #tpu.memory_space<hbm>> -> memref<10000x64xbf16, #tpu.memory_space<hbm>>
    tpu.enqueue_indirect_dma source(%dma_start3A_37 : memref<10000x64xbf16, #tpu.memory_space<hbm>>) target(%arg9 : memref<128x64xbf16, #tpu.memory_space<vmem>>) offsets(%dma_start3A_34 : memref<128xi32, #tpu.memory_space<vmem>>) semaphore(%arg15 : memref<!tpu.dma_semaphore, #tpu.memory_space<semaphore_mem>>)
    %dma_start3A_38 = arith.constant 2 : i32
    %dma_start3A_39 = arith.constant 0 : i32
    %dma_start3A_40 = tpu.memref_slice %arg6[%dma_start3A_38, %dma_start3A_39] : memref<80x128xi32, #tpu.memory_space<vmem>> -> memref<1x128xi32, #tpu.memory_space<vmem>>
    %dma_start3A_41 = tpu.memref_squeeze %dma_start3A_40 : memref<1x128xi32, #tpu.memory_space<vmem>> -> memref<128xi32, #tpu.memory_space<vmem>>
    %dma_start3A_42 = arith.constant 0 : i32
    %dma_start3A_43 = arith.constant 0 : i32
    %dma_start3A_44 = tpu.memref_slice %arg2[%dma_start3A_42, %dma_start3A_43] : memref<10000x64xbf16, #tpu.memory_space<hbm>> -> memref<10000x64xbf16, #tpu.memory_space<hbm>>
    tpu.enqueue_indirect_dma source(%dma_start3A_44 : memref<10000x64xbf16, #tpu.memory_space<hbm>>) target(%arg10 : memref<128x64xbf16, #tpu.memory_space<vmem>>) offsets(%dma_start3A_41 : memref<128xi32, #tpu.memory_space<vmem>>) semaphore(%arg16 : memref<!tpu.dma_semaphore, #tpu.memory_space<semaphore_mem>>)
    %dma_start3A_45 = arith.constant 3 : i32
    %dma_start3A_46 = arith.constant 0 : i32
    %dma_start3A_47 = tpu.memref_slice %arg6[%dma_start3A_45, %dma_start3A_46] : memref<80x128xi32, #tpu.memory_space<vmem>> -> memref<1x128xi32, #tpu.memory_space<vmem>>
    %dma_start3A_48 = tpu.memref_squeeze %dma_start3A_47 : memref<1x128xi32, #tpu.memory_space<vmem>> -> memref<128xi32, #tpu.memory_space<vmem>>
    %dma_start3A_49 = arith.constant 0 : i32
    %dma_start3A_50 = arith.constant 0 : i32
    %dma_start3A_51 = tpu.memref_slice %arg2[%dma_start3A_49, %dma_start3A_50] : memref<10000x64xbf16, #tpu.memory_space<hbm>> -> memref<10000x64xbf16, #tpu.memory_space<hbm>>
    tpu.enqueue_indirect_dma source(%dma_start3A_51 : memref<10000x64xbf16, #tpu.memory_space<hbm>>) target(%arg11 : memref<128x64xbf16, #tpu.memory_space<vmem>>) offsets(%dma_start3A_48 : memref<128xi32, #tpu.memory_space<vmem>>) semaphore(%arg17 : memref<!tpu.dma_semaphore, #tpu.memory_space<semaphore_mem>>)
    %barrier3A = arith.constant 0 : index
    tpu.barrier barrier_id(%barrier3A)
    %dma_wait3A = arith.constant 0 : i32
    %dma_wait3A_52 = arith.constant 0 : i32
    %dma_wait3A_53 = tpu.memref_slice %arg6[%dma_wait3A, %dma_wait3A_52] : memref<80x128xi32, #tpu.memory_space<vmem>> -> memref<1x128xi32, #tpu.memory_space<vmem>>
    %dma_wait3A_54 = tpu.memref_squeeze %dma_wait3A_53 : memref<1x128xi32, #tpu.memory_space<vmem>> -> memref<128xi32, #tpu.memory_space<vmem>>
    %dma_wait3A_55 = arith.constant 0 : i32
    %dma_wait3A_56 = arith.constant 0 : i32
    %dma_wait3A_57 = tpu.memref_slice %arg2[%dma_wait3A_55, %dma_wait3A_56] : memref<10000x64xbf16, #tpu.memory_space<hbm>> -> memref<10000x64xbf16, #tpu.memory_space<hbm>>
    tpu.wait_indirect_dma semaphore(%arg14 : memref<!tpu.dma_semaphore, #tpu.memory_space<semaphore_mem>>) src(%dma_wait3A_57 : memref<10000x64xbf16, #tpu.memory_space<hbm>>) dst(%arg8 : memref<128x64xbf16, #tpu.memory_space<vmem>>)
    %dma_start3A_58 = arith.constant 0 : i32
    %dma_start3A_59 = arith.constant 0 : i32
    %dma_start3A_60 = tpu.memref_slice %arg7[%dma_start3A_58, %dma_start3A_59] : memref<80x128xi32, #tpu.memory_space<vmem>> -> memref<1x128xi32, #tpu.memory_space<vmem>>
    %dma_start3A_61 = tpu.memref_squeeze %dma_start3A_60 : memref<1x128xi32, #tpu.memory_space<vmem>> -> memref<128xi32, #tpu.memory_space<vmem>>
    %dma_start3A_62 = arith.constant 0 : i32
    %dma_start3A_63 = arith.constant 0 : i32
    %dma_start3A_64 = tpu.memref_slice %arg23[%dma_start3A_62, %dma_start3A_63] : memref<10240x64xbf16, #tpu.memory_space<vmem_shared>> -> memref<10240x64xbf16, #tpu.memory_space<vmem_shared>>
    tpu.enqueue_indirect_dma source(%arg8 : memref<128x64xbf16, #tpu.memory_space<vmem>>) target(%dma_start3A_64 : memref<10240x64xbf16, #tpu.memory_space<vmem_shared>>) offsets(%dma_start3A_61 : memref<128xi32, #tpu.memory_space<vmem>>) semaphore(%arg20 : memref<!tpu.dma_semaphore, #tpu.memory_space<semaphore_mem>>) {add = true}
    %dma_start3A_65 = arith.constant 4 : i32
    %dma_start3A_66 = arith.constant 0 : i32
    %dma_start3A_67 = tpu.memref_slice %arg6[%dma_start3A_65, %dma_start3A_66] : memref<80x128xi32, #tpu.memory_space<vmem>> -> memref<1x128xi32, #tpu.memory_space<vmem>>
    %dma_start3A_68 = tpu.memref_squeeze %dma_start3A_67 : memref<1x128xi32, #tpu.memory_space<vmem>> -> memref<128xi32, #tpu.memory_space<vmem>>
    %dma_start3A_69 = arith.constant 0 : i32
    %dma_start3A_70 = arith.constant 0 : i32
    %dma_start3A_71 = tpu.memref_slice %arg2[%dma_start3A_69, %dma_start3A_70] : memref<10000x64xbf16, #tpu.memory_space<hbm>> -> memref<10000x64xbf16, #tpu.memory_space<hbm>>
    tpu.enqueue_indirect_dma source(%dma_start3A_71 : memref<10000x64xbf16, #tpu.memory_space<hbm>>) target(%arg12 : memref<128x64xbf16, #tpu.memory_space<vmem>>) offsets(%dma_start3A_68 : memref<128xi32, #tpu.memory_space<vmem>>) semaphore(%arg18 : memref<!tpu.dma_semaphore, #tpu.memory_space<semaphore_mem>>)
    %dma_wait3A_72 = arith.constant 1 : i32
    %dma_wait3A_73 = arith.constant 0 : i32
    %dma_wait3A_74 = tpu.memref_slice %arg6[%dma_wait3A_72, %dma_wait3A_73] : memref<80x128xi32, #tpu.memory_space<vmem>> -> memref<1x128xi32, #tpu.memory_space<vmem>>
    %dma_wait3A_75 = tpu.memref_squeeze %dma_wait3A_74 : memref<1x128xi32, #tpu.memory_space<vmem>> -> memref<128xi32, #tpu.memory_space<vmem>>
    %dma_wait3A_76 = arith.constant 0 : i32
    %dma_wait3A_77 = arith.constant 0 : i32
    %dma_wait3A_78 = tpu.memref_slice %arg2[%dma_wait3A_76, %dma_wait3A_77] : memref<10000x64xbf16, #tpu.memory_space<hbm>> -> memref<10000x64xbf16, #tpu.memory_space<hbm>>
    tpu.wait_indirect_dma semaphore(%arg15 : memref<!tpu.dma_semaphore, #tpu.memory_space<semaphore_mem>>) src(%dma_wait3A_78 : memref<10000x64xbf16, #tpu.memory_space<hbm>>) dst(%arg9 : memref<128x64xbf16, #tpu.memory_space<vmem>>)
    %dma_start3A_79 = arith.constant 1 : i32
    %dma_start3A_80 = arith.constant 0 : i32
    %dma_start3A_81 = tpu.memref_slice %arg7[%dma_start3A_79, %dma_start3A_80] : memref<80x128xi32, #tpu.memory_space<vmem>> -> memref<1x128xi32, #tpu.memory_space<vmem>>
    %dma_start3A_82 = tpu.memref_squeeze %dma_start3A_81 : memref<1x128xi32, #tpu.memory_space<vmem>> -> memref<128xi32, #tpu.memory_space<vmem>>
    %dma_start3A_83 = arith.constant 0 : i32
    %dma_start3A_84 = arith.constant 0 : i32
    %dma_start3A_85 = tpu.memref_slice %arg23[%dma_start3A_83, %dma_start3A_84] : memref<10240x64xbf16, #tpu.memory_space<vmem_shared>> -> memref<10240x64xbf16, #tpu.memory_space<vmem_shared>>
    tpu.enqueue_indirect_dma source(%arg9 : memref<128x64xbf16, #tpu.memory_space<vmem>>) target(%dma_start3A_85 : memref<10240x64xbf16, #tpu.memory_space<vmem_shared>>) offsets(%dma_start3A_82 : memref<128xi32, #tpu.memory_space<vmem>>) semaphore(%arg21 : memref<!tpu.dma_semaphore, #tpu.memory_space<semaphore_mem>>) {add = true}
    %dma_start3A_86 = arith.constant 5 : i32
    %dma_start3A_87 = arith.constant 0 : i32
    %dma_start3A_88 = tpu.memref_slice %arg6[%dma_start3A_86, %dma_start3A_87] : memref<80x128xi32, #tpu.memory_space<vmem>> -> memref<1x128xi32, #tpu.memory_space<vmem>>
    %dma_start3A_89 = tpu.memref_squeeze %dma_start3A_88 : memref<1x128xi32, #tpu.memory_space<vmem>> -> memref<128xi32, #tpu.memory_space<vmem>>
    %dma_start3A_90 = arith.constant 0 : i32
    %dma_start3A_91 = arith.constant 0 : i32
    %dma_start3A_92 = tpu.memref_slice %arg2[%dma_start3A_90, %dma_start3A_91] : memref<10000x64xbf16, #tpu.memory_space<hbm>> -> memref<10000x64xbf16, #tpu.memory_space<hbm>>
    tpu.enqueue_indirect_dma source(%dma_start3A_92 : memref<10000x64xbf16, #tpu.memory_space<hbm>>) target(%arg13 : memref<128x64xbf16, #tpu.memory_space<vmem>>) offsets(%dma_start3A_89 : memref<128xi32, #tpu.memory_space<vmem>>) semaphore(%arg19 : memref<!tpu.dma_semaphore, #tpu.memory_space<semaphore_mem>>)
    %dma_wait3A_93 = arith.constant 2 : i32
    %dma_wait3A_94 = arith.constant 0 : i32
    %dma_wait3A_95 = tpu.memref_slice %arg6[%dma_wait3A_93, %dma_wait3A_94] : memref<80x128xi32, #tpu.memory_space<vmem>> -> memref<1x128xi32, #tpu.memory_space<vmem>>
    %dma_wait3A_96 = tpu.memref_squeeze %dma_wait3A_95 : memref<1x128xi32, #tpu.memory_space<vmem>> -> memref<128xi32, #tpu.memory_space<vmem>>
    %dma_wait3A_97 = arith.constant 0 : i32
    %dma_wait3A_98 = arith.constant 0 : i32
    %dma_wait3A_99 = tpu.memref_slice %arg2[%dma_wait3A_97, %dma_wait3A_98] : memref<10000x64xbf16, #tpu.memory_space<hbm>> -> memref<10000x64xbf16, #tpu.memory_space<hbm>>
    tpu.wait_indirect_dma semaphore(%arg16 : memref<!tpu.dma_semaphore, #tpu.memory_space<semaphore_mem>>) src(%dma_wait3A_99 : memref<10000x64xbf16, #tpu.memory_space<hbm>>) dst(%arg10 : memref<128x64xbf16, #tpu.memory_space<vmem>>)
    %dma_wait3A_100 = arith.constant 0 : i32
    %dma_wait3A_101 = arith.constant 0 : i32
    %dma_wait3A_102 = tpu.memref_slice %arg7[%dma_wait3A_100, %dma_wait3A_101] : memref<80x128xi32, #tpu.memory_space<vmem>> -> memref<1x128xi32, #tpu.memory_space<vmem>>
    %dma_wait3A_103 = tpu.memref_squeeze %dma_wait3A_102 : memref<1x128xi32, #tpu.memory_space<vmem>> -> memref<128xi32, #tpu.memory_space<vmem>>
    %dma_wait3A_104 = arith.constant 0 : i32
    %dma_wait3A_105 = arith.constant 0 : i32
    %dma_wait3A_106 = tpu.memref_slice %arg23[%dma_wait3A_104, %dma_wait3A_105] : memref<10240x64xbf16, #tpu.memory_space<vmem_shared>> -> memref<10240x64xbf16, #tpu.memory_space<vmem_shared>>
    tpu.wait_indirect_dma semaphore(%arg20 : memref<!tpu.dma_semaphore, #tpu.memory_space<semaphore_mem>>) src(%arg8 : memref<128x64xbf16, #tpu.memory_space<vmem>>) dst(%dma_wait3A_106 : memref<10240x64xbf16, #tpu.memory_space<vmem_shared>>)
    %dma_start3A_107 = arith.constant 2 : i32
    %dma_start3A_108 = arith.constant 0 : i32
    %dma_start3A_109 = tpu.memref_slice %arg7[%dma_start3A_107, %dma_start3A_108] : memref<80x128xi32, #tpu.memory_space<vmem>> -> memref<1x128xi32, #tpu.memory_space<vmem>>
    %dma_start3A_110 = tpu.memref_squeeze %dma_start3A_109 : memref<1x128xi32, #tpu.memory_space<vmem>> -> memref<128xi32, #tpu.memory_space<vmem>>
    %dma_start3A_111 = arith.constant 0 : i32
    %dma_start3A_112 = arith.constant 0 : i32
    %dma_start3A_113 = tpu.memref_slice %arg23[%dma_start3A_111, %dma_start3A_112] : memref<10240x64xbf16, #tpu.memory_space<vmem_shared>> -> memref<10240x64xbf16, #tpu.memory_space<vmem_shared>>
    tpu.enqueue_indirect_dma source(%arg10 : memref<128x64xbf16, #tpu.memory_space<vmem>>) target(%dma_start3A_113 : memref<10240x64xbf16, #tpu.memory_space<vmem_shared>>) offsets(%dma_start3A_110 : memref<128xi32, #tpu.memory_space<vmem>>) semaphore(%arg20 : memref<!tpu.dma_semaphore, #tpu.memory_space<semaphore_mem>>) {add = true}
    %dma_start3A_114 = arith.constant 6 : i32
    %dma_start3A_115 = arith.constant 0 : i32
    %dma_start3A_116 = tpu.memref_slice %arg6[%dma_start3A_114, %dma_start3A_115] : memref<80x128xi32, #tpu.memory_space<vmem>> -> memref<1x128xi32, #tpu.memory_space<vmem>>
    %dma_start3A_117 = tpu.memref_squeeze %dma_start3A_116 : memref<1x128xi32, #tpu.memory_space<vmem>> -> memref<128xi32, #tpu.memory_space<vmem>>
    %dma_start3A_118 = arith.constant 0 : i32
    %dma_start3A_119 = arith.constant 0 : i32
    %dma_start3A_120 = tpu.memref_slice %arg2[%dma_start3A_118, %dma_start3A_119] : memref<10000x64xbf16, #tpu.memory_space<hbm>> -> memref<10000x64xbf16, #tpu.memory_space<hbm>>
    tpu.enqueue_indirect_dma source(%dma_start3A_120 : memref<10000x64xbf16, #tpu.memory_space<hbm>>) target(%arg8 : memref<128x64xbf16, #tpu.memory_space<vmem>>) offsets(%dma_start3A_117 : memref<128xi32, #tpu.memory_space<vmem>>) semaphore(%arg14 : memref<!tpu.dma_semaphore, #tpu.memory_space<semaphore_mem>>)
    %dma_wait3A_121 = arith.constant 3 : i32
    %dma_wait3A_122 = arith.constant 0 : i32
    %dma_wait3A_123 = tpu.memref_slice %arg6[%dma_wait3A_121, %dma_wait3A_122] : memref<80x128xi32, #tpu.memory_space<vmem>> -> memref<1x128xi32, #tpu.memory_space<vmem>>
    %dma_wait3A_124 = tpu.memref_squeeze %dma_wait3A_123 : memref<1x128xi32, #tpu.memory_space<vmem>> -> memref<128xi32, #tpu.memory_space<vmem>>
    %dma_wait3A_125 = arith.constant 0 : i32
    %dma_wait3A_126 = arith.constant 0 : i32
    %dma_wait3A_127 = tpu.memref_slice %arg2[%dma_wait3A_125, %dma_wait3A_126] : memref<10000x64xbf16, #tpu.memory_space<hbm>> -> memref<10000x64xbf16, #tpu.memory_space<hbm>>
    tpu.wait_indirect_dma semaphore(%arg17 : memref<!tpu.dma_semaphore, #tpu.memory_space<semaphore_mem>>) src(%dma_wait3A_127 : memref<10000x64xbf16, #tpu.memory_space<hbm>>) dst(%arg11 : memref<128x64xbf16, #tpu.memory_space<vmem>>)
    %dma_wait3A_128 = arith.constant 1 : i32
    %dma_wait3A_129 = arith.constant 0 : i32
    %dma_wait3A_130 = tpu.memref_slice %arg7[%dma_wait3A_128, %dma_wait3A_129] : memref<80x128xi32, #tpu.memory_space<vmem>> -> memref<1x128xi32, #tpu.memory_space<vmem>>
    %dma_wait3A_131 = tpu.memref_squeeze %dma_wait3A_130 : memref<1x128xi32, #tpu.memory_space<vmem>> -> memref<128xi32, #tpu.memory_space<vmem>>
    %dma_wait3A_132 = arith.constant 0 : i32
    %dma_wait3A_133 = arith.constant 0 : i32
    %dma_wait3A_134 = tpu.memref_slice %arg23[%dma_wait3A_132, %dma_wait3A_133] : memref<10240x64xbf16, #tpu.memory_space<vmem_shared>> -> memref<10240x64xbf16, #tpu.memory_space<vmem_shared>>
    tpu.wait_indirect_dma semaphore(%arg21 : memref<!tpu.dma_semaphore, #tpu.memory_space<semaphore_mem>>) src(%arg9 : memref<128x64xbf16, #tpu.memory_space<vmem>>) dst(%dma_wait3A_134 : memref<10240x64xbf16, #tpu.memory_space<vmem_shared>>)
    %dma_start3A_135 = arith.constant 3 : i32
    %dma_start3A_136 = arith.constant 0 : i32
    %dma_start3A_137 = tpu.memref_slice %arg7[%dma_start3A_135, %dma_start3A_136] : memref<80x128xi32, #tpu.memory_space<vmem>> -> memref<1x128xi32, #tpu.memory_space<vmem>>
    %dma_start3A_138 = tpu.memref_squeeze %dma_start3A_137 : memref<1x128xi32, #tpu.memory_space<vmem>> -> memref<128xi32, #tpu.memory_space<vmem>>
    %dma_start3A_139 = arith.constant 0 : i32
    %dma_start3A_140 = arith.constant 0 : i32
    %dma_start3A_141 = tpu.memref_slice %arg23[%dma_start3A_139, %dma_start3A_140] : memref<10240x64xbf16, #tpu.memory_space<vmem_shared>> -> memref<10240x64xbf16, #tpu.memory_space<vmem_shared>>
    tpu.enqueue_indirect_dma source(%arg11 : memref<128x64xbf16, #tpu.memory_space<vmem>>) target(%dma_start3A_141 : memref<10240x64xbf16, #tpu.memory_space<vmem_shared>>) offsets(%dma_start3A_138 : memref<128xi32, #tpu.memory_space<vmem>>) semaphore(%arg21 : memref<!tpu.dma_semaphore, #tpu.memory_space<semaphore_mem>>) {add = true}
    %dma_start3A_142 = arith.constant 7 : i32
    %dma_start3A_143 = arith.constant 0 : i32
    %dma_start3A_144 = tpu.memref_slice %arg6[%dma_start3A_142, %dma_start3A_143] : memref<80x128xi32, #tpu.memory_space<vmem>> -> memref<1x128xi32, #tpu.memory_space<vmem>>
    %dma_start3A_145 = tpu.memref_squeeze %dma_start3A_144 : memref<1x128xi32, #tpu.memory_space<vmem>> -> memref<128xi32, #tpu.memory_space<vmem>>
    %dma_start3A_146 = arith.constant 0 : i32
    %dma_start3A_147 = arith.constant 0 : i32
    %dma_start3A_148 = tpu.memref_slice %arg2[%dma_start3A_146, %dma_start3A_147] : memref<10000x64xbf16, #tpu.memory_space<hbm>> -> memref<10000x64xbf16, #tpu.memory_space<hbm>>
    tpu.enqueue_indirect_dma source(%dma_start3A_148 : memref<10000x64xbf16, #tpu.memory_space<hbm>>) target(%arg9 : memref<128x64xbf16, #tpu.memory_space<vmem>>) offsets(%dma_start3A_145 : memref<128xi32, #tpu.memory_space<vmem>>) semaphore(%arg15 : memref<!tpu.dma_semaphore, #tpu.memory_space<semaphore_mem>>)
    %scan3A_149 = arith.constant 0 : i32
    %scan3A_150 = arith.constant 0 : i32
    %scan3A_151 = arith.constant 12 : i32
    %scan3A_152 = arith.addi %scan3A_150, %scan3A_151 : i32
    %scan3A_153 = arith.constant 1 : i32
    scf.for %scan3A_254 = %scan3A_150 to %scan3A_152 step %scan3A_153  : i32 {
      %mul3A_255 = arith.constant 6 : i32
      %mul3A_256 = arith.muli %mul3A_255, %scan3A_254 : i32
      %add3A_257 = arith.constant 4 : i32
      %add3A_258 = arith.addi %add3A_257, %mul3A_256 : i32
      %add3A_259 = arith.constant 0 : i32
      %add3A_260 = arith.addi %add3A_258, %add3A_259 : i32
      %dma_wait3A_261 = arith.constant 0 : i32
      %dma_wait3A_262 = tpu.memref_slice %arg6[%add3A_260, %dma_wait3A_261] : memref<80x128xi32, #tpu.memory_space<vmem>> -> memref<1x128xi32, #tpu.memory_space<vmem>>
      %dma_wait3A_263 = tpu.memref_squeeze %dma_wait3A_262 : memref<1x128xi32, #tpu.memory_space<vmem>> -> memref<128xi32, #tpu.memory_space<vmem>>
      %dma_wait3A_264 = arith.constant 0 : i32
      %dma_wait3A_265 = arith.constant 0 : i32
      %dma_wait3A_266 = tpu.memref_slice %arg2[%dma_wait3A_264, %dma_wait3A_265] : memref<10000x64xbf16, #tpu.memory_space<hbm>> -> memref<10000x64xbf16, #tpu.memory_space<hbm>>
      tpu.wait_indirect_dma semaphore(%arg18 : memref<!tpu.dma_semaphore, #tpu.memory_space<semaphore_mem>>) src(%dma_wait3A_266 : memref<10000x64xbf16, #tpu.memory_space<hbm>>) dst(%arg12 : memref<128x64xbf16, #tpu.memory_space<vmem>>)
      %sub3A = arith.constant 2 : i32
      %sub3A_267 = arith.subi %add3A_260, %sub3A : i32
      %dma_wait3A_268 = arith.constant 0 : i32
      %dma_wait3A_269 = tpu.memref_slice %arg7[%sub3A_267, %dma_wait3A_268] : memref<80x128xi32, #tpu.memory_space<vmem>> -> memref<1x128xi32, #tpu.memory_space<vmem>>
      %dma_wait3A_270 = tpu.memref_squeeze %dma_wait3A_269 : memref<1x128xi32, #tpu.memory_space<vmem>> -> memref<128xi32, #tpu.memory_space<vmem>>
      %dma_wait3A_271 = arith.constant 0 : i32
      %dma_wait3A_272 = arith.constant 0 : i32
      %dma_wait3A_273 = tpu.memref_slice %arg23[%dma_wait3A_271, %dma_wait3A_272] : memref<10240x64xbf16, #tpu.memory_space<vmem_shared>> -> memref<10240x64xbf16, #tpu.memory_space<vmem_shared>>
      tpu.wait_indirect_dma semaphore(%arg20 : memref<!tpu.dma_semaphore, #tpu.memory_space<semaphore_mem>>) src(%arg10 : memref<128x64xbf16, #tpu.memory_space<vmem>>) dst(%dma_wait3A_273 : memref<10240x64xbf16, #tpu.memory_space<vmem_shared>>)
      %dma_start3A_274 = arith.constant 0 : i32
      %dma_start3A_275 = tpu.memref_slice %arg7[%add3A_260, %dma_start3A_274] : memref<80x128xi32, #tpu.memory_space<vmem>> -> memref<1x128xi32, #tpu.memory_space<vmem>>
      %dma_start3A_276 = tpu.memref_squeeze %dma_start3A_275 : memref<1x128xi32, #tpu.memory_space<vmem>> -> memref<128xi32, #tpu.memory_space<vmem>>
      %dma_start3A_277 = arith.constant 0 : i32
      %dma_start3A_278 = arith.constant 0 : i32
      %dma_start3A_279 = tpu.memref_slice %arg23[%dma_start3A_277, %dma_start3A_278] : memref<10240x64xbf16, #tpu.memory_space<vmem_shared>> -> memref<10240x64xbf16, #tpu.memory_space<vmem_shared>>
      tpu.enqueue_indirect_dma source(%arg12 : memref<128x64xbf16, #tpu.memory_space<vmem>>) target(%dma_start3A_279 : memref<10240x64xbf16, #tpu.memory_space<vmem_shared>>) offsets(%dma_start3A_276 : memref<128xi32, #tpu.memory_space<vmem>>) semaphore(%arg20 : memref<!tpu.dma_semaphore, #tpu.memory_space<semaphore_mem>>) {add = true}
      %add3A_280 = arith.constant 4 : i32
      %add3A_281 = arith.addi %add3A_260, %add3A_280 : i32
      %dma_start3A_282 = arith.constant 0 : i32
      %dma_start3A_283 = tpu.memref_slice %arg6[%add3A_281, %dma_start3A_282] : memref<80x128xi32, #tpu.memory_space<vmem>> -> memref<1x128xi32, #tpu.memory_space<vmem>>
      %dma_start3A_284 = tpu.memref_squeeze %dma_start3A_283 : memref<1x128xi32, #tpu.memory_space<vmem>> -> memref<128xi32, #tpu.memory_space<vmem>>
      %dma_start3A_285 = arith.constant 0 : i32
      %dma_start3A_286 = arith.constant 0 : i32
      %dma_start3A_287 = tpu.memref_slice %arg2[%dma_start3A_285, %dma_start3A_286] : memref<10000x64xbf16, #tpu.memory_space<hbm>> -> memref<10000x64xbf16, #tpu.memory_space<hbm>>
      tpu.enqueue_indirect_dma source(%dma_start3A_287 : memref<10000x64xbf16, #tpu.memory_space<hbm>>) target(%arg10 : memref<128x64xbf16, #tpu.memory_space<vmem>>) offsets(%dma_start3A_284 : memref<128xi32, #tpu.memory_space<vmem>>) semaphore(%arg16 : memref<!tpu.dma_semaphore, #tpu.memory_space<semaphore_mem>>)
      %add3A_288 = arith.constant 1 : i32
      %add3A_289 = arith.addi %add3A_258, %add3A_288 : i32
      %dma_wait3A_290 = arith.constant 0 : i32
      %dma_wait3A_291 = tpu.memref_slice %arg6[%add3A_289, %dma_wait3A_290] : memref<80x128xi32, #tpu.memory_space<vmem>> -> memref<1x128xi32, #tpu.memory_space<vmem>>
      %dma_wait3A_292 = tpu.memref_squeeze %dma_wait3A_291 : memref<1x128xi32, #tpu.memory_space<vmem>> -> memref<128xi32, #tpu.memory_space<vmem>>
      %dma_wait3A_293 = arith.constant 0 : i32
      %dma_wait3A_294 = arith.constant 0 : i32
      %dma_wait3A_295 = tpu.memref_slice %arg2[%dma_wait3A_293, %dma_wait3A_294] : memref<10000x64xbf16, #tpu.memory_space<hbm>> -> memref<10000x64xbf16, #tpu.memory_space<hbm>>
      tpu.wait_indirect_dma semaphore(%arg19 : memref<!tpu.dma_semaphore, #tpu.memory_space<semaphore_mem>>) src(%dma_wait3A_295 : memref<10000x64xbf16, #tpu.memory_space<hbm>>) dst(%arg13 : memref<128x64xbf16, #tpu.memory_space<vmem>>)
      %sub3A_296 = arith.constant 2 : i32
      %sub3A_297 = arith.subi %add3A_289, %sub3A_296 : i32
      %dma_wait3A_298 = arith.constant 0 : i32
      %dma_wait3A_299 = tpu.memref_slice %arg7[%sub3A_297, %dma_wait3A_298] : memref<80x128xi32, #tpu.memory_space<vmem>> -> memref<1x128xi32, #tpu.memory_space<vmem>>
      %dma_wait3A_300 = tpu.memref_squeeze %dma_wait3A_299 : memref<1x128xi32, #tpu.memory_space<vmem>> -> memref<128xi32, #tpu.memory_space<vmem>>
      %dma_wait3A_301 = arith.constant 0 : i32
      %dma_wait3A_302 = arith.constant 0 : i32
      %dma_wait3A_303 = tpu.memref_slice %arg23[%dma_wait3A_301, %dma_wait3A_302] : memref<10240x64xbf16, #tpu.memory_space<vmem_shared>> -> memref<10240x64xbf16, #tpu.memory_space<vmem_shared>>
      tpu.wait_indirect_dma semaphore(%arg21 : memref<!tpu.dma_semaphore, #tpu.memory_space<semaphore_mem>>) src(%arg11 : memref<128x64xbf16, #tpu.memory_space<vmem>>) dst(%dma_wait3A_303 : memref<10240x64xbf16, #tpu.memory_space<vmem_shared>>)
      %dma_start3A_304 = arith.constant 0 : i32
      %dma_start3A_305 = tpu.memref_slice %arg7[%add3A_289, %dma_start3A_304] : memref<80x128xi32, #tpu.memory_space<vmem>> -> memref<1x128xi32, #tpu.memory_space<vmem>>
      %dma_start3A_306 = tpu.memref_squeeze %dma_start3A_305 : memref<1x128xi32, #tpu.memory_space<vmem>> -> memref<128xi32, #tpu.memory_space<vmem>>
      %dma_start3A_307 = arith.constant 0 : i32
      %dma_start3A_308 = arith.constant 0 : i32
      %dma_start3A_309 = tpu.memref_slice %arg23[%dma_start3A_307, %dma_start3A_308] : memref<10240x64xbf16, #tpu.memory_space<vmem_shared>> -> memref<10240x64xbf16, #tpu.memory_space<vmem_shared>>
      tpu.enqueue_indirect_dma source(%arg13 : memref<128x64xbf16, #tpu.memory_space<vmem>>) target(%dma_start3A_309 : memref<10240x64xbf16, #tpu.memory_space<vmem_shared>>) offsets(%dma_start3A_306 : memref<128xi32, #tpu.memory_space<vmem>>) semaphore(%arg21 : memref<!tpu.dma_semaphore, #tpu.memory_space<semaphore_mem>>) {add = true}
      %add3A_310 = arith.constant 4 : i32
      %add3A_311 = arith.addi %add3A_289, %add3A_310 : i32
      %dma_start3A_312 = arith.constant 0 : i32
      %dma_start3A_313 = tpu.memref_slice %arg6[%add3A_311, %dma_start3A_312] : memref<80x128xi32, #tpu.memory_space<vmem>> -> memref<1x128xi32, #tpu.memory_space<vmem>>
      %dma_start3A_314 = tpu.memref_squeeze %dma_start3A_313 : memref<1x128xi32, #tpu.memory_space<vmem>> -> memref<128xi32, #tpu.memory_space<vmem>>
      %dma_start3A_315 = arith.constant 0 : i32
      %dma_start3A_316 = arith.constant 0 : i32
      %dma_start3A_317 = tpu.memref_slice %arg2[%dma_start3A_315, %dma_start3A_316] : memref<10000x64xbf16, #tpu.memory_space<hbm>> -> memref<10000x64xbf16, #tpu.memory_space<hbm>>
      tpu.enqueue_indirect_dma source(%dma_start3A_317 : memref<10000x64xbf16, #tpu.memory_space<hbm>>) target(%arg11 : memref<128x64xbf16, #tpu.memory_space<vmem>>) offsets(%dma_start3A_314 : memref<128xi32, #tpu.memory_space<vmem>>) semaphore(%arg17 : memref<!tpu.dma_semaphore, #tpu.memory_space<semaphore_mem>>)
      %add3A_318 = arith.constant 2 : i32
      %add3A_319 = arith.addi %add3A_258, %add3A_318 : i32
      %dma_wait3A_320 = arith.constant 0 : i32
      %dma_wait3A_321 = tpu.memref_slice %arg6[%add3A_319, %dma_wait3A_320] : memref<80x128xi32, #tpu.memory_space<vmem>> -> memref<1x128xi32, #tpu.memory_space<vmem>>
      %dma_wait3A_322 = tpu.memref_squeeze %dma_wait3A_321 : memref<1x128xi32, #tpu.memory_space<vmem>> -> memref<128xi32, #tpu.memory_space<vmem>>
      %dma_wait3A_323 = arith.constant 0 : i32
      %dma_wait3A_324 = arith.constant 0 : i32
      %dma_wait3A_325 = tpu.memref_slice %arg2[%dma_wait3A_323, %dma_wait3A_324] : memref<10000x64xbf16, #tpu.memory_space<hbm>> -> memref<10000x64xbf16, #tpu.memory_space<hbm>>
      tpu.wait_indirect_dma semaphore(%arg14 : memref<!tpu.dma_semaphore, #tpu.memory_space<semaphore_mem>>) src(%dma_wait3A_325 : memref<10000x64xbf16, #tpu.memory_space<hbm>>) dst(%arg8 : memref<128x64xbf16, #tpu.memory_space<vmem>>)
      %sub3A_326 = arith.constant 2 : i32
      %sub3A_327 = arith.subi %add3A_319, %sub3A_326 : i32
      %dma_wait3A_328 = arith.constant 0 : i32
      %dma_wait3A_329 = tpu.memref_slice %arg7[%sub3A_327, %dma_wait3A_328] : memref<80x128xi32, #tpu.memory_space<vmem>> -> memref<1x128xi32, #tpu.memory_space<vmem>>
      %dma_wait3A_330 = tpu.memref_squeeze %dma_wait3A_329 : memref<1x128xi32, #tpu.memory_space<vmem>> -> memref<128xi32, #tpu.memory_space<vmem>>
      %dma_wait3A_331 = arith.constant 0 : i32
      %dma_wait3A_332 = arith.constant 0 : i32
      %dma_wait3A_333 = tpu.memref_slice %arg23[%dma_wait3A_331, %dma_wait3A_332] : memref<10240x64xbf16, #tpu.memory_space<vmem_shared>> -> memref<10240x64xbf16, #tpu.memory_space<vmem_shared>>
      tpu.wait_indirect_dma semaphore(%arg20 : memref<!tpu.dma_semaphore, #tpu.memory_space<semaphore_mem>>) src(%arg12 : memref<128x64xbf16, #tpu.memory_space<vmem>>) dst(%dma_wait3A_333 : memref<10240x64xbf16, #tpu.memory_space<vmem_shared>>)
      %dma_start3A_334 = arith.constant 0 : i32
      %dma_start3A_335 = tpu.memref_slice %arg7[%add3A_319, %dma_start3A_334] : memref<80x128xi32, #tpu.memory_space<vmem>> -> memref<1x128xi32, #tpu.memory_space<vmem>>
      %dma_start3A_336 = tpu.memref_squeeze %dma_start3A_335 : memref<1x128xi32, #tpu.memory_space<vmem>> -> memref<128xi32, #tpu.memory_space<vmem>>
      %dma_start3A_337 = arith.constant 0 : i32
      %dma_start3A_338 = arith.constant 0 : i32
      %dma_start3A_339 = tpu.memref_slice %arg23[%dma_start3A_337, %dma_start3A_338] : memref<10240x64xbf16, #tpu.memory_space<vmem_shared>> -> memref<10240x64xbf16, #tpu.memory_space<vmem_shared>>
      tpu.enqueue_indirect_dma source(%arg8 : memref<128x64xbf16, #tpu.memory_space<vmem>>) target(%dma_start3A_339 : memref<10240x64xbf16, #tpu.memory_space<vmem_shared>>) offsets(%dma_start3A_336 : memref<128xi32, #tpu.memory_space<vmem>>) semaphore(%arg20 : memref<!tpu.dma_semaphore, #tpu.memory_space<semaphore_mem>>) {add = true}
      %add3A_340 = arith.constant 4 : i32
      %add3A_341 = arith.addi %add3A_319, %add3A_340 : i32
      %dma_start3A_342 = arith.constant 0 : i32
      %dma_start3A_343 = tpu.memref_slice %arg6[%add3A_341, %dma_start3A_342] : memref<80x128xi32, #tpu.memory_space<vmem>> -> memref<1x128xi32, #tpu.memory_space<vmem>>
      %dma_start3A_344 = tpu.memref_squeeze %dma_start3A_343 : memref<1x128xi32, #tpu.memory_space<vmem>> -> memref<128xi32, #tpu.memory_space<vmem>>
      %dma_start3A_345 = arith.constant 0 : i32
      %dma_start3A_346 = arith.constant 0 : i32
      %dma_start3A_347 = tpu.memref_slice %arg2[%dma_start3A_345, %dma_start3A_346] : memref<10000x64xbf16, #tpu.memory_space<hbm>> -> memref<10000x64xbf16, #tpu.memory_space<hbm>>
      tpu.enqueue_indirect_dma source(%dma_start3A_347 : memref<10000x64xbf16, #tpu.memory_space<hbm>>) target(%arg12 : memref<128x64xbf16, #tpu.memory_space<vmem>>) offsets(%dma_start3A_344 : memref<128xi32, #tpu.memory_space<vmem>>) semaphore(%arg18 : memref<!tpu.dma_semaphore, #tpu.memory_space<semaphore_mem>>)
      %add3A_348 = arith.constant 3 : i32
      %add3A_349 = arith.addi %add3A_258, %add3A_348 : i32
      %dma_wait3A_350 = arith.constant 0 : i32
      %dma_wait3A_351 = tpu.memref_slice %arg6[%add3A_349, %dma_wait3A_350] : memref<80x128xi32, #tpu.memory_space<vmem>> -> memref<1x128xi32, #tpu.memory_space<vmem>>
      %dma_wait3A_352 = tpu.memref_squeeze %dma_wait3A_351 : memref<1x128xi32, #tpu.memory_space<vmem>> -> memref<128xi32, #tpu.memory_space<vmem>>
      %dma_wait3A_353 = arith.constant 0 : i32
      %dma_wait3A_354 = arith.constant 0 : i32
      %dma_wait3A_355 = tpu.memref_slice %arg2[%dma_wait3A_353, %dma_wait3A_354] : memref<10000x64xbf16, #tpu.memory_space<hbm>> -> memref<10000x64xbf16, #tpu.memory_space<hbm>>
      tpu.wait_indirect_dma semaphore(%arg15 : memref<!tpu.dma_semaphore, #tpu.memory_space<semaphore_mem>>) src(%dma_wait3A_355 : memref<10000x64xbf16, #tpu.memory_space<hbm>>) dst(%arg9 : memref<128x64xbf16, #tpu.memory_space<vmem>>)
      %sub3A_356 = arith.constant 2 : i32
      %sub3A_357 = arith.subi %add3A_349, %sub3A_356 : i32
      %dma_wait3A_358 = arith.constant 0 : i32
      %dma_wait3A_359 = tpu.memref_slice %arg7[%sub3A_357, %dma_wait3A_358] : memref<80x128xi32, #tpu.memory_space<vmem>> -> memref<1x128xi32, #tpu.memory_space<vmem>>
      %dma_wait3A_360 = tpu.memref_squeeze %dma_wait3A_359 : memref<1x128xi32, #tpu.memory_space<vmem>> -> memref<128xi32, #tpu.memory_space<vmem>>
      %dma_wait3A_361 = arith.constant 0 : i32
      %dma_wait3A_362 = arith.constant 0 : i32
      %dma_wait3A_363 = tpu.memref_slice %arg23[%dma_wait3A_361, %dma_wait3A_362] : memref<10240x64xbf16, #tpu.memory_space<vmem_shared>> -> memref<10240x64xbf16, #tpu.memory_space<vmem_shared>>
      tpu.wait_indirect_dma semaphore(%arg21 : memref<!tpu.dma_semaphore, #tpu.memory_space<semaphore_mem>>) src(%arg13 : memref<128x64xbf16, #tpu.memory_space<vmem>>) dst(%dma_wait3A_363 : memref<10240x64xbf16, #tpu.memory_space<vmem_shared>>)
      %dma_start3A_364 = arith.constant 0 : i32
      %dma_start3A_365 = tpu.memref_slice %arg7[%add3A_349, %dma_start3A_364] : memref<80x128xi32, #tpu.memory_space<vmem>> -> memref<1x128xi32, #tpu.memory_space<vmem>>
      %dma_start3A_366 = tpu.memref_squeeze %dma_start3A_365 : memref<1x128xi32, #tpu.memory_space<vmem>> -> memref<128xi32, #tpu.memory_space<vmem>>
      %dma_start3A_367 = arith.constant 0 : i32
      %dma_start3A_368 = arith.constant 0 : i32
      %dma_start3A_369 = tpu.memref_slice %arg23[%dma_start3A_367, %dma_start3A_368] : memref<10240x64xbf16, #tpu.memory_space<vmem_shared>> -> memref<10240x64xbf16, #tpu.memory_space<vmem_shared>>
      tpu.enqueue_indirect_dma source(%arg9 : memref<128x64xbf16, #tpu.memory_space<vmem>>) target(%dma_start3A_369 : memref<10240x64xbf16, #tpu.memory_space<vmem_shared>>) offsets(%dma_start3A_366 : memref<128xi32, #tpu.memory_space<vmem>>) semaphore(%arg21 : memref<!tpu.dma_semaphore, #tpu.memory_space<semaphore_mem>>) {add = true}
      %add3A_370 = arith.constant 4 : i32
      %add3A_371 = arith.addi %add3A_349, %add3A_370 : i32
      %dma_start3A_372 = arith.constant 0 : i32
      %dma_start3A_373 = tpu.memref_slice %arg6[%add3A_371, %dma_start3A_372] : memref<80x128xi32, #tpu.memory_space<vmem>> -> memref<1x128xi32, #tpu.memory_space<vmem>>
      %dma_start3A_374 = tpu.memref_squeeze %dma_start3A_373 : memref<1x128xi32, #tpu.memory_space<vmem>> -> memref<128xi32, #tpu.memory_space<vmem>>
      %dma_start3A_375 = arith.constant 0 : i32
      %dma_start3A_376 = arith.constant 0 : i32
      %dma_start3A_377 = tpu.memref_slice %arg2[%dma_start3A_375, %dma_start3A_376] : memref<10000x64xbf16, #tpu.memory_space<hbm>> -> memref<10000x64xbf16, #tpu.memory_space<hbm>>
      tpu.enqueue_indirect_dma source(%dma_start3A_377 : memref<10000x64xbf16, #tpu.memory_space<hbm>>) target(%arg13 : memref<128x64xbf16, #tpu.memory_space<vmem>>) offsets(%dma_start3A_374 : memref<128xi32, #tpu.memory_space<vmem>>) semaphore(%arg19 : memref<!tpu.dma_semaphore, #tpu.memory_space<semaphore_mem>>)
      %add3A_378 = arith.constant 4 : i32
      %add3A_379 = arith.addi %add3A_258, %add3A_378 : i32
      %dma_wait3A_380 = arith.constant 0 : i32
      %dma_wait3A_381 = tpu.memref_slice %arg6[%add3A_379, %dma_wait3A_380] : memref<80x128xi32, #tpu.memory_space<vmem>> -> memref<1x128xi32, #tpu.memory_space<vmem>>
      %dma_wait3A_382 = tpu.memref_squeeze %dma_wait3A_381 : memref<1x128xi32, #tpu.memory_space<vmem>> -> memref<128xi32, #tpu.memory_space<vmem>>
      %dma_wait3A_383 = arith.constant 0 : i32
      %dma_wait3A_384 = arith.constant 0 : i32
      %dma_wait3A_385 = tpu.memref_slice %arg2[%dma_wait3A_383, %dma_wait3A_384] : memref<10000x64xbf16, #tpu.memory_space<hbm>> -> memref<10000x64xbf16, #tpu.memory_space<hbm>>
      tpu.wait_indirect_dma semaphore(%arg16 : memref<!tpu.dma_semaphore, #tpu.memory_space<semaphore_mem>>) src(%dma_wait3A_385 : memref<10000x64xbf16, #tpu.memory_space<hbm>>) dst(%arg10 : memref<128x64xbf16, #tpu.memory_space<vmem>>)
      %sub3A_386 = arith.constant 2 : i32
      %sub3A_387 = arith.subi %add3A_379, %sub3A_386 : i32
      %dma_wait3A_388 = arith.constant 0 : i32
      %dma_wait3A_389 = tpu.memref_slice %arg7[%sub3A_387, %dma_wait3A_388] : memref<80x128xi32, #tpu.memory_space<vmem>> -> memref<1x128xi32, #tpu.memory_space<vmem>>
      %dma_wait3A_390 = tpu.memref_squeeze %dma_wait3A_389 : memref<1x128xi32, #tpu.memory_space<vmem>> -> memref<128xi32, #tpu.memory_space<vmem>>
      %dma_wait3A_391 = arith.constant 0 : i32
      %dma_wait3A_392 = arith.constant 0 : i32
      %dma_wait3A_393 = tpu.memref_slice %arg23[%dma_wait3A_391, %dma_wait3A_392] : memref<10240x64xbf16, #tpu.memory_space<vmem_shared>> -> memref<10240x64xbf16, #tpu.memory_space<vmem_shared>>
      tpu.wait_indirect_dma semaphore(%arg20 : memref<!tpu.dma_semaphore, #tpu.memory_space<semaphore_mem>>) src(%arg8 : memref<128x64xbf16, #tpu.memory_space<vmem>>) dst(%dma_wait3A_393 : memref<10240x64xbf16, #tpu.memory_space<vmem_shared>>)
      %dma_start3A_394 = arith.constant 0 : i32
      %dma_start3A_395 = tpu.memref_slice %arg7[%add3A_379, %dma_start3A_394] : memref<80x128xi32, #tpu.memory_space<vmem>> -> memref<1x128xi32, #tpu.memory_space<vmem>>
      %dma_start3A_396 = tpu.memref_squeeze %dma_start3A_395 : memref<1x128xi32, #tpu.memory_space<vmem>> -> memref<128xi32, #tpu.memory_space<vmem>>
      %dma_start3A_397 = arith.constant 0 : i32
      %dma_start3A_398 = arith.constant 0 : i32
      %dma_start3A_399 = tpu.memref_slice %arg23[%dma_start3A_397, %dma_start3A_398] : memref<10240x64xbf16, #tpu.memory_space<vmem_shared>> -> memref<10240x64xbf16, #tpu.memory_space<vmem_shared>>
      tpu.enqueue_indirect_dma source(%arg10 : memref<128x64xbf16, #tpu.memory_space<vmem>>) target(%dma_start3A_399 : memref<10240x64xbf16, #tpu.memory_space<vmem_shared>>) offsets(%dma_start3A_396 : memref<128xi32, #tpu.memory_space<vmem>>) semaphore(%arg20 : memref<!tpu.dma_semaphore, #tpu.memory_space<semaphore_mem>>) {add = true}
      %add3A_400 = arith.constant 4 : i32
      %add3A_401 = arith.addi %add3A_379, %add3A_400 : i32
      %dma_start3A_402 = arith.constant 0 : i32
      %dma_start3A_403 = tpu.memref_slice %arg6[%add3A_401, %dma_start3A_402] : memref<80x128xi32, #tpu.memory_space<vmem>> -> memref<1x128xi32, #tpu.memory_space<vmem>>
      %dma_start3A_404 = tpu.memref_squeeze %dma_start3A_403 : memref<1x128xi32, #tpu.memory_space<vmem>> -> memref<128xi32, #tpu.memory_space<vmem>>
      %dma_start3A_405 = arith.constant 0 : i32
      %dma_start3A_406 = arith.constant 0 : i32
      %dma_start3A_407 = tpu.memref_slice %arg2[%dma_start3A_405, %dma_start3A_406] : memref<10000x64xbf16, #tpu.memory_space<hbm>> -> memref<10000x64xbf16, #tpu.memory_space<hbm>>
      tpu.enqueue_indirect_dma source(%dma_start3A_407 : memref<10000x64xbf16, #tpu.memory_space<hbm>>) target(%arg8 : memref<128x64xbf16, #tpu.memory_space<vmem>>) offsets(%dma_start3A_404 : memref<128xi32, #tpu.memory_space<vmem>>) semaphore(%arg14 : memref<!tpu.dma_semaphore, #tpu.memory_space<semaphore_mem>>)
      %add3A_408 = arith.constant 5 : i32
      %add3A_409 = arith.addi %add3A_258, %add3A_408 : i32
      %dma_wait3A_410 = arith.constant 0 : i32
      %dma_wait3A_411 = tpu.memref_slice %arg6[%add3A_409, %dma_wait3A_410] : memref<80x128xi32, #tpu.memory_space<vmem>> -> memref<1x128xi32, #tpu.memory_space<vmem>>
      %dma_wait3A_412 = tpu.memref_squeeze %dma_wait3A_411 : memref<1x128xi32, #tpu.memory_space<vmem>> -> memref<128xi32, #tpu.memory_space<vmem>>
      %dma_wait3A_413 = arith.constant 0 : i32
      %dma_wait3A_414 = arith.constant 0 : i32
      %dma_wait3A_415 = tpu.memref_slice %arg2[%dma_wait3A_413, %dma_wait3A_414] : memref<10000x64xbf16, #tpu.memory_space<hbm>> -> memref<10000x64xbf16, #tpu.memory_space<hbm>>
      tpu.wait_indirect_dma semaphore(%arg17 : memref<!tpu.dma_semaphore, #tpu.memory_space<semaphore_mem>>) src(%dma_wait3A_415 : memref<10000x64xbf16, #tpu.memory_space<hbm>>) dst(%arg11 : memref<128x64xbf16, #tpu.memory_space<vmem>>)
      %sub3A_416 = arith.constant 2 : i32
      %sub3A_417 = arith.subi %add3A_409, %sub3A_416 : i32
      %dma_wait3A_418 = arith.constant 0 : i32
      %dma_wait3A_419 = tpu.memref_slice %arg7[%sub3A_417, %dma_wait3A_418] : memref<80x128xi32, #tpu.memory_space<vmem>> -> memref<1x128xi32, #tpu.memory_space<vmem>>
      %dma_wait3A_420 = tpu.memref_squeeze %dma_wait3A_419 : memref<1x128xi32, #tpu.memory_space<vmem>> -> memref<128xi32, #tpu.memory_space<vmem>>
      %dma_wait3A_421 = arith.constant 0 : i32
      %dma_wait3A_422 = arith.constant 0 : i32
      %dma_wait3A_423 = tpu.memref_slice %arg23[%dma_wait3A_421, %dma_wait3A_422] : memref<10240x64xbf16, #tpu.memory_space<vmem_shared>> -> memref<10240x64xbf16, #tpu.memory_space<vmem_shared>>
      tpu.wait_indirect_dma semaphore(%arg21 : memref<!tpu.dma_semaphore, #tpu.memory_space<semaphore_mem>>) src(%arg9 : memref<128x64xbf16, #tpu.memory_space<vmem>>) dst(%dma_wait3A_423 : memref<10240x64xbf16, #tpu.memory_space<vmem_shared>>)
      %dma_start3A_424 = arith.constant 0 : i32
      %dma_start3A_425 = tpu.memref_slice %arg7[%add3A_409, %dma_start3A_424] : memref<80x128xi32, #tpu.memory_space<vmem>> -> memref<1x128xi32, #tpu.memory_space<vmem>>
      %dma_start3A_426 = tpu.memref_squeeze %dma_start3A_425 : memref<1x128xi32, #tpu.memory_space<vmem>> -> memref<128xi32, #tpu.memory_space<vmem>>
      %dma_start3A_427 = arith.constant 0 : i32
      %dma_start3A_428 = arith.constant 0 : i32
      %dma_start3A_429 = tpu.memref_slice %arg23[%dma_start3A_427, %dma_start3A_428] : memref<10240x64xbf16, #tpu.memory_space<vmem_shared>> -> memref<10240x64xbf16, #tpu.memory_space<vmem_shared>>
      tpu.enqueue_indirect_dma source(%arg11 : memref<128x64xbf16, #tpu.memory_space<vmem>>) target(%dma_start3A_429 : memref<10240x64xbf16, #tpu.memory_space<vmem_shared>>) offsets(%dma_start3A_426 : memref<128xi32, #tpu.memory_space<vmem>>) semaphore(%arg21 : memref<!tpu.dma_semaphore, #tpu.memory_space<semaphore_mem>>) {add = true}
      %add3A_430 = arith.constant 4 : i32
      %add3A_431 = arith.addi %add3A_409, %add3A_430 : i32
      %dma_start3A_432 = arith.constant 0 : i32
      %dma_start3A_433 = tpu.memref_slice %arg6[%add3A_431, %dma_start3A_432] : memref<80x128xi32, #tpu.memory_space<vmem>> -> memref<1x128xi32, #tpu.memory_space<vmem>>
      %dma_start3A_434 = tpu.memref_squeeze %dma_start3A_433 : memref<1x128xi32, #tpu.memory_space<vmem>> -> memref<128xi32, #tpu.memory_space<vmem>>
      %dma_start3A_435 = arith.constant 0 : i32
      %dma_start3A_436 = arith.constant 0 : i32
      %dma_start3A_437 = tpu.memref_slice %arg2[%dma_start3A_435, %dma_start3A_436] : memref<10000x64xbf16, #tpu.memory_space<hbm>> -> memref<10000x64xbf16, #tpu.memory_space<hbm>>
      tpu.enqueue_indirect_dma source(%dma_start3A_437 : memref<10000x64xbf16, #tpu.memory_space<hbm>>) target(%arg9 : memref<128x64xbf16, #tpu.memory_space<vmem>>) offsets(%dma_start3A_434 : memref<128xi32, #tpu.memory_space<vmem>>) semaphore(%arg15 : memref<!tpu.dma_semaphore, #tpu.memory_space<semaphore_mem>>)
    }
    %scan3A_154 = arith.constant 12 : i32
    %dma_wait3A_155 = arith.constant 76 : i32
    %dma_wait3A_156 = arith.constant 0 : i32
    %dma_wait3A_157 = tpu.memref_slice %arg6[%dma_wait3A_155, %dma_wait3A_156] : memref<80x128xi32, #tpu.memory_space<vmem>> -> memref<1x128xi32, #tpu.memory_space<vmem>>
    %dma_wait3A_158 = tpu.memref_squeeze %dma_wait3A_157 : memref<1x128xi32, #tpu.memory_space<vmem>> -> memref<128xi32, #tpu.memory_space<vmem>>
    %dma_wait3A_159 = arith.constant 0 : i32
    %dma_wait3A_160 = arith.constant 0 : i32
    %dma_wait3A_161 = tpu.memref_slice %arg2[%dma_wait3A_159, %dma_wait3A_160] : memref<10000x64xbf16, #tpu.memory_space<hbm>> -> memref<10000x64xbf16, #tpu.memory_space<hbm>>
    tpu.wait_indirect_dma semaphore(%arg18 : memref<!tpu.dma_semaphore, #tpu.memory_space<semaphore_mem>>) src(%dma_wait3A_161 : memref<10000x64xbf16, #tpu.memory_space<hbm>>) dst(%arg12 : memref<128x64xbf16, #tpu.memory_space<vmem>>)
    %dma_wait3A_162 = arith.constant 74 : i32
    %dma_wait3A_163 = arith.constant 0 : i32
    %dma_wait3A_164 = tpu.memref_slice %arg7[%dma_wait3A_162, %dma_wait3A_163] : memref<80x128xi32, #tpu.memory_space<vmem>> -> memref<1x128xi32, #tpu.memory_space<vmem>>
    %dma_wait3A_165 = tpu.memref_squeeze %dma_wait3A_164 : memref<1x128xi32, #tpu.memory_space<vmem>> -> memref<128xi32, #tpu.memory_space<vmem>>
    %dma_wait3A_166 = arith.constant 0 : i32
    %dma_wait3A_167 = arith.constant 0 : i32
    %dma_wait3A_168 = tpu.memref_slice %arg23[%dma_wait3A_166, %dma_wait3A_167] : memref<10240x64xbf16, #tpu.memory_space<vmem_shared>> -> memref<10240x64xbf16, #tpu.memory_space<vmem_shared>>
    tpu.wait_indirect_dma semaphore(%arg20 : memref<!tpu.dma_semaphore, #tpu.memory_space<semaphore_mem>>) src(%arg10 : memref<128x64xbf16, #tpu.memory_space<vmem>>) dst(%dma_wait3A_168 : memref<10240x64xbf16, #tpu.memory_space<vmem_shared>>)
    %dma_start3A_169 = arith.constant 76 : i32
    %dma_start3A_170 = arith.constant 0 : i32
    %dma_start3A_171 = tpu.memref_slice %arg7[%dma_start3A_169, %dma_start3A_170] : memref<80x128xi32, #tpu.memory_space<vmem>> -> memref<1x128xi32, #tpu.memory_space<vmem>>
    %dma_start3A_172 = tpu.memref_squeeze %dma_start3A_171 : memref<1x128xi32, #tpu.memory_space<vmem>> -> memref<128xi32, #tpu.memory_space<vmem>>
    %dma_start3A_173 = arith.constant 0 : i32
    %dma_start3A_174 = arith.constant 0 : i32
    %dma_start3A_175 = tpu.memref_slice %arg23[%dma_start3A_173, %dma_start3A_174] : memref<10240x64xbf16, #tpu.memory_space<vmem_shared>> -> memref<10240x64xbf16, #tpu.memory_space<vmem_shared>>
    tpu.enqueue_indirect_dma source(%arg12 : memref<128x64xbf16, #tpu.memory_space<vmem>>) target(%dma_start3A_175 : memref<10240x64xbf16, #tpu.memory_space<vmem_shared>>) offsets(%dma_start3A_172 : memref<128xi32, #tpu.memory_space<vmem>>) semaphore(%arg20 : memref<!tpu.dma_semaphore, #tpu.memory_space<semaphore_mem>>) {add = true}
    %dma_wait3A_176 = arith.constant 77 : i32
    %dma_wait3A_177 = arith.constant 0 : i32
    %dma_wait3A_178 = tpu.memref_slice %arg6[%dma_wait3A_176, %dma_wait3A_177] : memref<80x128xi32, #tpu.memory_space<vmem>> -> memref<1x128xi32, #tpu.memory_space<vmem>>
    %dma_wait3A_179 = tpu.memref_squeeze %dma_wait3A_178 : memref<1x128xi32, #tpu.memory_space<vmem>> -> memref<128xi32, #tpu.memory_space<vmem>>
    %dma_wait3A_180 = arith.constant 0 : i32
    %dma_wait3A_181 = arith.constant 0 : i32
    %dma_wait3A_182 = tpu.memref_slice %arg2[%dma_wait3A_180, %dma_wait3A_181] : memref<10000x64xbf16, #tpu.memory_space<hbm>> -> memref<10000x64xbf16, #tpu.memory_space<hbm>>
    tpu.wait_indirect_dma semaphore(%arg19 : memref<!tpu.dma_semaphore, #tpu.memory_space<semaphore_mem>>) src(%dma_wait3A_182 : memref<10000x64xbf16, #tpu.memory_space<hbm>>) dst(%arg13 : memref<128x64xbf16, #tpu.memory_space<vmem>>)
    %dma_wait3A_183 = arith.constant 75 : i32
    %dma_wait3A_184 = arith.constant 0 : i32
    %dma_wait3A_185 = tpu.memref_slice %arg7[%dma_wait3A_183, %dma_wait3A_184] : memref<80x128xi32, #tpu.memory_space<vmem>> -> memref<1x128xi32, #tpu.memory_space<vmem>>
    %dma_wait3A_186 = tpu.memref_squeeze %dma_wait3A_185 : memref<1x128xi32, #tpu.memory_space<vmem>> -> memref<128xi32, #tpu.memory_space<vmem>>
    %dma_wait3A_187 = arith.constant 0 : i32
    %dma_wait3A_188 = arith.constant 0 : i32
    %dma_wait3A_189 = tpu.memref_slice %arg23[%dma_wait3A_187, %dma_wait3A_188] : memref<10240x64xbf16, #tpu.memory_space<vmem_shared>> -> memref<10240x64xbf16, #tpu.memory_space<vmem_shared>>
    tpu.wait_indirect_dma semaphore(%arg21 : memref<!tpu.dma_semaphore, #tpu.memory_space<semaphore_mem>>) src(%arg11 : memref<128x64xbf16, #tpu.memory_space<vmem>>) dst(%dma_wait3A_189 : memref<10240x64xbf16, #tpu.memory_space<vmem_shared>>)
    %dma_start3A_190 = arith.constant 77 : i32
    %dma_start3A_191 = arith.constant 0 : i32
    %dma_start3A_192 = tpu.memref_slice %arg7[%dma_start3A_190, %dma_start3A_191] : memref<80x128xi32, #tpu.memory_space<vmem>> -> memref<1x128xi32, #tpu.memory_space<vmem>>
    %dma_start3A_193 = tpu.memref_squeeze %dma_start3A_192 : memref<1x128xi32, #tpu.memory_space<vmem>> -> memref<128xi32, #tpu.memory_space<vmem>>
    %dma_start3A_194 = arith.constant 0 : i32
    %dma_start3A_195 = arith.constant 0 : i32
    %dma_start3A_196 = tpu.memref_slice %arg23[%dma_start3A_194, %dma_start3A_195] : memref<10240x64xbf16, #tpu.memory_space<vmem_shared>> -> memref<10240x64xbf16, #tpu.memory_space<vmem_shared>>
    tpu.enqueue_indirect_dma source(%arg13 : memref<128x64xbf16, #tpu.memory_space<vmem>>) target(%dma_start3A_196 : memref<10240x64xbf16, #tpu.memory_space<vmem_shared>>) offsets(%dma_start3A_193 : memref<128xi32, #tpu.memory_space<vmem>>) semaphore(%arg21 : memref<!tpu.dma_semaphore, #tpu.memory_space<semaphore_mem>>) {add = true}
    %dma_wait3A_197 = arith.constant 78 : i32
    %dma_wait3A_198 = arith.constant 0 : i32
    %dma_wait3A_199 = tpu.memref_slice %arg6[%dma_wait3A_197, %dma_wait3A_198] : memref<80x128xi32, #tpu.memory_space<vmem>> -> memref<1x128xi32, #tpu.memory_space<vmem>>
    %dma_wait3A_200 = tpu.memref_squeeze %dma_wait3A_199 : memref<1x128xi32, #tpu.memory_space<vmem>> -> memref<128xi32, #tpu.memory_space<vmem>>
    %dma_wait3A_201 = arith.constant 0 : i32
    %dma_wait3A_202 = arith.constant 0 : i32
    %dma_wait3A_203 = tpu.memref_slice %arg2[%dma_wait3A_201, %dma_wait3A_202] : memref<10000x64xbf16, #tpu.memory_space<hbm>> -> memref<10000x64xbf16, #tpu.memory_space<hbm>>
    tpu.wait_indirect_dma semaphore(%arg14 : memref<!tpu.dma_semaphore, #tpu.memory_space<semaphore_mem>>) src(%dma_wait3A_203 : memref<10000x64xbf16, #tpu.memory_space<hbm>>) dst(%arg8 : memref<128x64xbf16, #tpu.memory_space<vmem>>)
    %dma_wait3A_204 = arith.constant 76 : i32
    %dma_wait3A_205 = arith.constant 0 : i32
    %dma_wait3A_206 = tpu.memref_slice %arg7[%dma_wait3A_204, %dma_wait3A_205] : memref<80x128xi32, #tpu.memory_space<vmem>> -> memref<1x128xi32, #tpu.memory_space<vmem>>
    %dma_wait3A_207 = tpu.memref_squeeze %dma_wait3A_206 : memref<1x128xi32, #tpu.memory_space<vmem>> -> memref<128xi32, #tpu.memory_space<vmem>>
    %dma_wait3A_208 = arith.constant 0 : i32
    %dma_wait3A_209 = arith.constant 0 : i32
    %dma_wait3A_210 = tpu.memref_slice %arg23[%dma_wait3A_208, %dma_wait3A_209] : memref<10240x64xbf16, #tpu.memory_space<vmem_shared>> -> memref<10240x64xbf16, #tpu.memory_space<vmem_shared>>
    tpu.wait_indirect_dma semaphore(%arg20 : memref<!tpu.dma_semaphore, #tpu.memory_space<semaphore_mem>>) src(%arg12 : memref<128x64xbf16, #tpu.memory_space<vmem>>) dst(%dma_wait3A_210 : memref<10240x64xbf16, #tpu.memory_space<vmem_shared>>)
    %dma_start3A_211 = arith.constant 78 : i32
    %dma_start3A_212 = arith.constant 0 : i32
    %dma_start3A_213 = tpu.memref_slice %arg7[%dma_start3A_211, %dma_start3A_212] : memref<80x128xi32, #tpu.memory_space<vmem>> -> memref<1x128xi32, #tpu.memory_space<vmem>>
    %dma_start3A_214 = tpu.memref_squeeze %dma_start3A_213 : memref<1x128xi32, #tpu.memory_space<vmem>> -> memref<128xi32, #tpu.memory_space<vmem>>
    %dma_start3A_215 = arith.constant 0 : i32
    %dma_start3A_216 = arith.constant 0 : i32
    %dma_start3A_217 = tpu.memref_slice %arg23[%dma_start3A_215, %dma_start3A_216] : memref<10240x64xbf16, #tpu.memory_space<vmem_shared>> -> memref<10240x64xbf16, #tpu.memory_space<vmem_shared>>
    tpu.enqueue_indirect_dma source(%arg8 : memref<128x64xbf16, #tpu.memory_space<vmem>>) target(%dma_start3A_217 : memref<10240x64xbf16, #tpu.memory_space<vmem_shared>>) offsets(%dma_start3A_214 : memref<128xi32, #tpu.memory_space<vmem>>) semaphore(%arg20 : memref<!tpu.dma_semaphore, #tpu.memory_space<semaphore_mem>>) {add = true}
    %dma_wait3A_218 = arith.constant 79 : i32
    %dma_wait3A_219 = arith.constant 0 : i32
    %dma_wait3A_220 = tpu.memref_slice %arg6[%dma_wait3A_218, %dma_wait3A_219] : memref<80x128xi32, #tpu.memory_space<vmem>> -> memref<1x128xi32, #tpu.memory_space<vmem>>
    %dma_wait3A_221 = tpu.memref_squeeze %dma_wait3A_220 : memref<1x128xi32, #tpu.memory_space<vmem>> -> memref<128xi32, #tpu.memory_space<vmem>>
    %dma_wait3A_222 = arith.constant 0 : i32
    %dma_wait3A_223 = arith.constant 0 : i32
    %dma_wait3A_224 = tpu.memref_slice %arg2[%dma_wait3A_222, %dma_wait3A_223] : memref<10000x64xbf16, #tpu.memory_space<hbm>> -> memref<10000x64xbf16, #tpu.memory_space<hbm>>
    tpu.wait_indirect_dma semaphore(%arg15 : memref<!tpu.dma_semaphore, #tpu.memory_space<semaphore_mem>>) src(%dma_wait3A_224 : memref<10000x64xbf16, #tpu.memory_space<hbm>>) dst(%arg9 : memref<128x64xbf16, #tpu.memory_space<vmem>>)
    %dma_wait3A_225 = arith.constant 77 : i32
    %dma_wait3A_226 = arith.constant 0 : i32
    %dma_wait3A_227 = tpu.memref_slice %arg7[%dma_wait3A_225, %dma_wait3A_226] : memref<80x128xi32, #tpu.memory_space<vmem>> -> memref<1x128xi32, #tpu.memory_space<vmem>>
    %dma_wait3A_228 = tpu.memref_squeeze %dma_wait3A_227 : memref<1x128xi32, #tpu.memory_space<vmem>> -> memref<128xi32, #tpu.memory_space<vmem>>
    %dma_wait3A_229 = arith.constant 0 : i32
    %dma_wait3A_230 = arith.constant 0 : i32
    %dma_wait3A_231 = tpu.memref_slice %arg23[%dma_wait3A_229, %dma_wait3A_230] : memref<10240x64xbf16, #tpu.memory_space<vmem_shared>> -> memref<10240x64xbf16, #tpu.memory_space<vmem_shared>>
    tpu.wait_indirect_dma semaphore(%arg21 : memref<!tpu.dma_semaphore, #tpu.memory_space<semaphore_mem>>) src(%arg13 : memref<128x64xbf16, #tpu.memory_space<vmem>>) dst(%dma_wait3A_231 : memref<10240x64xbf16, #tpu.memory_space<vmem_shared>>)
    %dma_start3A_232 = arith.constant 79 : i32
    %dma_start3A_233 = arith.constant 0 : i32
    %dma_start3A_234 = tpu.memref_slice %arg7[%dma_start3A_232, %dma_start3A_233] : memref<80x128xi32, #tpu.memory_space<vmem>> -> memref<1x128xi32, #tpu.memory_space<vmem>>
    %dma_start3A_235 = tpu.memref_squeeze %dma_start3A_234 : memref<1x128xi32, #tpu.memory_space<vmem>> -> memref<128xi32, #tpu.memory_space<vmem>>
    %dma_start3A_236 = arith.constant 0 : i32
    %dma_start3A_237 = arith.constant 0 : i32
    %dma_start3A_238 = tpu.memref_slice %arg23[%dma_start3A_236, %dma_start3A_237] : memref<10240x64xbf16, #tpu.memory_space<vmem_shared>> -> memref<10240x64xbf16, #tpu.memory_space<vmem_shared>>
    tpu.enqueue_indirect_dma source(%arg9 : memref<128x64xbf16, #tpu.memory_space<vmem>>) target(%dma_start3A_238 : memref<10240x64xbf16, #tpu.memory_space<vmem_shared>>) offsets(%dma_start3A_235 : memref<128xi32, #tpu.memory_space<vmem>>) semaphore(%arg21 : memref<!tpu.dma_semaphore, #tpu.memory_space<semaphore_mem>>) {add = true}
    %dma_wait3A_239 = arith.constant 78 : i32
    %dma_wait3A_240 = arith.constant 0 : i32
    %dma_wait3A_241 = tpu.memref_slice %arg7[%dma_wait3A_239, %dma_wait3A_240] : memref<80x128xi32, #tpu.memory_space<vmem>> -> memref<1x128xi32, #tpu.memory_space<vmem>>
    %dma_wait3A_242 = tpu.memref_squeeze %dma_wait3A_241 : memref<1x128xi32, #tpu.memory_space<vmem>> -> memref<128xi32, #tpu.memory_space<vmem>>
    %dma_wait3A_243 = arith.constant 0 : i32
    %dma_wait3A_244 = arith.constant 0 : i32
    %dma_wait3A_245 = tpu.memref_slice %arg23[%dma_wait3A_243, %dma_wait3A_244] : memref<10240x64xbf16, #tpu.memory_space<vmem_shared>> -> memref<10240x64xbf16, #tpu.memory_space<vmem_shared>>
    tpu.wait_indirect_dma semaphore(%arg20 : memref<!tpu.dma_semaphore, #tpu.memory_space<semaphore_mem>>) src(%arg8 : memref<128x64xbf16, #tpu.memory_space<vmem>>) dst(%dma_wait3A_245 : memref<10240x64xbf16, #tpu.memory_space<vmem_shared>>)
    %dma_wait3A_246 = arith.constant 79 : i32
    %dma_wait3A_247 = arith.constant 0 : i32
    %dma_wait3A_248 = tpu.memref_slice %arg7[%dma_wait3A_246, %dma_wait3A_247] : memref<80x128xi32, #tpu.memory_space<vmem>> -> memref<1x128xi32, #tpu.memory_space<vmem>>
    %dma_wait3A_249 = tpu.memref_squeeze %dma_wait3A_248 : memref<1x128xi32, #tpu.memory_space<vmem>> -> memref<128xi32, #tpu.memory_space<vmem>>
    %dma_wait3A_250 = arith.constant 0 : i32
    %dma_wait3A_251 = arith.constant 0 : i32
    %dma_wait3A_252 = tpu.memref_slice %arg23[%dma_wait3A_250, %dma_wait3A_251] : memref<10240x64xbf16, #tpu.memory_space<vmem_shared>> -> memref<10240x64xbf16, #tpu.memory_space<vmem_shared>>
    tpu.wait_indirect_dma semaphore(%arg21 : memref<!tpu.dma_semaphore, #tpu.memory_space<semaphore_mem>>) src(%arg9 : memref<128x64xbf16, #tpu.memory_space<vmem>>) dst(%dma_wait3A_252 : memref<10240x64xbf16, #tpu.memory_space<vmem_shared>>)
    %barrier3A_253 = arith.constant 0 : index
    tpu.barrier barrier_id(%barrier3A_253)
    "tpu.region"() ({
      %run_scoped3A = tpu.sem_alloc : memref<!tpu.dma_semaphore, #tpu.memory_space<semaphore_mem>>
      %dma_start3A_254 = arith.constant 0 : i32
      %dma_start3A_255 = tpu.memref_slice %arg5[%arg0, %mul3A_2, %dma_start3A_254] : memref<2x10240x64xbf16, #tpu.memory_space<hbm>> -> memref<1x640x64xbf16, #tpu.memory_space<hbm>>
      %dma_start3A_256 = tpu.memref_squeeze %dma_start3A_255 : memref<1x640x64xbf16, #tpu.memory_space<hbm>> -> memref<640x64xbf16, #tpu.memory_space<hbm>>
      %dma_start3A_257 = arith.constant 0 : i32
      %dma_start3A_258 = tpu.memref_slice %arg23[%mul3A_2, %dma_start3A_257] : memref<10240x64xbf16, #tpu.memory_space<vmem_shared>> -> memref<640x64xbf16, #tpu.memory_space<vmem_shared>>
      tpu.enqueue_dma source(%dma_start3A_258 : memref<640x64xbf16, #tpu.memory_space<vmem_shared>>) target(%dma_start3A_256 : memref<640x64xbf16, #tpu.memory_space<hbm>>) target_semaphore(%run_scoped3A : memref<!tpu.dma_semaphore, #tpu.memory_space<semaphore_mem>>)
      %dma_wait3A_259 = arith.constant 0 : i32
      %dma_wait3A_260 = tpu.memref_slice %arg5[%arg0, %mul3A_2, %dma_wait3A_259] : memref<2x10240x64xbf16, #tpu.memory_space<hbm>> -> memref<1x640x64xbf16, #tpu.memory_space<hbm>>
      %dma_wait3A_261 = tpu.memref_squeeze %dma_wait3A_260 : memref<1x640x64xbf16, #tpu.memory_space<hbm>> -> memref<640x64xbf16, #tpu.memory_space<hbm>>
      %dma_wait3A_262 = arith.constant 0 : i32
      %dma_wait3A_263 = tpu.memref_slice %arg23[%mul3A_2, %dma_wait3A_262] : memref<10240x64xbf16, #tpu.memory_space<vmem_shared>> -> memref<640x64xbf16, #tpu.memory_space<vmem_shared>>
      tpu.wait_dma2 semaphore(%run_scoped3A : memref<!tpu.dma_semaphore, #tpu.memory_space<semaphore_mem>>) src(%dma_wait3A_263 : memref<640x64xbf16, #tpu.memory_space<vmem_shared>>) dst(%dma_wait3A_261 : memref<640x64xbf16, #tpu.memory_space<hbm>>)
      tpu.yield
    }) : () -> ()
    return
  }
}

#map = affine_map<(d0, d1) -> (0, 0, 0)>
#map1 = affine_map<(d0, d1) -> (0, 0)>
module attributes {stable_mosaic.version = 14 : i64} {
  func.func @_deg_body(%arg0: i32, %arg1: i32, %arg2: memref<32x80x128xi32, #tpu.memory_space<hbm>>, %arg3: memref<2x10240xf32, #tpu.memory_space<hbm>>, %arg4: memref<80x128xi32, #tpu.memory_space<vmem>>, %arg5: memref<128xf32, #tpu.memory_space<vmem>>, %arg6: memref<640xf32, #tpu.memory_space<vmem>>, %arg7: memref<!tpu.dma_semaphore, #tpu.memory_space<semaphore_mem>>, %arg8: memref<10240xf32, #tpu.memory_space<vmem_shared>>) attributes {dimension_semantics = [#tpu.dimension_semantics<core_parallel>, #tpu.dimension_semantics<subcore_parallel>], iteration_bounds = array<i64: 2, 16>, scalar_prefetch = 0 : i64, scratch_operands = 5 : i64, tpu.core_type = #tpu.core_type<sc_vector_subcore>, window_params = [{transform_indices = #map}, {transform_indices = #map1}]} {
    %mul3A = arith.constant 16 : i32
    %mul3A_0 = arith.muli %arg0, %mul3A : i32
    %add3A = arith.addi %mul3A_0, %arg1 : i32
    %mul3A_1 = arith.constant 640 : i32
    %mul3A_2 = arith.muli %arg1, %mul3A_1 : i32
    %broadcast_in_dim3A = arith.constant 1.000000e+00 : f32
    %broadcast_in_dim3A_3 = vector.broadcast %broadcast_in_dim3A : f32 to vector<16xf32>
    %swap3A = arith.constant 0 : index
    %swap3A_4 = tpu.vector_load %arg5[%swap3A] {strides = array<i32>} : memref<128xf32, #tpu.memory_space<vmem>>, vector<16xf32>,
    %swap3A_5 = vector.shape_cast %swap3A_4 : vector<16xf32> to vector<16xf32>
    %swap3A_6 = vector.shape_cast %broadcast_in_dim3A_3 : vector<16xf32> to vector<16xf32>
    tpu.vector_store %arg5[%swap3A], %swap3A_6 {strides = array<i32>} : memref<128xf32, #tpu.memory_space<vmem>>, vector<16xf32>,
    %broadcast_in_dim3A_7 = arith.constant 1.000000e+00 : f32
    %broadcast_in_dim3A_8 = vector.broadcast %broadcast_in_dim3A_7 : f32 to vector<16xf32>
    %swap3A_9 = arith.constant 16 : index
    %swap3A_10 = tpu.vector_load %arg5[%swap3A_9] {strides = array<i32>} : memref<128xf32, #tpu.memory_space<vmem>>, vector<16xf32>,
    %swap3A_11 = vector.shape_cast %swap3A_10 : vector<16xf32> to vector<16xf32>
    %swap3A_12 = vector.shape_cast %broadcast_in_dim3A_8 : vector<16xf32> to vector<16xf32>
    tpu.vector_store %arg5[%swap3A_9], %swap3A_12 {strides = array<i32>} : memref<128xf32, #tpu.memory_space<vmem>>, vector<16xf32>,
    %broadcast_in_dim3A_13 = arith.constant 1.000000e+00 : f32
    %broadcast_in_dim3A_14 = vector.broadcast %broadcast_in_dim3A_13 : f32 to vector<16xf32>
    %swap3A_15 = arith.constant 32 : index
    %swap3A_16 = tpu.vector_load %arg5[%swap3A_15] {strides = array<i32>} : memref<128xf32, #tpu.memory_space<vmem>>, vector<16xf32>,
    %swap3A_17 = vector.shape_cast %swap3A_16 : vector<16xf32> to vector<16xf32>
    %swap3A_18 = vector.shape_cast %broadcast_in_dim3A_14 : vector<16xf32> to vector<16xf32>
    tpu.vector_store %arg5[%swap3A_15], %swap3A_18 {strides = array<i32>} : memref<128xf32, #tpu.memory_space<vmem>>, vector<16xf32>,
    %broadcast_in_dim3A_19 = arith.constant 1.000000e+00 : f32
    %broadcast_in_dim3A_20 = vector.broadcast %broadcast_in_dim3A_19 : f32 to vector<16xf32>
    %swap3A_21 = arith.constant 48 : index
    %swap3A_22 = tpu.vector_load %arg5[%swap3A_21] {strides = array<i32>} : memref<128xf32, #tpu.memory_space<vmem>>, vector<16xf32>,
    %swap3A_23 = vector.shape_cast %swap3A_22 : vector<16xf32> to vector<16xf32>
    %swap3A_24 = vector.shape_cast %broadcast_in_dim3A_20 : vector<16xf32> to vector<16xf32>
    tpu.vector_store %arg5[%swap3A_21], %swap3A_24 {strides = array<i32>} : memref<128xf32, #tpu.memory_space<vmem>>, vector<16xf32>,
    %broadcast_in_dim3A_25 = arith.constant 1.000000e+00 : f32
    %broadcast_in_dim3A_26 = vector.broadcast %broadcast_in_dim3A_25 : f32 to vector<16xf32>
    %swap3A_27 = arith.constant 64 : index
    %swap3A_28 = tpu.vector_load %arg5[%swap3A_27] {strides = array<i32>} : memref<128xf32, #tpu.memory_space<vmem>>, vector<16xf32>,
    %swap3A_29 = vector.shape_cast %swap3A_28 : vector<16xf32> to vector<16xf32>
    %swap3A_30 = vector.shape_cast %broadcast_in_dim3A_26 : vector<16xf32> to vector<16xf32>
    tpu.vector_store %arg5[%swap3A_27], %swap3A_30 {strides = array<i32>} : memref<128xf32, #tpu.memory_space<vmem>>, vector<16xf32>,
    %broadcast_in_dim3A_31 = arith.constant 1.000000e+00 : f32
    %broadcast_in_dim3A_32 = vector.broadcast %broadcast_in_dim3A_31 : f32 to vector<16xf32>
    %swap3A_33 = arith.constant 80 : index
    %swap3A_34 = tpu.vector_load %arg5[%swap3A_33] {strides = array<i32>} : memref<128xf32, #tpu.memory_space<vmem>>, vector<16xf32>,
    %swap3A_35 = vector.shape_cast %swap3A_34 : vector<16xf32> to vector<16xf32>
    %swap3A_36 = vector.shape_cast %broadcast_in_dim3A_32 : vector<16xf32> to vector<16xf32>
    tpu.vector_store %arg5[%swap3A_33], %swap3A_36 {strides = array<i32>} : memref<128xf32, #tpu.memory_space<vmem>>, vector<16xf32>,
    %broadcast_in_dim3A_37 = arith.constant 1.000000e+00 : f32
    %broadcast_in_dim3A_38 = vector.broadcast %broadcast_in_dim3A_37 : f32 to vector<16xf32>
    %swap3A_39 = arith.constant 96 : index
    %swap3A_40 = tpu.vector_load %arg5[%swap3A_39] {strides = array<i32>} : memref<128xf32, #tpu.memory_space<vmem>>, vector<16xf32>,
    %swap3A_41 = vector.shape_cast %swap3A_40 : vector<16xf32> to vector<16xf32>
    %swap3A_42 = vector.shape_cast %broadcast_in_dim3A_38 : vector<16xf32> to vector<16xf32>
    tpu.vector_store %arg5[%swap3A_39], %swap3A_42 {strides = array<i32>} : memref<128xf32, #tpu.memory_space<vmem>>, vector<16xf32>,
    %broadcast_in_dim3A_43 = arith.constant 1.000000e+00 : f32
    %broadcast_in_dim3A_44 = vector.broadcast %broadcast_in_dim3A_43 : f32 to vector<16xf32>
    %swap3A_45 = arith.constant 112 : index
    %swap3A_46 = tpu.vector_load %arg5[%swap3A_45] {strides = array<i32>} : memref<128xf32, #tpu.memory_space<vmem>>, vector<16xf32>,
    %swap3A_47 = vector.shape_cast %swap3A_46 : vector<16xf32> to vector<16xf32>
    %swap3A_48 = vector.shape_cast %broadcast_in_dim3A_44 : vector<16xf32> to vector<16xf32>
    tpu.vector_store %arg5[%swap3A_45], %swap3A_48 {strides = array<i32>} : memref<128xf32, #tpu.memory_space<vmem>>, vector<16xf32>,
    %broadcast_in_dim3A_49 = arith.constant 0.000000e+00 : f32
    %broadcast_in_dim3A_50 = vector.broadcast %broadcast_in_dim3A_49 : f32 to vector<16xf32>
    %swap3A_51 = arith.constant 0 : index
    %swap3A_52 = tpu.vector_load %arg6[%swap3A_51] {strides = array<i32>} : memref<640xf32, #tpu.memory_space<vmem>>, vector<16xf32>,
    %swap3A_53 = vector.shape_cast %swap3A_52 : vector<16xf32> to vector<16xf32>
    %swap3A_54 = vector.shape_cast %broadcast_in_dim3A_50 : vector<16xf32> to vector<16xf32>
    tpu.vector_store %arg6[%swap3A_51], %swap3A_54 {strides = array<i32>} : memref<640xf32, #tpu.memory_space<vmem>>, vector<16xf32>,
    %broadcast_in_dim3A_55 = arith.constant 0.000000e+00 : f32
    %broadcast_in_dim3A_56 = vector.broadcast %broadcast_in_dim3A_55 : f32 to vector<16xf32>
    %swap3A_57 = arith.constant 16 : index
    %swap3A_58 = tpu.vector_load %arg6[%swap3A_57] {strides = array<i32>} : memref<640xf32, #tpu.memory_space<vmem>>, vector<16xf32>,
    %swap3A_59 = vector.shape_cast %swap3A_58 : vector<16xf32> to vector<16xf32>
    %swap3A_60 = vector.shape_cast %broadcast_in_dim3A_56 : vector<16xf32> to vector<16xf32>
    tpu.vector_store %arg6[%swap3A_57], %swap3A_60 {strides = array<i32>} : memref<640xf32, #tpu.memory_space<vmem>>, vector<16xf32>,
    %broadcast_in_dim3A_61 = arith.constant 0.000000e+00 : f32
    %broadcast_in_dim3A_62 = vector.broadcast %broadcast_in_dim3A_61 : f32 to vector<16xf32>
    %swap3A_63 = arith.constant 32 : index
    %swap3A_64 = tpu.vector_load %arg6[%swap3A_63] {strides = array<i32>} : memref<640xf32, #tpu.memory_space<vmem>>, vector<16xf32>,
    %swap3A_65 = vector.shape_cast %swap3A_64 : vector<16xf32> to vector<16xf32>
    %swap3A_66 = vector.shape_cast %broadcast_in_dim3A_62 : vector<16xf32> to vector<16xf32>
    tpu.vector_store %arg6[%swap3A_63], %swap3A_66 {strides = array<i32>} : memref<640xf32, #tpu.memory_space<vmem>>, vector<16xf32>,
    %broadcast_in_dim3A_67 = arith.constant 0.000000e+00 : f32
    %broadcast_in_dim3A_68 = vector.broadcast %broadcast_in_dim3A_67 : f32 to vector<16xf32>
    %swap3A_69 = arith.constant 48 : index
    %swap3A_70 = tpu.vector_load %arg6[%swap3A_69] {strides = array<i32>} : memref<640xf32, #tpu.memory_space<vmem>>, vector<16xf32>,
    %swap3A_71 = vector.shape_cast %swap3A_70 : vector<16xf32> to vector<16xf32>
    %swap3A_72 = vector.shape_cast %broadcast_in_dim3A_68 : vector<16xf32> to vector<16xf32>
    tpu.vector_store %arg6[%swap3A_69], %swap3A_72 {strides = array<i32>} : memref<640xf32, #tpu.memory_space<vmem>>, vector<16xf32>,
    %broadcast_in_dim3A_73 = arith.constant 0.000000e+00 : f32
    %broadcast_in_dim3A_74 = vector.broadcast %broadcast_in_dim3A_73 : f32 to vector<16xf32>
    %swap3A_75 = arith.constant 64 : index
    %swap3A_76 = tpu.vector_load %arg6[%swap3A_75] {strides = array<i32>} : memref<640xf32, #tpu.memory_space<vmem>>, vector<16xf32>,
    %swap3A_77 = vector.shape_cast %swap3A_76 : vector<16xf32> to vector<16xf32>
    %swap3A_78 = vector.shape_cast %broadcast_in_dim3A_74 : vector<16xf32> to vector<16xf32>
    tpu.vector_store %arg6[%swap3A_75], %swap3A_78 {strides = array<i32>} : memref<640xf32, #tpu.memory_space<vmem>>, vector<16xf32>,
    %broadcast_in_dim3A_79 = arith.constant 0.000000e+00 : f32
    %broadcast_in_dim3A_80 = vector.broadcast %broadcast_in_dim3A_79 : f32 to vector<16xf32>
    %swap3A_81 = arith.constant 80 : index
    %swap3A_82 = tpu.vector_load %arg6[%swap3A_81] {strides = array<i32>} : memref<640xf32, #tpu.memory_space<vmem>>, vector<16xf32>,
    %swap3A_83 = vector.shape_cast %swap3A_82 : vector<16xf32> to vector<16xf32>
    %swap3A_84 = vector.shape_cast %broadcast_in_dim3A_80 : vector<16xf32> to vector<16xf32>
    tpu.vector_store %arg6[%swap3A_81], %swap3A_84 {strides = array<i32>} : memref<640xf32, #tpu.memory_space<vmem>>, vector<16xf32>,
    %broadcast_in_dim3A_85 = arith.constant 0.000000e+00 : f32
    %broadcast_in_dim3A_86 = vector.broadcast %broadcast_in_dim3A_85 : f32 to vector<16xf32>
    %swap3A_87 = arith.constant 96 : index
    %swap3A_88 = tpu.vector_load %arg6[%swap3A_87] {strides = array<i32>} : memref<640xf32, #tpu.memory_space<vmem>>, vector<16xf32>,
    %swap3A_89 = vector.shape_cast %swap3A_88 : vector<16xf32> to vector<16xf32>
    %swap3A_90 = vector.shape_cast %broadcast_in_dim3A_86 : vector<16xf32> to vector<16xf32>
    tpu.vector_store %arg6[%swap3A_87], %swap3A_90 {strides = array<i32>} : memref<640xf32, #tpu.memory_space<vmem>>, vector<16xf32>,
    %broadcast_in_dim3A_91 = arith.constant 0.000000e+00 : f32
    %broadcast_in_dim3A_92 = vector.broadcast %broadcast_in_dim3A_91 : f32 to vector<16xf32>
    %swap3A_93 = arith.constant 112 : index
    %swap3A_94 = tpu.vector_load %arg6[%swap3A_93] {strides = array<i32>} : memref<640xf32, #tpu.memory_space<vmem>>, vector<16xf32>,
    %swap3A_95 = vector.shape_cast %swap3A_94 : vector<16xf32> to vector<16xf32>
    %swap3A_96 = vector.shape_cast %broadcast_in_dim3A_92 : vector<16xf32> to vector<16xf32>
    tpu.vector_store %arg6[%swap3A_93], %swap3A_96 {strides = array<i32>} : memref<640xf32, #tpu.memory_space<vmem>>, vector<16xf32>,
    %broadcast_in_dim3A_97 = arith.constant 0.000000e+00 : f32
    %broadcast_in_dim3A_98 = vector.broadcast %broadcast_in_dim3A_97 : f32 to vector<16xf32>
    %swap3A_99 = arith.constant 128 : index
    %swap3A_100 = tpu.vector_load %arg6[%swap3A_99] {strides = array<i32>} : memref<640xf32, #tpu.memory_space<vmem>>, vector<16xf32>,
    %swap3A_101 = vector.shape_cast %swap3A_100 : vector<16xf32> to vector<16xf32>
    %swap3A_102 = vector.shape_cast %broadcast_in_dim3A_98 : vector<16xf32> to vector<16xf32>
    tpu.vector_store %arg6[%swap3A_99], %swap3A_102 {strides = array<i32>} : memref<640xf32, #tpu.memory_space<vmem>>, vector<16xf32>,
    %broadcast_in_dim3A_103 = arith.constant 0.000000e+00 : f32
    %broadcast_in_dim3A_104 = vector.broadcast %broadcast_in_dim3A_103 : f32 to vector<16xf32>
    %swap3A_105 = arith.constant 144 : index
    %swap3A_106 = tpu.vector_load %arg6[%swap3A_105] {strides = array<i32>} : memref<640xf32, #tpu.memory_space<vmem>>, vector<16xf32>,
    %swap3A_107 = vector.shape_cast %swap3A_106 : vector<16xf32> to vector<16xf32>
    %swap3A_108 = vector.shape_cast %broadcast_in_dim3A_104 : vector<16xf32> to vector<16xf32>
    tpu.vector_store %arg6[%swap3A_105], %swap3A_108 {strides = array<i32>} : memref<640xf32, #tpu.memory_space<vmem>>, vector<16xf32>,
    %broadcast_in_dim3A_109 = arith.constant 0.000000e+00 : f32
    %broadcast_in_dim3A_110 = vector.broadcast %broadcast_in_dim3A_109 : f32 to vector<16xf32>
    %swap3A_111 = arith.constant 160 : index
    %swap3A_112 = tpu.vector_load %arg6[%swap3A_111] {strides = array<i32>} : memref<640xf32, #tpu.memory_space<vmem>>, vector<16xf32>,
    %swap3A_113 = vector.shape_cast %swap3A_112 : vector<16xf32> to vector<16xf32>
    %swap3A_114 = vector.shape_cast %broadcast_in_dim3A_110 : vector<16xf32> to vector<16xf32>
    tpu.vector_store %arg6[%swap3A_111], %swap3A_114 {strides = array<i32>} : memref<640xf32, #tpu.memory_space<vmem>>, vector<16xf32>,
    %broadcast_in_dim3A_115 = arith.constant 0.000000e+00 : f32
    %broadcast_in_dim3A_116 = vector.broadcast %broadcast_in_dim3A_115 : f32 to vector<16xf32>
    %swap3A_117 = arith.constant 176 : index
    %swap3A_118 = tpu.vector_load %arg6[%swap3A_117] {strides = array<i32>} : memref<640xf32, #tpu.memory_space<vmem>>, vector<16xf32>,
    %swap3A_119 = vector.shape_cast %swap3A_118 : vector<16xf32> to vector<16xf32>
    %swap3A_120 = vector.shape_cast %broadcast_in_dim3A_116 : vector<16xf32> to vector<16xf32>
    tpu.vector_store %arg6[%swap3A_117], %swap3A_120 {strides = array<i32>} : memref<640xf32, #tpu.memory_space<vmem>>, vector<16xf32>,
    %broadcast_in_dim3A_121 = arith.constant 0.000000e+00 : f32
    %broadcast_in_dim3A_122 = vector.broadcast %broadcast_in_dim3A_121 : f32 to vector<16xf32>
    %swap3A_123 = arith.constant 192 : index
    %swap3A_124 = tpu.vector_load %arg6[%swap3A_123] {strides = array<i32>} : memref<640xf32, #tpu.memory_space<vmem>>, vector<16xf32>,
    %swap3A_125 = vector.shape_cast %swap3A_124 : vector<16xf32> to vector<16xf32>
    %swap3A_126 = vector.shape_cast %broadcast_in_dim3A_122 : vector<16xf32> to vector<16xf32>
    tpu.vector_store %arg6[%swap3A_123], %swap3A_126 {strides = array<i32>} : memref<640xf32, #tpu.memory_space<vmem>>, vector<16xf32>,
    %broadcast_in_dim3A_127 = arith.constant 0.000000e+00 : f32
    %broadcast_in_dim3A_128 = vector.broadcast %broadcast_in_dim3A_127 : f32 to vector<16xf32>
    %swap3A_129 = arith.constant 208 : index
    %swap3A_130 = tpu.vector_load %arg6[%swap3A_129] {strides = array<i32>} : memref<640xf32, #tpu.memory_space<vmem>>, vector<16xf32>,
    %swap3A_131 = vector.shape_cast %swap3A_130 : vector<16xf32> to vector<16xf32>
    %swap3A_132 = vector.shape_cast %broadcast_in_dim3A_128 : vector<16xf32> to vector<16xf32>
    tpu.vector_store %arg6[%swap3A_129], %swap3A_132 {strides = array<i32>} : memref<640xf32, #tpu.memory_space<vmem>>, vector<16xf32>,
    %broadcast_in_dim3A_133 = arith.constant 0.000000e+00 : f32
    %broadcast_in_dim3A_134 = vector.broadcast %broadcast_in_dim3A_133 : f32 to vector<16xf32>
    %swap3A_135 = arith.constant 224 : index
    %swap3A_136 = tpu.vector_load %arg6[%swap3A_135] {strides = array<i32>} : memref<640xf32, #tpu.memory_space<vmem>>, vector<16xf32>,
    %swap3A_137 = vector.shape_cast %swap3A_136 : vector<16xf32> to vector<16xf32>
    %swap3A_138 = vector.shape_cast %broadcast_in_dim3A_134 : vector<16xf32> to vector<16xf32>
    tpu.vector_store %arg6[%swap3A_135], %swap3A_138 {strides = array<i32>} : memref<640xf32, #tpu.memory_space<vmem>>, vector<16xf32>,
    %broadcast_in_dim3A_139 = arith.constant 0.000000e+00 : f32
    %broadcast_in_dim3A_140 = vector.broadcast %broadcast_in_dim3A_139 : f32 to vector<16xf32>
    %swap3A_141 = arith.constant 240 : index
    %swap3A_142 = tpu.vector_load %arg6[%swap3A_141] {strides = array<i32>} : memref<640xf32, #tpu.memory_space<vmem>>, vector<16xf32>,
    %swap3A_143 = vector.shape_cast %swap3A_142 : vector<16xf32> to vector<16xf32>
    %swap3A_144 = vector.shape_cast %broadcast_in_dim3A_140 : vector<16xf32> to vector<16xf32>
    tpu.vector_store %arg6[%swap3A_141], %swap3A_144 {strides = array<i32>} : memref<640xf32, #tpu.memory_space<vmem>>, vector<16xf32>,
    %broadcast_in_dim3A_145 = arith.constant 0.000000e+00 : f32
    %broadcast_in_dim3A_146 = vector.broadcast %broadcast_in_dim3A_145 : f32 to vector<16xf32>
    %swap3A_147 = arith.constant 256 : index
    %swap3A_148 = tpu.vector_load %arg6[%swap3A_147] {strides = array<i32>} : memref<640xf32, #tpu.memory_space<vmem>>, vector<16xf32>,
    %swap3A_149 = vector.shape_cast %swap3A_148 : vector<16xf32> to vector<16xf32>
    %swap3A_150 = vector.shape_cast %broadcast_in_dim3A_146 : vector<16xf32> to vector<16xf32>
    tpu.vector_store %arg6[%swap3A_147], %swap3A_150 {strides = array<i32>} : memref<640xf32, #tpu.memory_space<vmem>>, vector<16xf32>,
    %broadcast_in_dim3A_151 = arith.constant 0.000000e+00 : f32
    %broadcast_in_dim3A_152 = vector.broadcast %broadcast_in_dim3A_151 : f32 to vector<16xf32>
    %swap3A_153 = arith.constant 272 : index
    %swap3A_154 = tpu.vector_load %arg6[%swap3A_153] {strides = array<i32>} : memref<640xf32, #tpu.memory_space<vmem>>, vector<16xf32>,
    %swap3A_155 = vector.shape_cast %swap3A_154 : vector<16xf32> to vector<16xf32>
    %swap3A_156 = vector.shape_cast %broadcast_in_dim3A_152 : vector<16xf32> to vector<16xf32>
    tpu.vector_store %arg6[%swap3A_153], %swap3A_156 {strides = array<i32>} : memref<640xf32, #tpu.memory_space<vmem>>, vector<16xf32>,
    %broadcast_in_dim3A_157 = arith.constant 0.000000e+00 : f32
    %broadcast_in_dim3A_158 = vector.broadcast %broadcast_in_dim3A_157 : f32 to vector<16xf32>
    %swap3A_159 = arith.constant 288 : index
    %swap3A_160 = tpu.vector_load %arg6[%swap3A_159] {strides = array<i32>} : memref<640xf32, #tpu.memory_space<vmem>>, vector<16xf32>,
    %swap3A_161 = vector.shape_cast %swap3A_160 : vector<16xf32> to vector<16xf32>
    %swap3A_162 = vector.shape_cast %broadcast_in_dim3A_158 : vector<16xf32> to vector<16xf32>
    tpu.vector_store %arg6[%swap3A_159], %swap3A_162 {strides = array<i32>} : memref<640xf32, #tpu.memory_space<vmem>>, vector<16xf32>,
    %broadcast_in_dim3A_163 = arith.constant 0.000000e+00 : f32
    %broadcast_in_dim3A_164 = vector.broadcast %broadcast_in_dim3A_163 : f32 to vector<16xf32>
    %swap3A_165 = arith.constant 304 : index
    %swap3A_166 = tpu.vector_load %arg6[%swap3A_165] {strides = array<i32>} : memref<640xf32, #tpu.memory_space<vmem>>, vector<16xf32>,
    %swap3A_167 = vector.shape_cast %swap3A_166 : vector<16xf32> to vector<16xf32>
    %swap3A_168 = vector.shape_cast %broadcast_in_dim3A_164 : vector<16xf32> to vector<16xf32>
    tpu.vector_store %arg6[%swap3A_165], %swap3A_168 {strides = array<i32>} : memref<640xf32, #tpu.memory_space<vmem>>, vector<16xf32>,
    %broadcast_in_dim3A_169 = arith.constant 0.000000e+00 : f32
    %broadcast_in_dim3A_170 = vector.broadcast %broadcast_in_dim3A_169 : f32 to vector<16xf32>
    %swap3A_171 = arith.constant 320 : index
    %swap3A_172 = tpu.vector_load %arg6[%swap3A_171] {strides = array<i32>} : memref<640xf32, #tpu.memory_space<vmem>>, vector<16xf32>,
    %swap3A_173 = vector.shape_cast %swap3A_172 : vector<16xf32> to vector<16xf32>
    %swap3A_174 = vector.shape_cast %broadcast_in_dim3A_170 : vector<16xf32> to vector<16xf32>
    tpu.vector_store %arg6[%swap3A_171], %swap3A_174 {strides = array<i32>} : memref<640xf32, #tpu.memory_space<vmem>>, vector<16xf32>,
    %broadcast_in_dim3A_175 = arith.constant 0.000000e+00 : f32
    %broadcast_in_dim3A_176 = vector.broadcast %broadcast_in_dim3A_175 : f32 to vector<16xf32>
    %swap3A_177 = arith.constant 336 : index
    %swap3A_178 = tpu.vector_load %arg6[%swap3A_177] {strides = array<i32>} : memref<640xf32, #tpu.memory_space<vmem>>, vector<16xf32>,
    %swap3A_179 = vector.shape_cast %swap3A_178 : vector<16xf32> to vector<16xf32>
    %swap3A_180 = vector.shape_cast %broadcast_in_dim3A_176 : vector<16xf32> to vector<16xf32>
    tpu.vector_store %arg6[%swap3A_177], %swap3A_180 {strides = array<i32>} : memref<640xf32, #tpu.memory_space<vmem>>, vector<16xf32>,
    %broadcast_in_dim3A_181 = arith.constant 0.000000e+00 : f32
    %broadcast_in_dim3A_182 = vector.broadcast %broadcast_in_dim3A_181 : f32 to vector<16xf32>
    %swap3A_183 = arith.constant 352 : index
    %swap3A_184 = tpu.vector_load %arg6[%swap3A_183] {strides = array<i32>} : memref<640xf32, #tpu.memory_space<vmem>>, vector<16xf32>,
    %swap3A_185 = vector.shape_cast %swap3A_184 : vector<16xf32> to vector<16xf32>
    %swap3A_186 = vector.shape_cast %broadcast_in_dim3A_182 : vector<16xf32> to vector<16xf32>
    tpu.vector_store %arg6[%swap3A_183], %swap3A_186 {strides = array<i32>} : memref<640xf32, #tpu.memory_space<vmem>>, vector<16xf32>,
    %broadcast_in_dim3A_187 = arith.constant 0.000000e+00 : f32
    %broadcast_in_dim3A_188 = vector.broadcast %broadcast_in_dim3A_187 : f32 to vector<16xf32>
    %swap3A_189 = arith.constant 368 : index
    %swap3A_190 = tpu.vector_load %arg6[%swap3A_189] {strides = array<i32>} : memref<640xf32, #tpu.memory_space<vmem>>, vector<16xf32>,
    %swap3A_191 = vector.shape_cast %swap3A_190 : vector<16xf32> to vector<16xf32>
    %swap3A_192 = vector.shape_cast %broadcast_in_dim3A_188 : vector<16xf32> to vector<16xf32>
    tpu.vector_store %arg6[%swap3A_189], %swap3A_192 {strides = array<i32>} : memref<640xf32, #tpu.memory_space<vmem>>, vector<16xf32>,
    %broadcast_in_dim3A_193 = arith.constant 0.000000e+00 : f32
    %broadcast_in_dim3A_194 = vector.broadcast %broadcast_in_dim3A_193 : f32 to vector<16xf32>
    %swap3A_195 = arith.constant 384 : index
    %swap3A_196 = tpu.vector_load %arg6[%swap3A_195] {strides = array<i32>} : memref<640xf32, #tpu.memory_space<vmem>>, vector<16xf32>,
    %swap3A_197 = vector.shape_cast %swap3A_196 : vector<16xf32> to vector<16xf32>
    %swap3A_198 = vector.shape_cast %broadcast_in_dim3A_194 : vector<16xf32> to vector<16xf32>
    tpu.vector_store %arg6[%swap3A_195], %swap3A_198 {strides = array<i32>} : memref<640xf32, #tpu.memory_space<vmem>>, vector<16xf32>,
    %broadcast_in_dim3A_199 = arith.constant 0.000000e+00 : f32
    %broadcast_in_dim3A_200 = vector.broadcast %broadcast_in_dim3A_199 : f32 to vector<16xf32>
    %swap3A_201 = arith.constant 400 : index
    %swap3A_202 = tpu.vector_load %arg6[%swap3A_201] {strides = array<i32>} : memref<640xf32, #tpu.memory_space<vmem>>, vector<16xf32>,
    %swap3A_203 = vector.shape_cast %swap3A_202 : vector<16xf32> to vector<16xf32>
    %swap3A_204 = vector.shape_cast %broadcast_in_dim3A_200 : vector<16xf32> to vector<16xf32>
    tpu.vector_store %arg6[%swap3A_201], %swap3A_204 {strides = array<i32>} : memref<640xf32, #tpu.memory_space<vmem>>, vector<16xf32>,
    %broadcast_in_dim3A_205 = arith.constant 0.000000e+00 : f32
    %broadcast_in_dim3A_206 = vector.broadcast %broadcast_in_dim3A_205 : f32 to vector<16xf32>
    %swap3A_207 = arith.constant 416 : index
    %swap3A_208 = tpu.vector_load %arg6[%swap3A_207] {strides = array<i32>} : memref<640xf32, #tpu.memory_space<vmem>>, vector<16xf32>,
    %swap3A_209 = vector.shape_cast %swap3A_208 : vector<16xf32> to vector<16xf32>
    %swap3A_210 = vector.shape_cast %broadcast_in_dim3A_206 : vector<16xf32> to vector<16xf32>
    tpu.vector_store %arg6[%swap3A_207], %swap3A_210 {strides = array<i32>} : memref<640xf32, #tpu.memory_space<vmem>>, vector<16xf32>,
    %broadcast_in_dim3A_211 = arith.constant 0.000000e+00 : f32
    %broadcast_in_dim3A_212 = vector.broadcast %broadcast_in_dim3A_211 : f32 to vector<16xf32>
    %swap3A_213 = arith.constant 432 : index
    %swap3A_214 = tpu.vector_load %arg6[%swap3A_213] {strides = array<i32>} : memref<640xf32, #tpu.memory_space<vmem>>, vector<16xf32>,
    %swap3A_215 = vector.shape_cast %swap3A_214 : vector<16xf32> to vector<16xf32>
    %swap3A_216 = vector.shape_cast %broadcast_in_dim3A_212 : vector<16xf32> to vector<16xf32>
    tpu.vector_store %arg6[%swap3A_213], %swap3A_216 {strides = array<i32>} : memref<640xf32, #tpu.memory_space<vmem>>, vector<16xf32>,
    %broadcast_in_dim3A_217 = arith.constant 0.000000e+00 : f32
    %broadcast_in_dim3A_218 = vector.broadcast %broadcast_in_dim3A_217 : f32 to vector<16xf32>
    %swap3A_219 = arith.constant 448 : index
    %swap3A_220 = tpu.vector_load %arg6[%swap3A_219] {strides = array<i32>} : memref<640xf32, #tpu.memory_space<vmem>>, vector<16xf32>,
    %swap3A_221 = vector.shape_cast %swap3A_220 : vector<16xf32> to vector<16xf32>
    %swap3A_222 = vector.shape_cast %broadcast_in_dim3A_218 : vector<16xf32> to vector<16xf32>
    tpu.vector_store %arg6[%swap3A_219], %swap3A_222 {strides = array<i32>} : memref<640xf32, #tpu.memory_space<vmem>>, vector<16xf32>,
    %broadcast_in_dim3A_223 = arith.constant 0.000000e+00 : f32
    %broadcast_in_dim3A_224 = vector.broadcast %broadcast_in_dim3A_223 : f32 to vector<16xf32>
    %swap3A_225 = arith.constant 464 : index
    %swap3A_226 = tpu.vector_load %arg6[%swap3A_225] {strides = array<i32>} : memref<640xf32, #tpu.memory_space<vmem>>, vector<16xf32>,
    %swap3A_227 = vector.shape_cast %swap3A_226 : vector<16xf32> to vector<16xf32>
    %swap3A_228 = vector.shape_cast %broadcast_in_dim3A_224 : vector<16xf32> to vector<16xf32>
    tpu.vector_store %arg6[%swap3A_225], %swap3A_228 {strides = array<i32>} : memref<640xf32, #tpu.memory_space<vmem>>, vector<16xf32>,
    %broadcast_in_dim3A_229 = arith.constant 0.000000e+00 : f32
    %broadcast_in_dim3A_230 = vector.broadcast %broadcast_in_dim3A_229 : f32 to vector<16xf32>
    %swap3A_231 = arith.constant 480 : index
    %swap3A_232 = tpu.vector_load %arg6[%swap3A_231] {strides = array<i32>} : memref<640xf32, #tpu.memory_space<vmem>>, vector<16xf32>,
    %swap3A_233 = vector.shape_cast %swap3A_232 : vector<16xf32> to vector<16xf32>
    %swap3A_234 = vector.shape_cast %broadcast_in_dim3A_230 : vector<16xf32> to vector<16xf32>
    tpu.vector_store %arg6[%swap3A_231], %swap3A_234 {strides = array<i32>} : memref<640xf32, #tpu.memory_space<vmem>>, vector<16xf32>,
    %broadcast_in_dim3A_235 = arith.constant 0.000000e+00 : f32
    %broadcast_in_dim3A_236 = vector.broadcast %broadcast_in_dim3A_235 : f32 to vector<16xf32>
    %swap3A_237 = arith.constant 496 : index
    %swap3A_238 = tpu.vector_load %arg6[%swap3A_237] {strides = array<i32>} : memref<640xf32, #tpu.memory_space<vmem>>, vector<16xf32>,
    %swap3A_239 = vector.shape_cast %swap3A_238 : vector<16xf32> to vector<16xf32>
    %swap3A_240 = vector.shape_cast %broadcast_in_dim3A_236 : vector<16xf32> to vector<16xf32>
    tpu.vector_store %arg6[%swap3A_237], %swap3A_240 {strides = array<i32>} : memref<640xf32, #tpu.memory_space<vmem>>, vector<16xf32>,
    %broadcast_in_dim3A_241 = arith.constant 0.000000e+00 : f32
    %broadcast_in_dim3A_242 = vector.broadcast %broadcast_in_dim3A_241 : f32 to vector<16xf32>
    %swap3A_243 = arith.constant 512 : index
    %swap3A_244 = tpu.vector_load %arg6[%swap3A_243] {strides = array<i32>} : memref<640xf32, #tpu.memory_space<vmem>>, vector<16xf32>,
    %swap3A_245 = vector.shape_cast %swap3A_244 : vector<16xf32> to vector<16xf32>
    %swap3A_246 = vector.shape_cast %broadcast_in_dim3A_242 : vector<16xf32> to vector<16xf32>
    tpu.vector_store %arg6[%swap3A_243], %swap3A_246 {strides = array<i32>} : memref<640xf32, #tpu.memory_space<vmem>>, vector<16xf32>,
    %broadcast_in_dim3A_247 = arith.constant 0.000000e+00 : f32
    %broadcast_in_dim3A_248 = vector.broadcast %broadcast_in_dim3A_247 : f32 to vector<16xf32>
    %swap3A_249 = arith.constant 528 : index
    %swap3A_250 = tpu.vector_load %arg6[%swap3A_249] {strides = array<i32>} : memref<640xf32, #tpu.memory_space<vmem>>, vector<16xf32>,
    %swap3A_251 = vector.shape_cast %swap3A_250 : vector<16xf32> to vector<16xf32>
    %swap3A_252 = vector.shape_cast %broadcast_in_dim3A_248 : vector<16xf32> to vector<16xf32>
    tpu.vector_store %arg6[%swap3A_249], %swap3A_252 {strides = array<i32>} : memref<640xf32, #tpu.memory_space<vmem>>, vector<16xf32>,
    %broadcast_in_dim3A_253 = arith.constant 0.000000e+00 : f32
    %broadcast_in_dim3A_254 = vector.broadcast %broadcast_in_dim3A_253 : f32 to vector<16xf32>
    %swap3A_255 = arith.constant 544 : index
    %swap3A_256 = tpu.vector_load %arg6[%swap3A_255] {strides = array<i32>} : memref<640xf32, #tpu.memory_space<vmem>>, vector<16xf32>,
    %swap3A_257 = vector.shape_cast %swap3A_256 : vector<16xf32> to vector<16xf32>
    %swap3A_258 = vector.shape_cast %broadcast_in_dim3A_254 : vector<16xf32> to vector<16xf32>
    tpu.vector_store %arg6[%swap3A_255], %swap3A_258 {strides = array<i32>} : memref<640xf32, #tpu.memory_space<vmem>>, vector<16xf32>,
    %broadcast_in_dim3A_259 = arith.constant 0.000000e+00 : f32
    %broadcast_in_dim3A_260 = vector.broadcast %broadcast_in_dim3A_259 : f32 to vector<16xf32>
    %swap3A_261 = arith.constant 560 : index
    %swap3A_262 = tpu.vector_load %arg6[%swap3A_261] {strides = array<i32>} : memref<640xf32, #tpu.memory_space<vmem>>, vector<16xf32>,
    %swap3A_263 = vector.shape_cast %swap3A_262 : vector<16xf32> to vector<16xf32>
    %swap3A_264 = vector.shape_cast %broadcast_in_dim3A_260 : vector<16xf32> to vector<16xf32>
    tpu.vector_store %arg6[%swap3A_261], %swap3A_264 {strides = array<i32>} : memref<640xf32, #tpu.memory_space<vmem>>, vector<16xf32>,
    %broadcast_in_dim3A_265 = arith.constant 0.000000e+00 : f32
    %broadcast_in_dim3A_266 = vector.broadcast %broadcast_in_dim3A_265 : f32 to vector<16xf32>
    %swap3A_267 = arith.constant 576 : index
    %swap3A_268 = tpu.vector_load %arg6[%swap3A_267] {strides = array<i32>} : memref<640xf32, #tpu.memory_space<vmem>>, vector<16xf32>,
    %swap3A_269 = vector.shape_cast %swap3A_268 : vector<16xf32> to vector<16xf32>
    %swap3A_270 = vector.shape_cast %broadcast_in_dim3A_266 : vector<16xf32> to vector<16xf32>
    tpu.vector_store %arg6[%swap3A_267], %swap3A_270 {strides = array<i32>} : memref<640xf32, #tpu.memory_space<vmem>>, vector<16xf32>,
    %broadcast_in_dim3A_271 = arith.constant 0.000000e+00 : f32
    %broadcast_in_dim3A_272 = vector.broadcast %broadcast_in_dim3A_271 : f32 to vector<16xf32>
    %swap3A_273 = arith.constant 592 : index
    %swap3A_274 = tpu.vector_load %arg6[%swap3A_273] {strides = array<i32>} : memref<640xf32, #tpu.memory_space<vmem>>, vector<16xf32>,
    %swap3A_275 = vector.shape_cast %swap3A_274 : vector<16xf32> to vector<16xf32>
    %swap3A_276 = vector.shape_cast %broadcast_in_dim3A_272 : vector<16xf32> to vector<16xf32>
    tpu.vector_store %arg6[%swap3A_273], %swap3A_276 {strides = array<i32>} : memref<640xf32, #tpu.memory_space<vmem>>, vector<16xf32>,
    %broadcast_in_dim3A_277 = arith.constant 0.000000e+00 : f32
    %broadcast_in_dim3A_278 = vector.broadcast %broadcast_in_dim3A_277 : f32 to vector<16xf32>
    %swap3A_279 = arith.constant 608 : index
    %swap3A_280 = tpu.vector_load %arg6[%swap3A_279] {strides = array<i32>} : memref<640xf32, #tpu.memory_space<vmem>>, vector<16xf32>,
    %swap3A_281 = vector.shape_cast %swap3A_280 : vector<16xf32> to vector<16xf32>
    %swap3A_282 = vector.shape_cast %broadcast_in_dim3A_278 : vector<16xf32> to vector<16xf32>
    tpu.vector_store %arg6[%swap3A_279], %swap3A_282 {strides = array<i32>} : memref<640xf32, #tpu.memory_space<vmem>>, vector<16xf32>,
    %broadcast_in_dim3A_283 = arith.constant 0.000000e+00 : f32
    %broadcast_in_dim3A_284 = vector.broadcast %broadcast_in_dim3A_283 : f32 to vector<16xf32>
    %swap3A_285 = arith.constant 624 : index
    %swap3A_286 = tpu.vector_load %arg6[%swap3A_285] {strides = array<i32>} : memref<640xf32, #tpu.memory_space<vmem>>, vector<16xf32>,
    %swap3A_287 = vector.shape_cast %swap3A_286 : vector<16xf32> to vector<16xf32>
    %swap3A_288 = vector.shape_cast %broadcast_in_dim3A_284 : vector<16xf32> to vector<16xf32>
    tpu.vector_store %arg6[%swap3A_285], %swap3A_288 {strides = array<i32>} : memref<640xf32, #tpu.memory_space<vmem>>, vector<16xf32>,
    "tpu.region"() ({
      %run_scoped3A = tpu.sem_alloc : memref<!tpu.dma_semaphore, #tpu.memory_space<semaphore_mem>>
      %dma_start3A = tpu.memref_slice %arg8[%mul3A_2] : memref<10240xf32, #tpu.memory_space<vmem_shared>> -> memref<640xf32, #tpu.memory_space<vmem_shared>>
      %dma_start3A_301 = tpu.memref_slice %arg8[%mul3A_2] : memref<10240xf32, #tpu.memory_space<vmem_shared>> -> memref<640xf32, #tpu.memory_space<vmem_shared>>
      tpu.enqueue_dma source(%arg6 : memref<640xf32, #tpu.memory_space<vmem>>) target(%dma_start3A_301 : memref<640xf32, #tpu.memory_space<vmem_shared>>) target_semaphore(%run_scoped3A : memref<!tpu.dma_semaphore, #tpu.memory_space<semaphore_mem>>)
      %dma_wait3A = tpu.memref_slice %arg8[%mul3A_2] : memref<10240xf32, #tpu.memory_space<vmem_shared>> -> memref<640xf32, #tpu.memory_space<vmem_shared>>
      %dma_wait3A_302 = tpu.memref_slice %arg8[%mul3A_2] : memref<10240xf32, #tpu.memory_space<vmem_shared>> -> memref<640xf32, #tpu.memory_space<vmem_shared>>
      tpu.wait_dma2 semaphore(%run_scoped3A : memref<!tpu.dma_semaphore, #tpu.memory_space<semaphore_mem>>) src(%arg6 : memref<640xf32, #tpu.memory_space<vmem>>) dst(%dma_wait3A_302 : memref<640xf32, #tpu.memory_space<vmem_shared>>)
      tpu.yield
    }) : () -> ()
    "tpu.region"() ({
      %run_scoped3A = tpu.sem_alloc : memref<!tpu.dma_semaphore, #tpu.memory_space<semaphore_mem>>
      %dma_start3A = arith.constant 0 : i32
      %dma_start3A_301 = arith.constant 0 : i32
      %dma_start3A_302 = tpu.memref_slice %arg2[%add3A, %dma_start3A, %dma_start3A_301] : memref<32x80x128xi32, #tpu.memory_space<hbm>> -> memref<1x80x128xi32, #tpu.memory_space<hbm>>
      %dma_start3A_303 = tpu.memref_squeeze %dma_start3A_302 : memref<1x80x128xi32, #tpu.memory_space<hbm>> -> memref<80x128xi32, #tpu.memory_space<hbm>>
      %dma_start3A_304 = arith.constant 0 : i32
      %dma_start3A_305 = arith.constant 0 : i32
      %dma_start3A_306 = tpu.memref_slice %arg2[%add3A, %dma_start3A_304, %dma_start3A_305] : memref<32x80x128xi32, #tpu.memory_space<hbm>> -> memref<1x80x128xi32, #tpu.memory_space<hbm>>
      %dma_start3A_307 = tpu.memref_squeeze %dma_start3A_306 : memref<1x80x128xi32, #tpu.memory_space<hbm>> -> memref<80x128xi32, #tpu.memory_space<hbm>>
      tpu.enqueue_dma source(%dma_start3A_307 : memref<80x128xi32, #tpu.memory_space<hbm>>) target(%arg4 : memref<80x128xi32, #tpu.memory_space<vmem>>) target_semaphore(%run_scoped3A : memref<!tpu.dma_semaphore, #tpu.memory_space<semaphore_mem>>)
      %dma_wait3A = arith.constant 0 : i32
      %dma_wait3A_308 = arith.constant 0 : i32
      %dma_wait3A_309 = tpu.memref_slice %arg2[%add3A, %dma_wait3A, %dma_wait3A_308] : memref<32x80x128xi32, #tpu.memory_space<hbm>> -> memref<1x80x128xi32, #tpu.memory_space<hbm>>
      %dma_wait3A_310 = tpu.memref_squeeze %dma_wait3A_309 : memref<1x80x128xi32, #tpu.memory_space<hbm>> -> memref<80x128xi32, #tpu.memory_space<hbm>>
      %dma_wait3A_311 = arith.constant 0 : i32
      %dma_wait3A_312 = arith.constant 0 : i32
      %dma_wait3A_313 = tpu.memref_slice %arg2[%add3A, %dma_wait3A_311, %dma_wait3A_312] : memref<32x80x128xi32, #tpu.memory_space<hbm>> -> memref<1x80x128xi32, #tpu.memory_space<hbm>>
      %dma_wait3A_314 = tpu.memref_squeeze %dma_wait3A_313 : memref<1x80x128xi32, #tpu.memory_space<hbm>> -> memref<80x128xi32, #tpu.memory_space<hbm>>
      tpu.wait_dma2 semaphore(%run_scoped3A : memref<!tpu.dma_semaphore, #tpu.memory_space<semaphore_mem>>) src(%dma_wait3A_314 : memref<80x128xi32, #tpu.memory_space<hbm>>) dst(%arg4 : memref<80x128xi32, #tpu.memory_space<vmem>>)
      tpu.yield
    }) : () -> ()
    %barrier3A = arith.constant 0 : index
    tpu.barrier barrier_id(%barrier3A)
    %scan3A = arith.constant 0 : i32
    %scan3A_289 = arith.constant 0 : i32
    %scan3A_290 = arith.constant 80 : i32
    %scan3A_291 = arith.addi %scan3A_289, %scan3A_290 : i32
    %scan3A_292 = arith.constant 1 : i32
    scf.for %scan3A_301 = %scan3A_289 to %scan3A_291 step %scan3A_292  : i32 {
      %dma_start3A = arith.constant 0 : i32
      %dma_start3A_302 = tpu.memref_slice %arg4[%scan3A_301, %dma_start3A] : memref<80x128xi32, #tpu.memory_space<vmem>> -> memref<1x128xi32, #tpu.memory_space<vmem>>
      %dma_start3A_303 = tpu.memref_squeeze %dma_start3A_302 : memref<1x128xi32, #tpu.memory_space<vmem>> -> memref<128xi32, #tpu.memory_space<vmem>>
      %dma_start3A_304 = arith.constant 0 : i32
      %dma_start3A_305 = tpu.memref_slice %arg8[%dma_start3A_304] : memref<10240xf32, #tpu.memory_space<vmem_shared>> -> memref<10240xf32, #tpu.memory_space<vmem_shared>>
      tpu.enqueue_indirect_dma source(%arg5 : memref<128xf32, #tpu.memory_space<vmem>>) target(%dma_start3A_305 : memref<10240xf32, #tpu.memory_space<vmem_shared>>) offsets(%dma_start3A_303 : memref<128xi32, #tpu.memory_space<vmem>>) semaphore(%arg7 : memref<!tpu.dma_semaphore, #tpu.memory_space<semaphore_mem>>) {add = true}
    }
    %scan3A_293 = arith.constant 80 : i32
    %scan3A_294 = arith.constant 0 : i32
    %scan3A_295 = arith.constant 0 : i32
    %scan3A_296 = arith.constant 80 : i32
    %scan3A_297 = arith.addi %scan3A_295, %scan3A_296 : i32
    %scan3A_298 = arith.constant 1 : i32
    scf.for %scan3A_301 = %scan3A_295 to %scan3A_297 step %scan3A_298  : i32 {
      %dma_wait3A = arith.constant 0 : i32
      %dma_wait3A_302 = tpu.memref_slice %arg4[%scan3A_301, %dma_wait3A] : memref<80x128xi32, #tpu.memory_space<vmem>> -> memref<1x128xi32, #tpu.memory_space<vmem>>
      %dma_wait3A_303 = tpu.memref_squeeze %dma_wait3A_302 : memref<1x128xi32, #tpu.memory_space<vmem>> -> memref<128xi32, #tpu.memory_space<vmem>>
      %dma_wait3A_304 = arith.constant 0 : i32
      %dma_wait3A_305 = tpu.memref_slice %arg8[%dma_wait3A_304] : memref<10240xf32, #tpu.memory_space<vmem_shared>> -> memref<10240xf32, #tpu.memory_space<vmem_shared>>
      tpu.wait_indirect_dma semaphore(%arg7 : memref<!tpu.dma_semaphore, #tpu.memory_space<semaphore_mem>>) src(%arg5 : memref<128xf32, #tpu.memory_space<vmem>>) dst(%dma_wait3A_305 : memref<10240xf32, #tpu.memory_space<vmem_shared>>)
    }
    %scan3A_299 = arith.constant 80 : i32
    %barrier3A_300 = arith.constant 0 : index
    tpu.barrier barrier_id(%barrier3A_300)
    "tpu.region"() ({
      %run_scoped3A = tpu.sem_alloc : memref<!tpu.dma_semaphore, #tpu.memory_space<semaphore_mem>>
      %dma_start3A = tpu.memref_slice %arg3[%arg0, %mul3A_2] : memref<2x10240xf32, #tpu.memory_space<hbm>> -> memref<1x640xf32, #tpu.memory_space<hbm>>
      %dma_start3A_301 = tpu.memref_squeeze %dma_start3A : memref<1x640xf32, #tpu.memory_space<hbm>> -> memref<640xf32, #tpu.memory_space<hbm>>
      %dma_start3A_302 = tpu.memref_slice %arg8[%mul3A_2] : memref<10240xf32, #tpu.memory_space<vmem_shared>> -> memref<640xf32, #tpu.memory_space<vmem_shared>>
      tpu.enqueue_dma source(%dma_start3A_302 : memref<640xf32, #tpu.memory_space<vmem_shared>>) target(%dma_start3A_301 : memref<640xf32, #tpu.memory_space<hbm>>) target_semaphore(%run_scoped3A : memref<!tpu.dma_semaphore, #tpu.memory_space<semaphore_mem>>)
      %dma_wait3A = tpu.memref_slice %arg3[%arg0, %mul3A_2] : memref<2x10240xf32, #tpu.memory_space<hbm>> -> memref<1x640xf32, #tpu.memory_space<hbm>>
      %dma_wait3A_303 = tpu.memref_squeeze %dma_wait3A : memref<1x640xf32, #tpu.memory_space<hbm>> -> memref<640xf32, #tpu.memory_space<hbm>>
      %dma_wait3A_304 = tpu.memref_slice %arg8[%mul3A_2] : memref<10240xf32, #tpu.memory_space<vmem_shared>> -> memref<640xf32, #tpu.memory_space<vmem_shared>>
      tpu.wait_dma2 semaphore(%run_scoped3A : memref<!tpu.dma_semaphore, #tpu.memory_space<semaphore_mem>>) src(%dma_wait3A_304 : memref<640xf32, #tpu.memory_space<vmem_shared>>) dst(%dma_wait3A_303 : memref<640xf32, #tpu.memory_space<hbm>>)
      tpu.yield
    }) : () -> ()
    return
  }
}

#map = affine_map<(d0, d1) -> (0, 0)>
#map1 = affine_map<(d0, d1) -> (0, 0, 0)>
module attributes {stable_mosaic.version = 14 : i64} {
  func.func @_prop_body(%arg0: i32, %arg1: i32, %arg2: memref<10000x64xbf16, #tpu.memory_space<hbm>>, %arg3: memref<32x80x128xi32, #tpu.memory_space<hbm>>, %arg4: memref<32x80x128xi32, #tpu.memory_space<hbm>>, %arg5: memref<2x10240x64xbf16, #tpu.memory_space<hbm>>, %arg6: memref<80x128xi32, #tpu.memory_space<vmem>>, %arg7: memref<80x128xi32, #tpu.memory_space<vmem>>, %arg8: memref<128x64xbf16, #tpu.memory_space<vmem>>, %arg9: memref<128x64xbf16, #tpu.memory_space<vmem>>, %arg10: memref<128x64xbf16, #tpu.memory_space<vmem>>, %arg11: memref<128x64xbf16, #tpu.memory_space<vmem>>, %arg12: memref<128x64xbf16, #tpu.memory_space<vmem>>, %arg13: memref<128x64xbf16, #tpu.memory_space<vmem>>, %arg14: memref<!tpu.dma_semaphore, #tpu.memory_space<semaphore_mem>>, %arg15: memref<!tpu.dma_semaphore, #tpu.memory_space<semaphore_mem>>, %arg16: memref<!tpu.dma_semaphore, #tpu.memory_space<semaphore_mem>>, %arg17: memref<!tpu.dma_semaphore, #tpu.memory_space<semaphore_mem>>, %arg18: memref<!tpu.dma_semaphore, #tpu.memory_space<semaphore_mem>>, %arg19: memref<!tpu.dma_semaphore, #tpu.memory_space<semaphore_mem>>, %arg20: memref<!tpu.dma_semaphore, #tpu.memory_space<semaphore_mem>>, %arg21: memref<!tpu.dma_semaphore, #tpu.memory_space<semaphore_mem>>, %arg22: memref<80x64xbf16, #tpu.memory_space<vmem>>, %arg23: memref<10240x64xbf16, #tpu.memory_space<vmem_shared>>) attributes {dimension_semantics = [#tpu.dimension_semantics<core_parallel>, #tpu.dimension_semantics<subcore_parallel>], iteration_bounds = array<i64: 2, 16>, scalar_prefetch = 0 : i64, scratch_operands = 18 : i64, tpu.core_type = #tpu.core_type<sc_vector_subcore>, window_params = [{transform_indices = #map}, {transform_indices = #map1}, {transform_indices = #map1}, {transform_indices = #map1}]} {
    %mul3A = arith.constant 16 : i32
    %mul3A_0 = arith.muli %arg0, %mul3A : i32
    %add3A = arith.addi %mul3A_0, %arg1 : i32
    %mul3A_1 = arith.constant 640 : i32
    %mul3A_2 = arith.muli %arg1, %mul3A_1 : i32
    %broadcast_in_dim3A = arith.constant 0.000000e+00 : bf16
    %broadcast_in_dim3A_3 = vector.broadcast %broadcast_in_dim3A : bf16 to vector<32xbf16>
    %scan3A = arith.constant 0 : i32
    %scan3A_4 = arith.constant 0 : i32
    %scan3A_5 = arith.constant 80 : i32
    %scan3A_6 = arith.addi %scan3A_4, %scan3A_5 : i32
    %scan3A_7 = arith.constant 1 : i32
    scf.for %scan3A_254 = %scan3A_4 to %scan3A_6 step %scan3A_7  : i32 {
      %swap3A = arith.index_cast %scan3A_254 : i32 to index
      %swap3A_255 = arith.constant 0 : index
      %swap3A_256 = tpu.vector_load %arg22[%swap3A, %swap3A_255] {strides = array<i32>} : memref<80x64xbf16, #tpu.memory_space<vmem>>, vector<1x32xbf16>,
      %swap3A_257 = vector.shape_cast %swap3A_256 : vector<1x32xbf16> to vector<32xbf16>
      %swap3A_258 = vector.shape_cast %broadcast_in_dim3A_3 : vector<32xbf16> to vector<1x32xbf16>
      tpu.vector_store %arg22[%swap3A, %swap3A_255], %swap3A_258 {strides = array<i32>} : memref<80x64xbf16, #tpu.memory_space<vmem>>, vector<1x32xbf16>,
      %swap3A_259 = arith.index_cast %scan3A_254 : i32 to index
      %swap3A_260 = arith.constant 32 : index
      %swap3A_261 = tpu.vector_load %arg22[%swap3A_259, %swap3A_260] {strides = array<i32>} : memref<80x64xbf16, #tpu.memory_space<vmem>>, vector<1x32xbf16>,
      %swap3A_262 = vector.shape_cast %swap3A_261 : vector<1x32xbf16> to vector<32xbf16>
      %swap3A_263 = vector.shape_cast %broadcast_in_dim3A_3 : vector<32xbf16> to vector<1x32xbf16>
      tpu.vector_store %arg22[%swap3A_259, %swap3A_260], %swap3A_263 {strides = array<i32>} : memref<80x64xbf16, #tpu.memory_space<vmem>>, vector<1x32xbf16>,
    }
    %scan3A_8 = arith.constant 80 : i32
    %add3A_9 = arith.constant 0 : i32
    %add3A_10 = arith.addi %mul3A_2, %add3A_9 : i32
    "tpu.region"() ({
      %run_scoped3A = tpu.sem_alloc : memref<!tpu.dma_semaphore, #tpu.memory_space<semaphore_mem>>
      %dma_start3A_254 = arith.constant 0 : i32
      %dma_start3A_255 = tpu.memref_slice %arg23[%add3A_10, %dma_start3A_254] : memref<10240x64xbf16, #tpu.memory_space<vmem_shared>> -> memref<80x64xbf16, #tpu.memory_space<vmem_shared>>
      %dma_start3A_256 = arith.constant 0 : i32
      %dma_start3A_257 = tpu.memref_slice %arg23[%add3A_10, %dma_start3A_256] : memref<10240x64xbf16, #tpu.memory_space<vmem_shared>> -> memref<80x64xbf16, #tpu.memory_space<vmem_shared>>
      tpu.enqueue_dma source(%arg22 : memref<80x64xbf16, #tpu.memory_space<vmem>>) target(%dma_start3A_257 : memref<80x64xbf16, #tpu.memory_space<vmem_shared>>) target_semaphore(%run_scoped3A : memref<!tpu.dma_semaphore, #tpu.memory_space<semaphore_mem>>)
      %dma_wait3A_258 = arith.constant 0 : i32
      %dma_wait3A_259 = tpu.memref_slice %arg23[%add3A_10, %dma_wait3A_258] : memref<10240x64xbf16, #tpu.memory_space<vmem_shared>> -> memref<80x64xbf16, #tpu.memory_space<vmem_shared>>
      %dma_wait3A_260 = arith.constant 0 : i32
      %dma_wait3A_261 = tpu.memref_slice %arg23[%add3A_10, %dma_wait3A_260] : memref<10240x64xbf16, #tpu.memory_space<vmem_shared>> -> memref<80x64xbf16, #tpu.memory_space<vmem_shared>>
      tpu.wait_dma2 semaphore(%run_scoped3A : memref<!tpu.dma_semaphore, #tpu.memory_space<semaphore_mem>>) src(%arg22 : memref<80x64xbf16, #tpu.memory_space<vmem>>) dst(%dma_wait3A_261 : memref<80x64xbf16, #tpu.memory_space<vmem_shared>>)
      tpu.yield
    }) : () -> ()
    %add3A_11 = arith.constant 80 : i32
    %add3A_12 = arith.addi %mul3A_2, %add3A_11 : i32
    "tpu.region"() ({
      %run_scoped3A = tpu.sem_alloc : memref<!tpu.dma_semaphore, #tpu.memory_space<semaphore_mem>>
      %dma_start3A_254 = arith.constant 0 : i32
      %dma_start3A_255 = tpu.memref_slice %arg23[%add3A_12, %dma_start3A_254] : memref<10240x64xbf16, #tpu.memory_space<vmem_shared>> -> memref<80x64xbf16, #tpu.memory_space<vmem_shared>>
      %dma_start3A_256 = arith.constant 0 : i32
      %dma_start3A_257 = tpu.memref_slice %arg23[%add3A_12, %dma_start3A_256] : memref<10240x64xbf16, #tpu.memory_space<vmem_shared>> -> memref<80x64xbf16, #tpu.memory_space<vmem_shared>>
      tpu.enqueue_dma source(%arg22 : memref<80x64xbf16, #tpu.memory_space<vmem>>) target(%dma_start3A_257 : memref<80x64xbf16, #tpu.memory_space<vmem_shared>>) target_semaphore(%run_scoped3A : memref<!tpu.dma_semaphore, #tpu.memory_space<semaphore_mem>>)
      %dma_wait3A_258 = arith.constant 0 : i32
      %dma_wait3A_259 = tpu.memref_slice %arg23[%add3A_12, %dma_wait3A_258] : memref<10240x64xbf16, #tpu.memory_space<vmem_shared>> -> memref<80x64xbf16, #tpu.memory_space<vmem_shared>>
      %dma_wait3A_260 = arith.constant 0 : i32
      %dma_wait3A_261 = tpu.memref_slice %arg23[%add3A_12, %dma_wait3A_260] : memref<10240x64xbf16, #tpu.memory_space<vmem_shared>> -> memref<80x64xbf16, #tpu.memory_space<vmem_shared>>
      tpu.wait_dma2 semaphore(%run_scoped3A : memref<!tpu.dma_semaphore, #tpu.memory_space<semaphore_mem>>) src(%arg22 : memref<80x64xbf16, #tpu.memory_space<vmem>>) dst(%dma_wait3A_261 : memref<80x64xbf16, #tpu.memory_space<vmem_shared>>)
      tpu.yield
    }) : () -> ()
    %add3A_13 = arith.constant 160 : i32
    %add3A_14 = arith.addi %mul3A_2, %add3A_13 : i32
    "tpu.region"() ({
      %run_scoped3A = tpu.sem_alloc : memref<!tpu.dma_semaphore, #tpu.memory_space<semaphore_mem>>
      %dma_start3A_254 = arith.constant 0 : i32
      %dma_start3A_255 = tpu.memref_slice %arg23[%add3A_14, %dma_start3A_254] : memref<10240x64xbf16, #tpu.memory_space<vmem_shared>> -> memref<80x64xbf16, #tpu.memory_space<vmem_shared>>
      %dma_start3A_256 = arith.constant 0 : i32
      %dma_start3A_257 = tpu.memref_slice %arg23[%add3A_14, %dma_start3A_256] : memref<10240x64xbf16, #tpu.memory_space<vmem_shared>> -> memref<80x64xbf16, #tpu.memory_space<vmem_shared>>
      tpu.enqueue_dma source(%arg22 : memref<80x64xbf16, #tpu.memory_space<vmem>>) target(%dma_start3A_257 : memref<80x64xbf16, #tpu.memory_space<vmem_shared>>) target_semaphore(%run_scoped3A : memref<!tpu.dma_semaphore, #tpu.memory_space<semaphore_mem>>)
      %dma_wait3A_258 = arith.constant 0 : i32
      %dma_wait3A_259 = tpu.memref_slice %arg23[%add3A_14, %dma_wait3A_258] : memref<10240x64xbf16, #tpu.memory_space<vmem_shared>> -> memref<80x64xbf16, #tpu.memory_space<vmem_shared>>
      %dma_wait3A_260 = arith.constant 0 : i32
      %dma_wait3A_261 = tpu.memref_slice %arg23[%add3A_14, %dma_wait3A_260] : memref<10240x64xbf16, #tpu.memory_space<vmem_shared>> -> memref<80x64xbf16, #tpu.memory_space<vmem_shared>>
      tpu.wait_dma2 semaphore(%run_scoped3A : memref<!tpu.dma_semaphore, #tpu.memory_space<semaphore_mem>>) src(%arg22 : memref<80x64xbf16, #tpu.memory_space<vmem>>) dst(%dma_wait3A_261 : memref<80x64xbf16, #tpu.memory_space<vmem_shared>>)
      tpu.yield
    }) : () -> ()
    %add3A_15 = arith.constant 240 : i32
    %add3A_16 = arith.addi %mul3A_2, %add3A_15 : i32
    "tpu.region"() ({
      %run_scoped3A = tpu.sem_alloc : memref<!tpu.dma_semaphore, #tpu.memory_space<semaphore_mem>>
      %dma_start3A_254 = arith.constant 0 : i32
      %dma_start3A_255 = tpu.memref_slice %arg23[%add3A_16, %dma_start3A_254] : memref<10240x64xbf16, #tpu.memory_space<vmem_shared>> -> memref<80x64xbf16, #tpu.memory_space<vmem_shared>>
      %dma_start3A_256 = arith.constant 0 : i32
      %dma_start3A_257 = tpu.memref_slice %arg23[%add3A_16, %dma_start3A_256] : memref<10240x64xbf16, #tpu.memory_space<vmem_shared>> -> memref<80x64xbf16, #tpu.memory_space<vmem_shared>>
      tpu.enqueue_dma source(%arg22 : memref<80x64xbf16, #tpu.memory_space<vmem>>) target(%dma_start3A_257 : memref<80x64xbf16, #tpu.memory_space<vmem_shared>>) target_semaphore(%run_scoped3A : memref<!tpu.dma_semaphore, #tpu.memory_space<semaphore_mem>>)
      %dma_wait3A_258 = arith.constant 0 : i32
      %dma_wait3A_259 = tpu.memref_slice %arg23[%add3A_16, %dma_wait3A_258] : memref<10240x64xbf16, #tpu.memory_space<vmem_shared>> -> memref<80x64xbf16, #tpu.memory_space<vmem_shared>>
      %dma_wait3A_260 = arith.constant 0 : i32
      %dma_wait3A_261 = tpu.memref_slice %arg23[%add3A_16, %dma_wait3A_260] : memref<10240x64xbf16, #tpu.memory_space<vmem_shared>> -> memref<80x64xbf16, #tpu.memory_space<vmem_shared>>
      tpu.wait_dma2 semaphore(%run_scoped3A : memref<!tpu.dma_semaphore, #tpu.memory_space<semaphore_mem>>) src(%arg22 : memref<80x64xbf16, #tpu.memory_space<vmem>>) dst(%dma_wait3A_261 : memref<80x64xbf16, #tpu.memory_space<vmem_shared>>)
      tpu.yield
    }) : () -> ()
    %add3A_17 = arith.constant 320 : i32
    %add3A_18 = arith.addi %mul3A_2, %add3A_17 : i32
    "tpu.region"() ({
      %run_scoped3A = tpu.sem_alloc : memref<!tpu.dma_semaphore, #tpu.memory_space<semaphore_mem>>
      %dma_start3A_254 = arith.constant 0 : i32
      %dma_start3A_255 = tpu.memref_slice %arg23[%add3A_18, %dma_start3A_254] : memref<10240x64xbf16, #tpu.memory_space<vmem_shared>> -> memref<80x64xbf16, #tpu.memory_space<vmem_shared>>
      %dma_start3A_256 = arith.constant 0 : i32
      %dma_start3A_257 = tpu.memref_slice %arg23[%add3A_18, %dma_start3A_256] : memref<10240x64xbf16, #tpu.memory_space<vmem_shared>> -> memref<80x64xbf16, #tpu.memory_space<vmem_shared>>
      tpu.enqueue_dma source(%arg22 : memref<80x64xbf16, #tpu.memory_space<vmem>>) target(%dma_start3A_257 : memref<80x64xbf16, #tpu.memory_space<vmem_shared>>) target_semaphore(%run_scoped3A : memref<!tpu.dma_semaphore, #tpu.memory_space<semaphore_mem>>)
      %dma_wait3A_258 = arith.constant 0 : i32
      %dma_wait3A_259 = tpu.memref_slice %arg23[%add3A_18, %dma_wait3A_258] : memref<10240x64xbf16, #tpu.memory_space<vmem_shared>> -> memref<80x64xbf16, #tpu.memory_space<vmem_shared>>
      %dma_wait3A_260 = arith.constant 0 : i32
      %dma_wait3A_261 = tpu.memref_slice %arg23[%add3A_18, %dma_wait3A_260] : memref<10240x64xbf16, #tpu.memory_space<vmem_shared>> -> memref<80x64xbf16, #tpu.memory_space<vmem_shared>>
      tpu.wait_dma2 semaphore(%run_scoped3A : memref<!tpu.dma_semaphore, #tpu.memory_space<semaphore_mem>>) src(%arg22 : memref<80x64xbf16, #tpu.memory_space<vmem>>) dst(%dma_wait3A_261 : memref<80x64xbf16, #tpu.memory_space<vmem_shared>>)
      tpu.yield
    }) : () -> ()
    %add3A_19 = arith.constant 400 : i32
    %add3A_20 = arith.addi %mul3A_2, %add3A_19 : i32
    "tpu.region"() ({
      %run_scoped3A = tpu.sem_alloc : memref<!tpu.dma_semaphore, #tpu.memory_space<semaphore_mem>>
      %dma_start3A_254 = arith.constant 0 : i32
      %dma_start3A_255 = tpu.memref_slice %arg23[%add3A_20, %dma_start3A_254] : memref<10240x64xbf16, #tpu.memory_space<vmem_shared>> -> memref<80x64xbf16, #tpu.memory_space<vmem_shared>>
      %dma_start3A_256 = arith.constant 0 : i32
      %dma_start3A_257 = tpu.memref_slice %arg23[%add3A_20, %dma_start3A_256] : memref<10240x64xbf16, #tpu.memory_space<vmem_shared>> -> memref<80x64xbf16, #tpu.memory_space<vmem_shared>>
      tpu.enqueue_dma source(%arg22 : memref<80x64xbf16, #tpu.memory_space<vmem>>) target(%dma_start3A_257 : memref<80x64xbf16, #tpu.memory_space<vmem_shared>>) target_semaphore(%run_scoped3A : memref<!tpu.dma_semaphore, #tpu.memory_space<semaphore_mem>>)
      %dma_wait3A_258 = arith.constant 0 : i32
      %dma_wait3A_259 = tpu.memref_slice %arg23[%add3A_20, %dma_wait3A_258] : memref<10240x64xbf16, #tpu.memory_space<vmem_shared>> -> memref<80x64xbf16, #tpu.memory_space<vmem_shared>>
      %dma_wait3A_260 = arith.constant 0 : i32
      %dma_wait3A_261 = tpu.memref_slice %arg23[%add3A_20, %dma_wait3A_260] : memref<10240x64xbf16, #tpu.memory_space<vmem_shared>> -> memref<80x64xbf16, #tpu.memory_space<vmem_shared>>
      tpu.wait_dma2 semaphore(%run_scoped3A : memref<!tpu.dma_semaphore, #tpu.memory_space<semaphore_mem>>) src(%arg22 : memref<80x64xbf16, #tpu.memory_space<vmem>>) dst(%dma_wait3A_261 : memref<80x64xbf16, #tpu.memory_space<vmem_shared>>)
      tpu.yield
    }) : () -> ()
    %add3A_21 = arith.constant 480 : i32
    %add3A_22 = arith.addi %mul3A_2, %add3A_21 : i32
    "tpu.region"() ({
      %run_scoped3A = tpu.sem_alloc : memref<!tpu.dma_semaphore, #tpu.memory_space<semaphore_mem>>
      %dma_start3A_254 = arith.constant 0 : i32
      %dma_start3A_255 = tpu.memref_slice %arg23[%add3A_22, %dma_start3A_254] : memref<10240x64xbf16, #tpu.memory_space<vmem_shared>> -> memref<80x64xbf16, #tpu.memory_space<vmem_shared>>
      %dma_start3A_256 = arith.constant 0 : i32
      %dma_start3A_257 = tpu.memref_slice %arg23[%add3A_22, %dma_start3A_256] : memref<10240x64xbf16, #tpu.memory_space<vmem_shared>> -> memref<80x64xbf16, #tpu.memory_space<vmem_shared>>
      tpu.enqueue_dma source(%arg22 : memref<80x64xbf16, #tpu.memory_space<vmem>>) target(%dma_start3A_257 : memref<80x64xbf16, #tpu.memory_space<vmem_shared>>) target_semaphore(%run_scoped3A : memref<!tpu.dma_semaphore, #tpu.memory_space<semaphore_mem>>)
      %dma_wait3A_258 = arith.constant 0 : i32
      %dma_wait3A_259 = tpu.memref_slice %arg23[%add3A_22, %dma_wait3A_258] : memref<10240x64xbf16, #tpu.memory_space<vmem_shared>> -> memref<80x64xbf16, #tpu.memory_space<vmem_shared>>
      %dma_wait3A_260 = arith.constant 0 : i32
      %dma_wait3A_261 = tpu.memref_slice %arg23[%add3A_22, %dma_wait3A_260] : memref<10240x64xbf16, #tpu.memory_space<vmem_shared>> -> memref<80x64xbf16, #tpu.memory_space<vmem_shared>>
      tpu.wait_dma2 semaphore(%run_scoped3A : memref<!tpu.dma_semaphore, #tpu.memory_space<semaphore_mem>>) src(%arg22 : memref<80x64xbf16, #tpu.memory_space<vmem>>) dst(%dma_wait3A_261 : memref<80x64xbf16, #tpu.memory_space<vmem_shared>>)
      tpu.yield
    }) : () -> ()
    %add3A_23 = arith.constant 560 : i32
    %add3A_24 = arith.addi %mul3A_2, %add3A_23 : i32
    "tpu.region"() ({
      %run_scoped3A = tpu.sem_alloc : memref<!tpu.dma_semaphore, #tpu.memory_space<semaphore_mem>>
      %dma_start3A_254 = arith.constant 0 : i32
      %dma_start3A_255 = tpu.memref_slice %arg23[%add3A_24, %dma_start3A_254] : memref<10240x64xbf16, #tpu.memory_space<vmem_shared>> -> memref<80x64xbf16, #tpu.memory_space<vmem_shared>>
      %dma_start3A_256 = arith.constant 0 : i32
      %dma_start3A_257 = tpu.memref_slice %arg23[%add3A_24, %dma_start3A_256] : memref<10240x64xbf16, #tpu.memory_space<vmem_shared>> -> memref<80x64xbf16, #tpu.memory_space<vmem_shared>>
      tpu.enqueue_dma source(%arg22 : memref<80x64xbf16, #tpu.memory_space<vmem>>) target(%dma_start3A_257 : memref<80x64xbf16, #tpu.memory_space<vmem_shared>>) target_semaphore(%run_scoped3A : memref<!tpu.dma_semaphore, #tpu.memory_space<semaphore_mem>>)
      %dma_wait3A_258 = arith.constant 0 : i32
      %dma_wait3A_259 = tpu.memref_slice %arg23[%add3A_24, %dma_wait3A_258] : memref<10240x64xbf16, #tpu.memory_space<vmem_shared>> -> memref<80x64xbf16, #tpu.memory_space<vmem_shared>>
      %dma_wait3A_260 = arith.constant 0 : i32
      %dma_wait3A_261 = tpu.memref_slice %arg23[%add3A_24, %dma_wait3A_260] : memref<10240x64xbf16, #tpu.memory_space<vmem_shared>> -> memref<80x64xbf16, #tpu.memory_space<vmem_shared>>
      tpu.wait_dma2 semaphore(%run_scoped3A : memref<!tpu.dma_semaphore, #tpu.memory_space<semaphore_mem>>) src(%arg22 : memref<80x64xbf16, #tpu.memory_space<vmem>>) dst(%dma_wait3A_261 : memref<80x64xbf16, #tpu.memory_space<vmem_shared>>)
      tpu.yield
    }) : () -> ()
    "tpu.region"() ({
      %run_scoped3A = tpu.sem_alloc : memref<!tpu.dma_semaphore, #tpu.memory_space<semaphore_mem>>
      %dma_start3A_254 = arith.constant 0 : i32
      %dma_start3A_255 = arith.constant 0 : i32
      %dma_start3A_256 = tpu.memref_slice %arg3[%add3A, %dma_start3A_254, %dma_start3A_255] : memref<32x80x128xi32, #tpu.memory_space<hbm>> -> memref<1x80x128xi32, #tpu.memory_space<hbm>>
      %dma_start3A_257 = tpu.memref_squeeze %dma_start3A_256 : memref<1x80x128xi32, #tpu.memory_space<hbm>> -> memref<80x128xi32, #tpu.memory_space<hbm>>
      %dma_start3A_258 = arith.constant 0 : i32
      %dma_start3A_259 = arith.constant 0 : i32
      %dma_start3A_260 = tpu.memref_slice %arg3[%add3A, %dma_start3A_258, %dma_start3A_259] : memref<32x80x128xi32, #tpu.memory_space<hbm>> -> memref<1x80x128xi32, #tpu.memory_space<hbm>>
      %dma_start3A_261 = tpu.memref_squeeze %dma_start3A_260 : memref<1x80x128xi32, #tpu.memory_space<hbm>> -> memref<80x128xi32, #tpu.memory_space<hbm>>
      tpu.enqueue_dma source(%dma_start3A_261 : memref<80x128xi32, #tpu.memory_space<hbm>>) target(%arg6 : memref<80x128xi32, #tpu.memory_space<vmem>>) target_semaphore(%run_scoped3A : memref<!tpu.dma_semaphore, #tpu.memory_space<semaphore_mem>>)
      %dma_wait3A_262 = arith.constant 0 : i32
      %dma_wait3A_263 = arith.constant 0 : i32
      %dma_wait3A_264 = tpu.memref_slice %arg3[%add3A, %dma_wait3A_262, %dma_wait3A_263] : memref<32x80x128xi32, #tpu.memory_space<hbm>> -> memref<1x80x128xi32, #tpu.memory_space<hbm>>
      %dma_wait3A_265 = tpu.memref_squeeze %dma_wait3A_264 : memref<1x80x128xi32, #tpu.memory_space<hbm>> -> memref<80x128xi32, #tpu.memory_space<hbm>>
      %dma_wait3A_266 = arith.constant 0 : i32
      %dma_wait3A_267 = arith.constant 0 : i32
      %dma_wait3A_268 = tpu.memref_slice %arg3[%add3A, %dma_wait3A_266, %dma_wait3A_267] : memref<32x80x128xi32, #tpu.memory_space<hbm>> -> memref<1x80x128xi32, #tpu.memory_space<hbm>>
      %dma_wait3A_269 = tpu.memref_squeeze %dma_wait3A_268 : memref<1x80x128xi32, #tpu.memory_space<hbm>> -> memref<80x128xi32, #tpu.memory_space<hbm>>
      tpu.wait_dma2 semaphore(%run_scoped3A : memref<!tpu.dma_semaphore, #tpu.memory_space<semaphore_mem>>) src(%dma_wait3A_269 : memref<80x128xi32, #tpu.memory_space<hbm>>) dst(%arg6 : memref<80x128xi32, #tpu.memory_space<vmem>>)
      tpu.yield
    }) : () -> ()
    "tpu.region"() ({
      %run_scoped3A = tpu.sem_alloc : memref<!tpu.dma_semaphore, #tpu.memory_space<semaphore_mem>>
      %dma_start3A_254 = arith.constant 0 : i32
      %dma_start3A_255 = arith.constant 0 : i32
      %dma_start3A_256 = tpu.memref_slice %arg4[%add3A, %dma_start3A_254, %dma_start3A_255] : memref<32x80x128xi32, #tpu.memory_space<hbm>> -> memref<1x80x128xi32, #tpu.memory_space<hbm>>
      %dma_start3A_257 = tpu.memref_squeeze %dma_start3A_256 : memref<1x80x128xi32, #tpu.memory_space<hbm>> -> memref<80x128xi32, #tpu.memory_space<hbm>>
      %dma_start3A_258 = arith.constant 0 : i32
      %dma_start3A_259 = arith.constant 0 : i32
      %dma_start3A_260 = tpu.memref_slice %arg4[%add3A, %dma_start3A_258, %dma_start3A_259] : memref<32x80x128xi32, #tpu.memory_space<hbm>> -> memref<1x80x128xi32, #tpu.memory_space<hbm>>
      %dma_start3A_261 = tpu.memref_squeeze %dma_start3A_260 : memref<1x80x128xi32, #tpu.memory_space<hbm>> -> memref<80x128xi32, #tpu.memory_space<hbm>>
      tpu.enqueue_dma source(%dma_start3A_261 : memref<80x128xi32, #tpu.memory_space<hbm>>) target(%arg7 : memref<80x128xi32, #tpu.memory_space<vmem>>) target_semaphore(%run_scoped3A : memref<!tpu.dma_semaphore, #tpu.memory_space<semaphore_mem>>)
      %dma_wait3A_262 = arith.constant 0 : i32
      %dma_wait3A_263 = arith.constant 0 : i32
      %dma_wait3A_264 = tpu.memref_slice %arg4[%add3A, %dma_wait3A_262, %dma_wait3A_263] : memref<32x80x128xi32, #tpu.memory_space<hbm>> -> memref<1x80x128xi32, #tpu.memory_space<hbm>>
      %dma_wait3A_265 = tpu.memref_squeeze %dma_wait3A_264 : memref<1x80x128xi32, #tpu.memory_space<hbm>> -> memref<80x128xi32, #tpu.memory_space<hbm>>
      %dma_wait3A_266 = arith.constant 0 : i32
      %dma_wait3A_267 = arith.constant 0 : i32
      %dma_wait3A_268 = tpu.memref_slice %arg4[%add3A, %dma_wait3A_266, %dma_wait3A_267] : memref<32x80x128xi32, #tpu.memory_space<hbm>> -> memref<1x80x128xi32, #tpu.memory_space<hbm>>
      %dma_wait3A_269 = tpu.memref_squeeze %dma_wait3A_268 : memref<1x80x128xi32, #tpu.memory_space<hbm>> -> memref<80x128xi32, #tpu.memory_space<hbm>>
      tpu.wait_dma2 semaphore(%run_scoped3A : memref<!tpu.dma_semaphore, #tpu.memory_space<semaphore_mem>>) src(%dma_wait3A_269 : memref<80x128xi32, #tpu.memory_space<hbm>>) dst(%arg7 : memref<80x128xi32, #tpu.memory_space<vmem>>)
      tpu.yield
    }) : () -> ()
    %dma_start3A = arith.constant 0 : i32
    %dma_start3A_25 = arith.constant 0 : i32
    %dma_start3A_26 = tpu.memref_slice %arg6[%dma_start3A, %dma_start3A_25] : memref<80x128xi32, #tpu.memory_space<vmem>> -> memref<1x128xi32, #tpu.memory_space<vmem>>
    %dma_start3A_27 = tpu.memref_squeeze %dma_start3A_26 : memref<1x128xi32, #tpu.memory_space<vmem>> -> memref<128xi32, #tpu.memory_space<vmem>>
    %dma_start3A_28 = arith.constant 0 : i32
    %dma_start3A_29 = arith.constant 0 : i32
    %dma_start3A_30 = tpu.memref_slice %arg2[%dma_start3A_28, %dma_start3A_29] : memref<10000x64xbf16, #tpu.memory_space<hbm>> -> memref<10000x64xbf16, #tpu.memory_space<hbm>>
    tpu.enqueue_indirect_dma source(%dma_start3A_30 : memref<10000x64xbf16, #tpu.memory_space<hbm>>) target(%arg8 : memref<128x64xbf16, #tpu.memory_space<vmem>>) offsets(%dma_start3A_27 : memref<128xi32, #tpu.memory_space<vmem>>) semaphore(%arg14 : memref<!tpu.dma_semaphore, #tpu.memory_space<semaphore_mem>>)
    %dma_start3A_31 = arith.constant 1 : i32
    %dma_start3A_32 = arith.constant 0 : i32
    %dma_start3A_33 = tpu.memref_slice %arg6[%dma_start3A_31, %dma_start3A_32] : memref<80x128xi32, #tpu.memory_space<vmem>> -> memref<1x128xi32, #tpu.memory_space<vmem>>
    %dma_start3A_34 = tpu.memref_squeeze %dma_start3A_33 : memref<1x128xi32, #tpu.memory_space<vmem>> -> memref<128xi32, #tpu.memory_space<vmem>>
    %dma_start3A_35 = arith.constant 0 : i32
    %dma_start3A_36 = arith.constant 0 : i32
    %dma_start3A_37 = tpu.memref_slice %arg2[%dma_start3A_35, %dma_start3A_36] : memref<10000x64xbf16, #tpu.memory_space<hbm>> -> memref<10000x64xbf16, #tpu.memory_space<hbm>>
    tpu.enqueue_indirect_dma source(%dma_start3A_37 : memref<10000x64xbf16, #tpu.memory_space<hbm>>) target(%arg9 : memref<128x64xbf16, #tpu.memory_space<vmem>>) offsets(%dma_start3A_34 : memref<128xi32, #tpu.memory_space<vmem>>) semaphore(%arg15 : memref<!tpu.dma_semaphore, #tpu.memory_space<semaphore_mem>>)
    %dma_start3A_38 = arith.constant 2 : i32
    %dma_start3A_39 = arith.constant 0 : i32
    %dma_start3A_40 = tpu.memref_slice %arg6[%dma_start3A_38, %dma_start3A_39] : memref<80x128xi32, #tpu.memory_space<vmem>> -> memref<1x128xi32, #tpu.memory_space<vmem>>
    %dma_start3A_41 = tpu.memref_squeeze %dma_start3A_40 : memref<1x128xi32, #tpu.memory_space<vmem>> -> memref<128xi32, #tpu.memory_space<vmem>>
    %dma_start3A_42 = arith.constant 0 : i32
    %dma_start3A_43 = arith.constant 0 : i32
    %dma_start3A_44 = tpu.memref_slice %arg2[%dma_start3A_42, %dma_start3A_43] : memref<10000x64xbf16, #tpu.memory_space<hbm>> -> memref<10000x64xbf16, #tpu.memory_space<hbm>>
    tpu.enqueue_indirect_dma source(%dma_start3A_44 : memref<10000x64xbf16, #tpu.memory_space<hbm>>) target(%arg10 : memref<128x64xbf16, #tpu.memory_space<vmem>>) offsets(%dma_start3A_41 : memref<128xi32, #tpu.memory_space<vmem>>) semaphore(%arg16 : memref<!tpu.dma_semaphore, #tpu.memory_space<semaphore_mem>>)
    %dma_start3A_45 = arith.constant 3 : i32
    %dma_start3A_46 = arith.constant 0 : i32
    %dma_start3A_47 = tpu.memref_slice %arg6[%dma_start3A_45, %dma_start3A_46] : memref<80x128xi32, #tpu.memory_space<vmem>> -> memref<1x128xi32, #tpu.memory_space<vmem>>
    %dma_start3A_48 = tpu.memref_squeeze %dma_start3A_47 : memref<1x128xi32, #tpu.memory_space<vmem>> -> memref<128xi32, #tpu.memory_space<vmem>>
    %dma_start3A_49 = arith.constant 0 : i32
    %dma_start3A_50 = arith.constant 0 : i32
    %dma_start3A_51 = tpu.memref_slice %arg2[%dma_start3A_49, %dma_start3A_50] : memref<10000x64xbf16, #tpu.memory_space<hbm>> -> memref<10000x64xbf16, #tpu.memory_space<hbm>>
    tpu.enqueue_indirect_dma source(%dma_start3A_51 : memref<10000x64xbf16, #tpu.memory_space<hbm>>) target(%arg11 : memref<128x64xbf16, #tpu.memory_space<vmem>>) offsets(%dma_start3A_48 : memref<128xi32, #tpu.memory_space<vmem>>) semaphore(%arg17 : memref<!tpu.dma_semaphore, #tpu.memory_space<semaphore_mem>>)
    %barrier3A = arith.constant 0 : index
    tpu.barrier barrier_id(%barrier3A)
    %dma_wait3A = arith.constant 0 : i32
    %dma_wait3A_52 = arith.constant 0 : i32
    %dma_wait3A_53 = tpu.memref_slice %arg6[%dma_wait3A, %dma_wait3A_52] : memref<80x128xi32, #tpu.memory_space<vmem>> -> memref<1x128xi32, #tpu.memory_space<vmem>>
    %dma_wait3A_54 = tpu.memref_squeeze %dma_wait3A_53 : memref<1x128xi32, #tpu.memory_space<vmem>> -> memref<128xi32, #tpu.memory_space<vmem>>
    %dma_wait3A_55 = arith.constant 0 : i32
    %dma_wait3A_56 = arith.constant 0 : i32
    %dma_wait3A_57 = tpu.memref_slice %arg2[%dma_wait3A_55, %dma_wait3A_56] : memref<10000x64xbf16, #tpu.memory_space<hbm>> -> memref<10000x64xbf16, #tpu.memory_space<hbm>>
    tpu.wait_indirect_dma semaphore(%arg14 : memref<!tpu.dma_semaphore, #tpu.memory_space<semaphore_mem>>) src(%dma_wait3A_57 : memref<10000x64xbf16, #tpu.memory_space<hbm>>) dst(%arg8 : memref<128x64xbf16, #tpu.memory_space<vmem>>)
    %dma_start3A_58 = arith.constant 0 : i32
    %dma_start3A_59 = arith.constant 0 : i32
    %dma_start3A_60 = tpu.memref_slice %arg7[%dma_start3A_58, %dma_start3A_59] : memref<80x128xi32, #tpu.memory_space<vmem>> -> memref<1x128xi32, #tpu.memory_space<vmem>>
    %dma_start3A_61 = tpu.memref_squeeze %dma_start3A_60 : memref<1x128xi32, #tpu.memory_space<vmem>> -> memref<128xi32, #tpu.memory_space<vmem>>
    %dma_start3A_62 = arith.constant 0 : i32
    %dma_start3A_63 = arith.constant 0 : i32
    %dma_start3A_64 = tpu.memref_slice %arg23[%dma_start3A_62, %dma_start3A_63] : memref<10240x64xbf16, #tpu.memory_space<vmem_shared>> -> memref<10240x64xbf16, #tpu.memory_space<vmem_shared>>
    tpu.enqueue_indirect_dma source(%arg8 : memref<128x64xbf16, #tpu.memory_space<vmem>>) target(%dma_start3A_64 : memref<10240x64xbf16, #tpu.memory_space<vmem_shared>>) offsets(%dma_start3A_61 : memref<128xi32, #tpu.memory_space<vmem>>) semaphore(%arg20 : memref<!tpu.dma_semaphore, #tpu.memory_space<semaphore_mem>>) {add = true}
    %dma_start3A_65 = arith.constant 4 : i32
    %dma_start3A_66 = arith.constant 0 : i32
    %dma_start3A_67 = tpu.memref_slice %arg6[%dma_start3A_65, %dma_start3A_66] : memref<80x128xi32, #tpu.memory_space<vmem>> -> memref<1x128xi32, #tpu.memory_space<vmem>>
    %dma_start3A_68 = tpu.memref_squeeze %dma_start3A_67 : memref<1x128xi32, #tpu.memory_space<vmem>> -> memref<128xi32, #tpu.memory_space<vmem>>
    %dma_start3A_69 = arith.constant 0 : i32
    %dma_start3A_70 = arith.constant 0 : i32
    %dma_start3A_71 = tpu.memref_slice %arg2[%dma_start3A_69, %dma_start3A_70] : memref<10000x64xbf16, #tpu.memory_space<hbm>> -> memref<10000x64xbf16, #tpu.memory_space<hbm>>
    tpu.enqueue_indirect_dma source(%dma_start3A_71 : memref<10000x64xbf16, #tpu.memory_space<hbm>>) target(%arg12 : memref<128x64xbf16, #tpu.memory_space<vmem>>) offsets(%dma_start3A_68 : memref<128xi32, #tpu.memory_space<vmem>>) semaphore(%arg18 : memref<!tpu.dma_semaphore, #tpu.memory_space<semaphore_mem>>)
    %dma_wait3A_72 = arith.constant 1 : i32
    %dma_wait3A_73 = arith.constant 0 : i32
    %dma_wait3A_74 = tpu.memref_slice %arg6[%dma_wait3A_72, %dma_wait3A_73] : memref<80x128xi32, #tpu.memory_space<vmem>> -> memref<1x128xi32, #tpu.memory_space<vmem>>
    %dma_wait3A_75 = tpu.memref_squeeze %dma_wait3A_74 : memref<1x128xi32, #tpu.memory_space<vmem>> -> memref<128xi32, #tpu.memory_space<vmem>>
    %dma_wait3A_76 = arith.constant 0 : i32
    %dma_wait3A_77 = arith.constant 0 : i32
    %dma_wait3A_78 = tpu.memref_slice %arg2[%dma_wait3A_76, %dma_wait3A_77] : memref<10000x64xbf16, #tpu.memory_space<hbm>> -> memref<10000x64xbf16, #tpu.memory_space<hbm>>
    tpu.wait_indirect_dma semaphore(%arg15 : memref<!tpu.dma_semaphore, #tpu.memory_space<semaphore_mem>>) src(%dma_wait3A_78 : memref<10000x64xbf16, #tpu.memory_space<hbm>>) dst(%arg9 : memref<128x64xbf16, #tpu.memory_space<vmem>>)
    %dma_start3A_79 = arith.constant 1 : i32
    %dma_start3A_80 = arith.constant 0 : i32
    %dma_start3A_81 = tpu.memref_slice %arg7[%dma_start3A_79, %dma_start3A_80] : memref<80x128xi32, #tpu.memory_space<vmem>> -> memref<1x128xi32, #tpu.memory_space<vmem>>
    %dma_start3A_82 = tpu.memref_squeeze %dma_start3A_81 : memref<1x128xi32, #tpu.memory_space<vmem>> -> memref<128xi32, #tpu.memory_space<vmem>>
    %dma_start3A_83 = arith.constant 0 : i32
    %dma_start3A_84 = arith.constant 0 : i32
    %dma_start3A_85 = tpu.memref_slice %arg23[%dma_start3A_83, %dma_start3A_84] : memref<10240x64xbf16, #tpu.memory_space<vmem_shared>> -> memref<10240x64xbf16, #tpu.memory_space<vmem_shared>>
    tpu.enqueue_indirect_dma source(%arg9 : memref<128x64xbf16, #tpu.memory_space<vmem>>) target(%dma_start3A_85 : memref<10240x64xbf16, #tpu.memory_space<vmem_shared>>) offsets(%dma_start3A_82 : memref<128xi32, #tpu.memory_space<vmem>>) semaphore(%arg21 : memref<!tpu.dma_semaphore, #tpu.memory_space<semaphore_mem>>) {add = true}
    %dma_start3A_86 = arith.constant 5 : i32
    %dma_start3A_87 = arith.constant 0 : i32
    %dma_start3A_88 = tpu.memref_slice %arg6[%dma_start3A_86, %dma_start3A_87] : memref<80x128xi32, #tpu.memory_space<vmem>> -> memref<1x128xi32, #tpu.memory_space<vmem>>
    %dma_start3A_89 = tpu.memref_squeeze %dma_start3A_88 : memref<1x128xi32, #tpu.memory_space<vmem>> -> memref<128xi32, #tpu.memory_space<vmem>>
    %dma_start3A_90 = arith.constant 0 : i32
    %dma_start3A_91 = arith.constant 0 : i32
    %dma_start3A_92 = tpu.memref_slice %arg2[%dma_start3A_90, %dma_start3A_91] : memref<10000x64xbf16, #tpu.memory_space<hbm>> -> memref<10000x64xbf16, #tpu.memory_space<hbm>>
    tpu.enqueue_indirect_dma source(%dma_start3A_92 : memref<10000x64xbf16, #tpu.memory_space<hbm>>) target(%arg13 : memref<128x64xbf16, #tpu.memory_space<vmem>>) offsets(%dma_start3A_89 : memref<128xi32, #tpu.memory_space<vmem>>) semaphore(%arg19 : memref<!tpu.dma_semaphore, #tpu.memory_space<semaphore_mem>>)
    %dma_wait3A_93 = arith.constant 2 : i32
    %dma_wait3A_94 = arith.constant 0 : i32
    %dma_wait3A_95 = tpu.memref_slice %arg6[%dma_wait3A_93, %dma_wait3A_94] : memref<80x128xi32, #tpu.memory_space<vmem>> -> memref<1x128xi32, #tpu.memory_space<vmem>>
    %dma_wait3A_96 = tpu.memref_squeeze %dma_wait3A_95 : memref<1x128xi32, #tpu.memory_space<vmem>> -> memref<128xi32, #tpu.memory_space<vmem>>
    %dma_wait3A_97 = arith.constant 0 : i32
    %dma_wait3A_98 = arith.constant 0 : i32
    %dma_wait3A_99 = tpu.memref_slice %arg2[%dma_wait3A_97, %dma_wait3A_98] : memref<10000x64xbf16, #tpu.memory_space<hbm>> -> memref<10000x64xbf16, #tpu.memory_space<hbm>>
    tpu.wait_indirect_dma semaphore(%arg16 : memref<!tpu.dma_semaphore, #tpu.memory_space<semaphore_mem>>) src(%dma_wait3A_99 : memref<10000x64xbf16, #tpu.memory_space<hbm>>) dst(%arg10 : memref<128x64xbf16, #tpu.memory_space<vmem>>)
    %dma_wait3A_100 = arith.constant 0 : i32
    %dma_wait3A_101 = arith.constant 0 : i32
    %dma_wait3A_102 = tpu.memref_slice %arg7[%dma_wait3A_100, %dma_wait3A_101] : memref<80x128xi32, #tpu.memory_space<vmem>> -> memref<1x128xi32, #tpu.memory_space<vmem>>
    %dma_wait3A_103 = tpu.memref_squeeze %dma_wait3A_102 : memref<1x128xi32, #tpu.memory_space<vmem>> -> memref<128xi32, #tpu.memory_space<vmem>>
    %dma_wait3A_104 = arith.constant 0 : i32
    %dma_wait3A_105 = arith.constant 0 : i32
    %dma_wait3A_106 = tpu.memref_slice %arg23[%dma_wait3A_104, %dma_wait3A_105] : memref<10240x64xbf16, #tpu.memory_space<vmem_shared>> -> memref<10240x64xbf16, #tpu.memory_space<vmem_shared>>
    tpu.wait_indirect_dma semaphore(%arg20 : memref<!tpu.dma_semaphore, #tpu.memory_space<semaphore_mem>>) src(%arg8 : memref<128x64xbf16, #tpu.memory_space<vmem>>) dst(%dma_wait3A_106 : memref<10240x64xbf16, #tpu.memory_space<vmem_shared>>)
    %dma_start3A_107 = arith.constant 2 : i32
    %dma_start3A_108 = arith.constant 0 : i32
    %dma_start3A_109 = tpu.memref_slice %arg7[%dma_start3A_107, %dma_start3A_108] : memref<80x128xi32, #tpu.memory_space<vmem>> -> memref<1x128xi32, #tpu.memory_space<vmem>>
    %dma_start3A_110 = tpu.memref_squeeze %dma_start3A_109 : memref<1x128xi32, #tpu.memory_space<vmem>> -> memref<128xi32, #tpu.memory_space<vmem>>
    %dma_start3A_111 = arith.constant 0 : i32
    %dma_start3A_112 = arith.constant 0 : i32
    %dma_start3A_113 = tpu.memref_slice %arg23[%dma_start3A_111, %dma_start3A_112] : memref<10240x64xbf16, #tpu.memory_space<vmem_shared>> -> memref<10240x64xbf16, #tpu.memory_space<vmem_shared>>
    tpu.enqueue_indirect_dma source(%arg10 : memref<128x64xbf16, #tpu.memory_space<vmem>>) target(%dma_start3A_113 : memref<10240x64xbf16, #tpu.memory_space<vmem_shared>>) offsets(%dma_start3A_110 : memref<128xi32, #tpu.memory_space<vmem>>) semaphore(%arg20 : memref<!tpu.dma_semaphore, #tpu.memory_space<semaphore_mem>>) {add = true}
    %dma_start3A_114 = arith.constant 6 : i32
    %dma_start3A_115 = arith.constant 0 : i32
    %dma_start3A_116 = tpu.memref_slice %arg6[%dma_start3A_114, %dma_start3A_115] : memref<80x128xi32, #tpu.memory_space<vmem>> -> memref<1x128xi32, #tpu.memory_space<vmem>>
    %dma_start3A_117 = tpu.memref_squeeze %dma_start3A_116 : memref<1x128xi32, #tpu.memory_space<vmem>> -> memref<128xi32, #tpu.memory_space<vmem>>
    %dma_start3A_118 = arith.constant 0 : i32
    %dma_start3A_119 = arith.constant 0 : i32
    %dma_start3A_120 = tpu.memref_slice %arg2[%dma_start3A_118, %dma_start3A_119] : memref<10000x64xbf16, #tpu.memory_space<hbm>> -> memref<10000x64xbf16, #tpu.memory_space<hbm>>
    tpu.enqueue_indirect_dma source(%dma_start3A_120 : memref<10000x64xbf16, #tpu.memory_space<hbm>>) target(%arg8 : memref<128x64xbf16, #tpu.memory_space<vmem>>) offsets(%dma_start3A_117 : memref<128xi32, #tpu.memory_space<vmem>>) semaphore(%arg14 : memref<!tpu.dma_semaphore, #tpu.memory_space<semaphore_mem>>)
    %dma_wait3A_121 = arith.constant 3 : i32
    %dma_wait3A_122 = arith.constant 0 : i32
    %dma_wait3A_123 = tpu.memref_slice %arg6[%dma_wait3A_121, %dma_wait3A_122] : memref<80x128xi32, #tpu.memory_space<vmem>> -> memref<1x128xi32, #tpu.memory_space<vmem>>
    %dma_wait3A_124 = tpu.memref_squeeze %dma_wait3A_123 : memref<1x128xi32, #tpu.memory_space<vmem>> -> memref<128xi32, #tpu.memory_space<vmem>>
    %dma_wait3A_125 = arith.constant 0 : i32
    %dma_wait3A_126 = arith.constant 0 : i32
    %dma_wait3A_127 = tpu.memref_slice %arg2[%dma_wait3A_125, %dma_wait3A_126] : memref<10000x64xbf16, #tpu.memory_space<hbm>> -> memref<10000x64xbf16, #tpu.memory_space<hbm>>
    tpu.wait_indirect_dma semaphore(%arg17 : memref<!tpu.dma_semaphore, #tpu.memory_space<semaphore_mem>>) src(%dma_wait3A_127 : memref<10000x64xbf16, #tpu.memory_space<hbm>>) dst(%arg11 : memref<128x64xbf16, #tpu.memory_space<vmem>>)
    %dma_wait3A_128 = arith.constant 1 : i32
    %dma_wait3A_129 = arith.constant 0 : i32
    %dma_wait3A_130 = tpu.memref_slice %arg7[%dma_wait3A_128, %dma_wait3A_129] : memref<80x128xi32, #tpu.memory_space<vmem>> -> memref<1x128xi32, #tpu.memory_space<vmem>>
    %dma_wait3A_131 = tpu.memref_squeeze %dma_wait3A_130 : memref<1x128xi32, #tpu.memory_space<vmem>> -> memref<128xi32, #tpu.memory_space<vmem>>
    %dma_wait3A_132 = arith.constant 0 : i32
    %dma_wait3A_133 = arith.constant 0 : i32
    %dma_wait3A_134 = tpu.memref_slice %arg23[%dma_wait3A_132, %dma_wait3A_133] : memref<10240x64xbf16, #tpu.memory_space<vmem_shared>> -> memref<10240x64xbf16, #tpu.memory_space<vmem_shared>>
    tpu.wait_indirect_dma semaphore(%arg21 : memref<!tpu.dma_semaphore, #tpu.memory_space<semaphore_mem>>) src(%arg9 : memref<128x64xbf16, #tpu.memory_space<vmem>>) dst(%dma_wait3A_134 : memref<10240x64xbf16, #tpu.memory_space<vmem_shared>>)
    %dma_start3A_135 = arith.constant 3 : i32
    %dma_start3A_136 = arith.constant 0 : i32
    %dma_start3A_137 = tpu.memref_slice %arg7[%dma_start3A_135, %dma_start3A_136] : memref<80x128xi32, #tpu.memory_space<vmem>> -> memref<1x128xi32, #tpu.memory_space<vmem>>
    %dma_start3A_138 = tpu.memref_squeeze %dma_start3A_137 : memref<1x128xi32, #tpu.memory_space<vmem>> -> memref<128xi32, #tpu.memory_space<vmem>>
    %dma_start3A_139 = arith.constant 0 : i32
    %dma_start3A_140 = arith.constant 0 : i32
    %dma_start3A_141 = tpu.memref_slice %arg23[%dma_start3A_139, %dma_start3A_140] : memref<10240x64xbf16, #tpu.memory_space<vmem_shared>> -> memref<10240x64xbf16, #tpu.memory_space<vmem_shared>>
    tpu.enqueue_indirect_dma source(%arg11 : memref<128x64xbf16, #tpu.memory_space<vmem>>) target(%dma_start3A_141 : memref<10240x64xbf16, #tpu.memory_space<vmem_shared>>) offsets(%dma_start3A_138 : memref<128xi32, #tpu.memory_space<vmem>>) semaphore(%arg21 : memref<!tpu.dma_semaphore, #tpu.memory_space<semaphore_mem>>) {add = true}
    %dma_start3A_142 = arith.constant 7 : i32
    %dma_start3A_143 = arith.constant 0 : i32
    %dma_start3A_144 = tpu.memref_slice %arg6[%dma_start3A_142, %dma_start3A_143] : memref<80x128xi32, #tpu.memory_space<vmem>> -> memref<1x128xi32, #tpu.memory_space<vmem>>
    %dma_start3A_145 = tpu.memref_squeeze %dma_start3A_144 : memref<1x128xi32, #tpu.memory_space<vmem>> -> memref<128xi32, #tpu.memory_space<vmem>>
    %dma_start3A_146 = arith.constant 0 : i32
    %dma_start3A_147 = arith.constant 0 : i32
    %dma_start3A_148 = tpu.memref_slice %arg2[%dma_start3A_146, %dma_start3A_147] : memref<10000x64xbf16, #tpu.memory_space<hbm>> -> memref<10000x64xbf16, #tpu.memory_space<hbm>>
    tpu.enqueue_indirect_dma source(%dma_start3A_148 : memref<10000x64xbf16, #tpu.memory_space<hbm>>) target(%arg9 : memref<128x64xbf16, #tpu.memory_space<vmem>>) offsets(%dma_start3A_145 : memref<128xi32, #tpu.memory_space<vmem>>) semaphore(%arg15 : memref<!tpu.dma_semaphore, #tpu.memory_space<semaphore_mem>>)
    %scan3A_149 = arith.constant 0 : i32
    %scan3A_150 = arith.constant 0 : i32
    %scan3A_151 = arith.constant 12 : i32
    %scan3A_152 = arith.addi %scan3A_150, %scan3A_151 : i32
    %scan3A_153 = arith.constant 1 : i32
    scf.for %scan3A_254 = %scan3A_150 to %scan3A_152 step %scan3A_153  : i32 {
      %mul3A_255 = arith.constant 6 : i32
      %mul3A_256 = arith.muli %mul3A_255, %scan3A_254 : i32
      %add3A_257 = arith.constant 4 : i32
      %add3A_258 = arith.addi %add3A_257, %mul3A_256 : i32
      %add3A_259 = arith.constant 0 : i32
      %add3A_260 = arith.addi %add3A_258, %add3A_259 : i32
      %dma_wait3A_261 = arith.constant 0 : i32
      %dma_wait3A_262 = tpu.memref_slice %arg6[%add3A_260, %dma_wait3A_261] : memref<80x128xi32, #tpu.memory_space<vmem>> -> memref<1x128xi32, #tpu.memory_space<vmem>>
      %dma_wait3A_263 = tpu.memref_squeeze %dma_wait3A_262 : memref<1x128xi32, #tpu.memory_space<vmem>> -> memref<128xi32, #tpu.memory_space<vmem>>
      %dma_wait3A_264 = arith.constant 0 : i32
      %dma_wait3A_265 = arith.constant 0 : i32
      %dma_wait3A_266 = tpu.memref_slice %arg2[%dma_wait3A_264, %dma_wait3A_265] : memref<10000x64xbf16, #tpu.memory_space<hbm>> -> memref<10000x64xbf16, #tpu.memory_space<hbm>>
      tpu.wait_indirect_dma semaphore(%arg18 : memref<!tpu.dma_semaphore, #tpu.memory_space<semaphore_mem>>) src(%dma_wait3A_266 : memref<10000x64xbf16, #tpu.memory_space<hbm>>) dst(%arg12 : memref<128x64xbf16, #tpu.memory_space<vmem>>)
      %sub3A = arith.constant 2 : i32
      %sub3A_267 = arith.subi %add3A_260, %sub3A : i32
      %dma_wait3A_268 = arith.constant 0 : i32
      %dma_wait3A_269 = tpu.memref_slice %arg7[%sub3A_267, %dma_wait3A_268] : memref<80x128xi32, #tpu.memory_space<vmem>> -> memref<1x128xi32, #tpu.memory_space<vmem>>
      %dma_wait3A_270 = tpu.memref_squeeze %dma_wait3A_269 : memref<1x128xi32, #tpu.memory_space<vmem>> -> memref<128xi32, #tpu.memory_space<vmem>>
      %dma_wait3A_271 = arith.constant 0 : i32
      %dma_wait3A_272 = arith.constant 0 : i32
      %dma_wait3A_273 = tpu.memref_slice %arg23[%dma_wait3A_271, %dma_wait3A_272] : memref<10240x64xbf16, #tpu.memory_space<vmem_shared>> -> memref<10240x64xbf16, #tpu.memory_space<vmem_shared>>
      tpu.wait_indirect_dma semaphore(%arg20 : memref<!tpu.dma_semaphore, #tpu.memory_space<semaphore_mem>>) src(%arg10 : memref<128x64xbf16, #tpu.memory_space<vmem>>) dst(%dma_wait3A_273 : memref<10240x64xbf16, #tpu.memory_space<vmem_shared>>)
      %dma_start3A_274 = arith.constant 0 : i32
      %dma_start3A_275 = tpu.memref_slice %arg7[%add3A_260, %dma_start3A_274] : memref<80x128xi32, #tpu.memory_space<vmem>> -> memref<1x128xi32, #tpu.memory_space<vmem>>
      %dma_start3A_276 = tpu.memref_squeeze %dma_start3A_275 : memref<1x128xi32, #tpu.memory_space<vmem>> -> memref<128xi32, #tpu.memory_space<vmem>>
      %dma_start3A_277 = arith.constant 0 : i32
      %dma_start3A_278 = arith.constant 0 : i32
      %dma_start3A_279 = tpu.memref_slice %arg23[%dma_start3A_277, %dma_start3A_278] : memref<10240x64xbf16, #tpu.memory_space<vmem_shared>> -> memref<10240x64xbf16, #tpu.memory_space<vmem_shared>>
      tpu.enqueue_indirect_dma source(%arg12 : memref<128x64xbf16, #tpu.memory_space<vmem>>) target(%dma_start3A_279 : memref<10240x64xbf16, #tpu.memory_space<vmem_shared>>) offsets(%dma_start3A_276 : memref<128xi32, #tpu.memory_space<vmem>>) semaphore(%arg20 : memref<!tpu.dma_semaphore, #tpu.memory_space<semaphore_mem>>) {add = true}
      %add3A_280 = arith.constant 4 : i32
      %add3A_281 = arith.addi %add3A_260, %add3A_280 : i32
      %dma_start3A_282 = arith.constant 0 : i32
      %dma_start3A_283 = tpu.memref_slice %arg6[%add3A_281, %dma_start3A_282] : memref<80x128xi32, #tpu.memory_space<vmem>> -> memref<1x128xi32, #tpu.memory_space<vmem>>
      %dma_start3A_284 = tpu.memref_squeeze %dma_start3A_283 : memref<1x128xi32, #tpu.memory_space<vmem>> -> memref<128xi32, #tpu.memory_space<vmem>>
      %dma_start3A_285 = arith.constant 0 : i32
      %dma_start3A_286 = arith.constant 0 : i32
      %dma_start3A_287 = tpu.memref_slice %arg2[%dma_start3A_285, %dma_start3A_286] : memref<10000x64xbf16, #tpu.memory_space<hbm>> -> memref<10000x64xbf16, #tpu.memory_space<hbm>>
      tpu.enqueue_indirect_dma source(%dma_start3A_287 : memref<10000x64xbf16, #tpu.memory_space<hbm>>) target(%arg10 : memref<128x64xbf16, #tpu.memory_space<vmem>>) offsets(%dma_start3A_284 : memref<128xi32, #tpu.memory_space<vmem>>) semaphore(%arg16 : memref<!tpu.dma_semaphore, #tpu.memory_space<semaphore_mem>>)
      %add3A_288 = arith.constant 1 : i32
      %add3A_289 = arith.addi %add3A_258, %add3A_288 : i32
      %dma_wait3A_290 = arith.constant 0 : i32
      %dma_wait3A_291 = tpu.memref_slice %arg6[%add3A_289, %dma_wait3A_290] : memref<80x128xi32, #tpu.memory_space<vmem>> -> memref<1x128xi32, #tpu.memory_space<vmem>>
      %dma_wait3A_292 = tpu.memref_squeeze %dma_wait3A_291 : memref<1x128xi32, #tpu.memory_space<vmem>> -> memref<128xi32, #tpu.memory_space<vmem>>
      %dma_wait3A_293 = arith.constant 0 : i32
      %dma_wait3A_294 = arith.constant 0 : i32
      %dma_wait3A_295 = tpu.memref_slice %arg2[%dma_wait3A_293, %dma_wait3A_294] : memref<10000x64xbf16, #tpu.memory_space<hbm>> -> memref<10000x64xbf16, #tpu.memory_space<hbm>>
      tpu.wait_indirect_dma semaphore(%arg19 : memref<!tpu.dma_semaphore, #tpu.memory_space<semaphore_mem>>) src(%dma_wait3A_295 : memref<10000x64xbf16, #tpu.memory_space<hbm>>) dst(%arg13 : memref<128x64xbf16, #tpu.memory_space<vmem>>)
      %sub3A_296 = arith.constant 2 : i32
      %sub3A_297 = arith.subi %add3A_289, %sub3A_296 : i32
      %dma_wait3A_298 = arith.constant 0 : i32
      %dma_wait3A_299 = tpu.memref_slice %arg7[%sub3A_297, %dma_wait3A_298] : memref<80x128xi32, #tpu.memory_space<vmem>> -> memref<1x128xi32, #tpu.memory_space<vmem>>
      %dma_wait3A_300 = tpu.memref_squeeze %dma_wait3A_299 : memref<1x128xi32, #tpu.memory_space<vmem>> -> memref<128xi32, #tpu.memory_space<vmem>>
      %dma_wait3A_301 = arith.constant 0 : i32
      %dma_wait3A_302 = arith.constant 0 : i32
      %dma_wait3A_303 = tpu.memref_slice %arg23[%dma_wait3A_301, %dma_wait3A_302] : memref<10240x64xbf16, #tpu.memory_space<vmem_shared>> -> memref<10240x64xbf16, #tpu.memory_space<vmem_shared>>
      tpu.wait_indirect_dma semaphore(%arg21 : memref<!tpu.dma_semaphore, #tpu.memory_space<semaphore_mem>>) src(%arg11 : memref<128x64xbf16, #tpu.memory_space<vmem>>) dst(%dma_wait3A_303 : memref<10240x64xbf16, #tpu.memory_space<vmem_shared>>)
      %dma_start3A_304 = arith.constant 0 : i32
      %dma_start3A_305 = tpu.memref_slice %arg7[%add3A_289, %dma_start3A_304] : memref<80x128xi32, #tpu.memory_space<vmem>> -> memref<1x128xi32, #tpu.memory_space<vmem>>
      %dma_start3A_306 = tpu.memref_squeeze %dma_start3A_305 : memref<1x128xi32, #tpu.memory_space<vmem>> -> memref<128xi32, #tpu.memory_space<vmem>>
      %dma_start3A_307 = arith.constant 0 : i32
      %dma_start3A_308 = arith.constant 0 : i32
      %dma_start3A_309 = tpu.memref_slice %arg23[%dma_start3A_307, %dma_start3A_308] : memref<10240x64xbf16, #tpu.memory_space<vmem_shared>> -> memref<10240x64xbf16, #tpu.memory_space<vmem_shared>>
      tpu.enqueue_indirect_dma source(%arg13 : memref<128x64xbf16, #tpu.memory_space<vmem>>) target(%dma_start3A_309 : memref<10240x64xbf16, #tpu.memory_space<vmem_shared>>) offsets(%dma_start3A_306 : memref<128xi32, #tpu.memory_space<vmem>>) semaphore(%arg21 : memref<!tpu.dma_semaphore, #tpu.memory_space<semaphore_mem>>) {add = true}
      %add3A_310 = arith.constant 4 : i32
      %add3A_311 = arith.addi %add3A_289, %add3A_310 : i32
      %dma_start3A_312 = arith.constant 0 : i32
      %dma_start3A_313 = tpu.memref_slice %arg6[%add3A_311, %dma_start3A_312] : memref<80x128xi32, #tpu.memory_space<vmem>> -> memref<1x128xi32, #tpu.memory_space<vmem>>
      %dma_start3A_314 = tpu.memref_squeeze %dma_start3A_313 : memref<1x128xi32, #tpu.memory_space<vmem>> -> memref<128xi32, #tpu.memory_space<vmem>>
      %dma_start3A_315 = arith.constant 0 : i32
      %dma_start3A_316 = arith.constant 0 : i32
      %dma_start3A_317 = tpu.memref_slice %arg2[%dma_start3A_315, %dma_start3A_316] : memref<10000x64xbf16, #tpu.memory_space<hbm>> -> memref<10000x64xbf16, #tpu.memory_space<hbm>>
      tpu.enqueue_indirect_dma source(%dma_start3A_317 : memref<10000x64xbf16, #tpu.memory_space<hbm>>) target(%arg11 : memref<128x64xbf16, #tpu.memory_space<vmem>>) offsets(%dma_start3A_314 : memref<128xi32, #tpu.memory_space<vmem>>) semaphore(%arg17 : memref<!tpu.dma_semaphore, #tpu.memory_space<semaphore_mem>>)
      %add3A_318 = arith.constant 2 : i32
      %add3A_319 = arith.addi %add3A_258, %add3A_318 : i32
      %dma_wait3A_320 = arith.constant 0 : i32
      %dma_wait3A_321 = tpu.memref_slice %arg6[%add3A_319, %dma_wait3A_320] : memref<80x128xi32, #tpu.memory_space<vmem>> -> memref<1x128xi32, #tpu.memory_space<vmem>>
      %dma_wait3A_322 = tpu.memref_squeeze %dma_wait3A_321 : memref<1x128xi32, #tpu.memory_space<vmem>> -> memref<128xi32, #tpu.memory_space<vmem>>
      %dma_wait3A_323 = arith.constant 0 : i32
      %dma_wait3A_324 = arith.constant 0 : i32
      %dma_wait3A_325 = tpu.memref_slice %arg2[%dma_wait3A_323, %dma_wait3A_324] : memref<10000x64xbf16, #tpu.memory_space<hbm>> -> memref<10000x64xbf16, #tpu.memory_space<hbm>>
      tpu.wait_indirect_dma semaphore(%arg14 : memref<!tpu.dma_semaphore, #tpu.memory_space<semaphore_mem>>) src(%dma_wait3A_325 : memref<10000x64xbf16, #tpu.memory_space<hbm>>) dst(%arg8 : memref<128x64xbf16, #tpu.memory_space<vmem>>)
      %sub3A_326 = arith.constant 2 : i32
      %sub3A_327 = arith.subi %add3A_319, %sub3A_326 : i32
      %dma_wait3A_328 = arith.constant 0 : i32
      %dma_wait3A_329 = tpu.memref_slice %arg7[%sub3A_327, %dma_wait3A_328] : memref<80x128xi32, #tpu.memory_space<vmem>> -> memref<1x128xi32, #tpu.memory_space<vmem>>
      %dma_wait3A_330 = tpu.memref_squeeze %dma_wait3A_329 : memref<1x128xi32, #tpu.memory_space<vmem>> -> memref<128xi32, #tpu.memory_space<vmem>>
      %dma_wait3A_331 = arith.constant 0 : i32
      %dma_wait3A_332 = arith.constant 0 : i32
      %dma_wait3A_333 = tpu.memref_slice %arg23[%dma_wait3A_331, %dma_wait3A_332] : memref<10240x64xbf16, #tpu.memory_space<vmem_shared>> -> memref<10240x64xbf16, #tpu.memory_space<vmem_shared>>
      tpu.wait_indirect_dma semaphore(%arg20 : memref<!tpu.dma_semaphore, #tpu.memory_space<semaphore_mem>>) src(%arg12 : memref<128x64xbf16, #tpu.memory_space<vmem>>) dst(%dma_wait3A_333 : memref<10240x64xbf16, #tpu.memory_space<vmem_shared>>)
      %dma_start3A_334 = arith.constant 0 : i32
      %dma_start3A_335 = tpu.memref_slice %arg7[%add3A_319, %dma_start3A_334] : memref<80x128xi32, #tpu.memory_space<vmem>> -> memref<1x128xi32, #tpu.memory_space<vmem>>
      %dma_start3A_336 = tpu.memref_squeeze %dma_start3A_335 : memref<1x128xi32, #tpu.memory_space<vmem>> -> memref<128xi32, #tpu.memory_space<vmem>>
      %dma_start3A_337 = arith.constant 0 : i32
      %dma_start3A_338 = arith.constant 0 : i32
      %dma_start3A_339 = tpu.memref_slice %arg23[%dma_start3A_337, %dma_start3A_338] : memref<10240x64xbf16, #tpu.memory_space<vmem_shared>> -> memref<10240x64xbf16, #tpu.memory_space<vmem_shared>>
      tpu.enqueue_indirect_dma source(%arg8 : memref<128x64xbf16, #tpu.memory_space<vmem>>) target(%dma_start3A_339 : memref<10240x64xbf16, #tpu.memory_space<vmem_shared>>) offsets(%dma_start3A_336 : memref<128xi32, #tpu.memory_space<vmem>>) semaphore(%arg20 : memref<!tpu.dma_semaphore, #tpu.memory_space<semaphore_mem>>) {add = true}
      %add3A_340 = arith.constant 4 : i32
      %add3A_341 = arith.addi %add3A_319, %add3A_340 : i32
      %dma_start3A_342 = arith.constant 0 : i32
      %dma_start3A_343 = tpu.memref_slice %arg6[%add3A_341, %dma_start3A_342] : memref<80x128xi32, #tpu.memory_space<vmem>> -> memref<1x128xi32, #tpu.memory_space<vmem>>
      %dma_start3A_344 = tpu.memref_squeeze %dma_start3A_343 : memref<1x128xi32, #tpu.memory_space<vmem>> -> memref<128xi32, #tpu.memory_space<vmem>>
      %dma_start3A_345 = arith.constant 0 : i32
      %dma_start3A_346 = arith.constant 0 : i32
      %dma_start3A_347 = tpu.memref_slice %arg2[%dma_start3A_345, %dma_start3A_346] : memref<10000x64xbf16, #tpu.memory_space<hbm>> -> memref<10000x64xbf16, #tpu.memory_space<hbm>>
      tpu.enqueue_indirect_dma source(%dma_start3A_347 : memref<10000x64xbf16, #tpu.memory_space<hbm>>) target(%arg12 : memref<128x64xbf16, #tpu.memory_space<vmem>>) offsets(%dma_start3A_344 : memref<128xi32, #tpu.memory_space<vmem>>) semaphore(%arg18 : memref<!tpu.dma_semaphore, #tpu.memory_space<semaphore_mem>>)
      %add3A_348 = arith.constant 3 : i32
      %add3A_349 = arith.addi %add3A_258, %add3A_348 : i32
      %dma_wait3A_350 = arith.constant 0 : i32
      %dma_wait3A_351 = tpu.memref_slice %arg6[%add3A_349, %dma_wait3A_350] : memref<80x128xi32, #tpu.memory_space<vmem>> -> memref<1x128xi32, #tpu.memory_space<vmem>>
      %dma_wait3A_352 = tpu.memref_squeeze %dma_wait3A_351 : memref<1x128xi32, #tpu.memory_space<vmem>> -> memref<128xi32, #tpu.memory_space<vmem>>
      %dma_wait3A_353 = arith.constant 0 : i32
      %dma_wait3A_354 = arith.constant 0 : i32
      %dma_wait3A_355 = tpu.memref_slice %arg2[%dma_wait3A_353, %dma_wait3A_354] : memref<10000x64xbf16, #tpu.memory_space<hbm>> -> memref<10000x64xbf16, #tpu.memory_space<hbm>>
      tpu.wait_indirect_dma semaphore(%arg15 : memref<!tpu.dma_semaphore, #tpu.memory_space<semaphore_mem>>) src(%dma_wait3A_355 : memref<10000x64xbf16, #tpu.memory_space<hbm>>) dst(%arg9 : memref<128x64xbf16, #tpu.memory_space<vmem>>)
      %sub3A_356 = arith.constant 2 : i32
      %sub3A_357 = arith.subi %add3A_349, %sub3A_356 : i32
      %dma_wait3A_358 = arith.constant 0 : i32
      %dma_wait3A_359 = tpu.memref_slice %arg7[%sub3A_357, %dma_wait3A_358] : memref<80x128xi32, #tpu.memory_space<vmem>> -> memref<1x128xi32, #tpu.memory_space<vmem>>
      %dma_wait3A_360 = tpu.memref_squeeze %dma_wait3A_359 : memref<1x128xi32, #tpu.memory_space<vmem>> -> memref<128xi32, #tpu.memory_space<vmem>>
      %dma_wait3A_361 = arith.constant 0 : i32
      %dma_wait3A_362 = arith.constant 0 : i32
      %dma_wait3A_363 = tpu.memref_slice %arg23[%dma_wait3A_361, %dma_wait3A_362] : memref<10240x64xbf16, #tpu.memory_space<vmem_shared>> -> memref<10240x64xbf16, #tpu.memory_space<vmem_shared>>
      tpu.wait_indirect_dma semaphore(%arg21 : memref<!tpu.dma_semaphore, #tpu.memory_space<semaphore_mem>>) src(%arg13 : memref<128x64xbf16, #tpu.memory_space<vmem>>) dst(%dma_wait3A_363 : memref<10240x64xbf16, #tpu.memory_space<vmem_shared>>)
      %dma_start3A_364 = arith.constant 0 : i32
      %dma_start3A_365 = tpu.memref_slice %arg7[%add3A_349, %dma_start3A_364] : memref<80x128xi32, #tpu.memory_space<vmem>> -> memref<1x128xi32, #tpu.memory_space<vmem>>
      %dma_start3A_366 = tpu.memref_squeeze %dma_start3A_365 : memref<1x128xi32, #tpu.memory_space<vmem>> -> memref<128xi32, #tpu.memory_space<vmem>>
      %dma_start3A_367 = arith.constant 0 : i32
      %dma_start3A_368 = arith.constant 0 : i32
      %dma_start3A_369 = tpu.memref_slice %arg23[%dma_start3A_367, %dma_start3A_368] : memref<10240x64xbf16, #tpu.memory_space<vmem_shared>> -> memref<10240x64xbf16, #tpu.memory_space<vmem_shared>>
      tpu.enqueue_indirect_dma source(%arg9 : memref<128x64xbf16, #tpu.memory_space<vmem>>) target(%dma_start3A_369 : memref<10240x64xbf16, #tpu.memory_space<vmem_shared>>) offsets(%dma_start3A_366 : memref<128xi32, #tpu.memory_space<vmem>>) semaphore(%arg21 : memref<!tpu.dma_semaphore, #tpu.memory_space<semaphore_mem>>) {add = true}
      %add3A_370 = arith.constant 4 : i32
      %add3A_371 = arith.addi %add3A_349, %add3A_370 : i32
      %dma_start3A_372 = arith.constant 0 : i32
      %dma_start3A_373 = tpu.memref_slice %arg6[%add3A_371, %dma_start3A_372] : memref<80x128xi32, #tpu.memory_space<vmem>> -> memref<1x128xi32, #tpu.memory_space<vmem>>
      %dma_start3A_374 = tpu.memref_squeeze %dma_start3A_373 : memref<1x128xi32, #tpu.memory_space<vmem>> -> memref<128xi32, #tpu.memory_space<vmem>>
      %dma_start3A_375 = arith.constant 0 : i32
      %dma_start3A_376 = arith.constant 0 : i32
      %dma_start3A_377 = tpu.memref_slice %arg2[%dma_start3A_375, %dma_start3A_376] : memref<10000x64xbf16, #tpu.memory_space<hbm>> -> memref<10000x64xbf16, #tpu.memory_space<hbm>>
      tpu.enqueue_indirect_dma source(%dma_start3A_377 : memref<10000x64xbf16, #tpu.memory_space<hbm>>) target(%arg13 : memref<128x64xbf16, #tpu.memory_space<vmem>>) offsets(%dma_start3A_374 : memref<128xi32, #tpu.memory_space<vmem>>) semaphore(%arg19 : memref<!tpu.dma_semaphore, #tpu.memory_space<semaphore_mem>>)
      %add3A_378 = arith.constant 4 : i32
      %add3A_379 = arith.addi %add3A_258, %add3A_378 : i32
      %dma_wait3A_380 = arith.constant 0 : i32
      %dma_wait3A_381 = tpu.memref_slice %arg6[%add3A_379, %dma_wait3A_380] : memref<80x128xi32, #tpu.memory_space<vmem>> -> memref<1x128xi32, #tpu.memory_space<vmem>>
      %dma_wait3A_382 = tpu.memref_squeeze %dma_wait3A_381 : memref<1x128xi32, #tpu.memory_space<vmem>> -> memref<128xi32, #tpu.memory_space<vmem>>
      %dma_wait3A_383 = arith.constant 0 : i32
      %dma_wait3A_384 = arith.constant 0 : i32
      %dma_wait3A_385 = tpu.memref_slice %arg2[%dma_wait3A_383, %dma_wait3A_384] : memref<10000x64xbf16, #tpu.memory_space<hbm>> -> memref<10000x64xbf16, #tpu.memory_space<hbm>>
      tpu.wait_indirect_dma semaphore(%arg16 : memref<!tpu.dma_semaphore, #tpu.memory_space<semaphore_mem>>) src(%dma_wait3A_385 : memref<10000x64xbf16, #tpu.memory_space<hbm>>) dst(%arg10 : memref<128x64xbf16, #tpu.memory_space<vmem>>)
      %sub3A_386 = arith.constant 2 : i32
      %sub3A_387 = arith.subi %add3A_379, %sub3A_386 : i32
      %dma_wait3A_388 = arith.constant 0 : i32
      %dma_wait3A_389 = tpu.memref_slice %arg7[%sub3A_387, %dma_wait3A_388] : memref<80x128xi32, #tpu.memory_space<vmem>> -> memref<1x128xi32, #tpu.memory_space<vmem>>
      %dma_wait3A_390 = tpu.memref_squeeze %dma_wait3A_389 : memref<1x128xi32, #tpu.memory_space<vmem>> -> memref<128xi32, #tpu.memory_space<vmem>>
      %dma_wait3A_391 = arith.constant 0 : i32
      %dma_wait3A_392 = arith.constant 0 : i32
      %dma_wait3A_393 = tpu.memref_slice %arg23[%dma_wait3A_391, %dma_wait3A_392] : memref<10240x64xbf16, #tpu.memory_space<vmem_shared>> -> memref<10240x64xbf16, #tpu.memory_space<vmem_shared>>
      tpu.wait_indirect_dma semaphore(%arg20 : memref<!tpu.dma_semaphore, #tpu.memory_space<semaphore_mem>>) src(%arg8 : memref<128x64xbf16, #tpu.memory_space<vmem>>) dst(%dma_wait3A_393 : memref<10240x64xbf16, #tpu.memory_space<vmem_shared>>)
      %dma_start3A_394 = arith.constant 0 : i32
      %dma_start3A_395 = tpu.memref_slice %arg7[%add3A_379, %dma_start3A_394] : memref<80x128xi32, #tpu.memory_space<vmem>> -> memref<1x128xi32, #tpu.memory_space<vmem>>
      %dma_start3A_396 = tpu.memref_squeeze %dma_start3A_395 : memref<1x128xi32, #tpu.memory_space<vmem>> -> memref<128xi32, #tpu.memory_space<vmem>>
      %dma_start3A_397 = arith.constant 0 : i32
      %dma_start3A_398 = arith.constant 0 : i32
      %dma_start3A_399 = tpu.memref_slice %arg23[%dma_start3A_397, %dma_start3A_398] : memref<10240x64xbf16, #tpu.memory_space<vmem_shared>> -> memref<10240x64xbf16, #tpu.memory_space<vmem_shared>>
      tpu.enqueue_indirect_dma source(%arg10 : memref<128x64xbf16, #tpu.memory_space<vmem>>) target(%dma_start3A_399 : memref<10240x64xbf16, #tpu.memory_space<vmem_shared>>) offsets(%dma_start3A_396 : memref<128xi32, #tpu.memory_space<vmem>>) semaphore(%arg20 : memref<!tpu.dma_semaphore, #tpu.memory_space<semaphore_mem>>) {add = true}
      %add3A_400 = arith.constant 4 : i32
      %add3A_401 = arith.addi %add3A_379, %add3A_400 : i32
      %dma_start3A_402 = arith.constant 0 : i32
      %dma_start3A_403 = tpu.memref_slice %arg6[%add3A_401, %dma_start3A_402] : memref<80x128xi32, #tpu.memory_space<vmem>> -> memref<1x128xi32, #tpu.memory_space<vmem>>
      %dma_start3A_404 = tpu.memref_squeeze %dma_start3A_403 : memref<1x128xi32, #tpu.memory_space<vmem>> -> memref<128xi32, #tpu.memory_space<vmem>>
      %dma_start3A_405 = arith.constant 0 : i32
      %dma_start3A_406 = arith.constant 0 : i32
      %dma_start3A_407 = tpu.memref_slice %arg2[%dma_start3A_405, %dma_start3A_406] : memref<10000x64xbf16, #tpu.memory_space<hbm>> -> memref<10000x64xbf16, #tpu.memory_space<hbm>>
      tpu.enqueue_indirect_dma source(%dma_start3A_407 : memref<10000x64xbf16, #tpu.memory_space<hbm>>) target(%arg8 : memref<128x64xbf16, #tpu.memory_space<vmem>>) offsets(%dma_start3A_404 : memref<128xi32, #tpu.memory_space<vmem>>) semaphore(%arg14 : memref<!tpu.dma_semaphore, #tpu.memory_space<semaphore_mem>>)
      %add3A_408 = arith.constant 5 : i32
      %add3A_409 = arith.addi %add3A_258, %add3A_408 : i32
      %dma_wait3A_410 = arith.constant 0 : i32
      %dma_wait3A_411 = tpu.memref_slice %arg6[%add3A_409, %dma_wait3A_410] : memref<80x128xi32, #tpu.memory_space<vmem>> -> memref<1x128xi32, #tpu.memory_space<vmem>>
      %dma_wait3A_412 = tpu.memref_squeeze %dma_wait3A_411 : memref<1x128xi32, #tpu.memory_space<vmem>> -> memref<128xi32, #tpu.memory_space<vmem>>
      %dma_wait3A_413 = arith.constant 0 : i32
      %dma_wait3A_414 = arith.constant 0 : i32
      %dma_wait3A_415 = tpu.memref_slice %arg2[%dma_wait3A_413, %dma_wait3A_414] : memref<10000x64xbf16, #tpu.memory_space<hbm>> -> memref<10000x64xbf16, #tpu.memory_space<hbm>>
      tpu.wait_indirect_dma semaphore(%arg17 : memref<!tpu.dma_semaphore, #tpu.memory_space<semaphore_mem>>) src(%dma_wait3A_415 : memref<10000x64xbf16, #tpu.memory_space<hbm>>) dst(%arg11 : memref<128x64xbf16, #tpu.memory_space<vmem>>)
      %sub3A_416 = arith.constant 2 : i32
      %sub3A_417 = arith.subi %add3A_409, %sub3A_416 : i32
      %dma_wait3A_418 = arith.constant 0 : i32
      %dma_wait3A_419 = tpu.memref_slice %arg7[%sub3A_417, %dma_wait3A_418] : memref<80x128xi32, #tpu.memory_space<vmem>> -> memref<1x128xi32, #tpu.memory_space<vmem>>
      %dma_wait3A_420 = tpu.memref_squeeze %dma_wait3A_419 : memref<1x128xi32, #tpu.memory_space<vmem>> -> memref<128xi32, #tpu.memory_space<vmem>>
      %dma_wait3A_421 = arith.constant 0 : i32
      %dma_wait3A_422 = arith.constant 0 : i32
      %dma_wait3A_423 = tpu.memref_slice %arg23[%dma_wait3A_421, %dma_wait3A_422] : memref<10240x64xbf16, #tpu.memory_space<vmem_shared>> -> memref<10240x64xbf16, #tpu.memory_space<vmem_shared>>
      tpu.wait_indirect_dma semaphore(%arg21 : memref<!tpu.dma_semaphore, #tpu.memory_space<semaphore_mem>>) src(%arg9 : memref<128x64xbf16, #tpu.memory_space<vmem>>) dst(%dma_wait3A_423 : memref<10240x64xbf16, #tpu.memory_space<vmem_shared>>)
      %dma_start3A_424 = arith.constant 0 : i32
      %dma_start3A_425 = tpu.memref_slice %arg7[%add3A_409, %dma_start3A_424] : memref<80x128xi32, #tpu.memory_space<vmem>> -> memref<1x128xi32, #tpu.memory_space<vmem>>
      %dma_start3A_426 = tpu.memref_squeeze %dma_start3A_425 : memref<1x128xi32, #tpu.memory_space<vmem>> -> memref<128xi32, #tpu.memory_space<vmem>>
      %dma_start3A_427 = arith.constant 0 : i32
      %dma_start3A_428 = arith.constant 0 : i32
      %dma_start3A_429 = tpu.memref_slice %arg23[%dma_start3A_427, %dma_start3A_428] : memref<10240x64xbf16, #tpu.memory_space<vmem_shared>> -> memref<10240x64xbf16, #tpu.memory_space<vmem_shared>>
      tpu.enqueue_indirect_dma source(%arg11 : memref<128x64xbf16, #tpu.memory_space<vmem>>) target(%dma_start3A_429 : memref<10240x64xbf16, #tpu.memory_space<vmem_shared>>) offsets(%dma_start3A_426 : memref<128xi32, #tpu.memory_space<vmem>>) semaphore(%arg21 : memref<!tpu.dma_semaphore, #tpu.memory_space<semaphore_mem>>) {add = true}
      %add3A_430 = arith.constant 4 : i32
      %add3A_431 = arith.addi %add3A_409, %add3A_430 : i32
      %dma_start3A_432 = arith.constant 0 : i32
      %dma_start3A_433 = tpu.memref_slice %arg6[%add3A_431, %dma_start3A_432] : memref<80x128xi32, #tpu.memory_space<vmem>> -> memref<1x128xi32, #tpu.memory_space<vmem>>
      %dma_start3A_434 = tpu.memref_squeeze %dma_start3A_433 : memref<1x128xi32, #tpu.memory_space<vmem>> -> memref<128xi32, #tpu.memory_space<vmem>>
      %dma_start3A_435 = arith.constant 0 : i32
      %dma_start3A_436 = arith.constant 0 : i32
      %dma_start3A_437 = tpu.memref_slice %arg2[%dma_start3A_435, %dma_start3A_436] : memref<10000x64xbf16, #tpu.memory_space<hbm>> -> memref<10000x64xbf16, #tpu.memory_space<hbm>>
      tpu.enqueue_indirect_dma source(%dma_start3A_437 : memref<10000x64xbf16, #tpu.memory_space<hbm>>) target(%arg9 : memref<128x64xbf16, #tpu.memory_space<vmem>>) offsets(%dma_start3A_434 : memref<128xi32, #tpu.memory_space<vmem>>) semaphore(%arg15 : memref<!tpu.dma_semaphore, #tpu.memory_space<semaphore_mem>>)
    }
    %scan3A_154 = arith.constant 12 : i32
    %dma_wait3A_155 = arith.constant 76 : i32
    %dma_wait3A_156 = arith.constant 0 : i32
    %dma_wait3A_157 = tpu.memref_slice %arg6[%dma_wait3A_155, %dma_wait3A_156] : memref<80x128xi32, #tpu.memory_space<vmem>> -> memref<1x128xi32, #tpu.memory_space<vmem>>
    %dma_wait3A_158 = tpu.memref_squeeze %dma_wait3A_157 : memref<1x128xi32, #tpu.memory_space<vmem>> -> memref<128xi32, #tpu.memory_space<vmem>>
    %dma_wait3A_159 = arith.constant 0 : i32
    %dma_wait3A_160 = arith.constant 0 : i32
    %dma_wait3A_161 = tpu.memref_slice %arg2[%dma_wait3A_159, %dma_wait3A_160] : memref<10000x64xbf16, #tpu.memory_space<hbm>> -> memref<10000x64xbf16, #tpu.memory_space<hbm>>
    tpu.wait_indirect_dma semaphore(%arg18 : memref<!tpu.dma_semaphore, #tpu.memory_space<semaphore_mem>>) src(%dma_wait3A_161 : memref<10000x64xbf16, #tpu.memory_space<hbm>>) dst(%arg12 : memref<128x64xbf16, #tpu.memory_space<vmem>>)
    %dma_wait3A_162 = arith.constant 74 : i32
    %dma_wait3A_163 = arith.constant 0 : i32
    %dma_wait3A_164 = tpu.memref_slice %arg7[%dma_wait3A_162, %dma_wait3A_163] : memref<80x128xi32, #tpu.memory_space<vmem>> -> memref<1x128xi32, #tpu.memory_space<vmem>>
    %dma_wait3A_165 = tpu.memref_squeeze %dma_wait3A_164 : memref<1x128xi32, #tpu.memory_space<vmem>> -> memref<128xi32, #tpu.memory_space<vmem>>
    %dma_wait3A_166 = arith.constant 0 : i32
    %dma_wait3A_167 = arith.constant 0 : i32
    %dma_wait3A_168 = tpu.memref_slice %arg23[%dma_wait3A_166, %dma_wait3A_167] : memref<10240x64xbf16, #tpu.memory_space<vmem_shared>> -> memref<10240x64xbf16, #tpu.memory_space<vmem_shared>>
    tpu.wait_indirect_dma semaphore(%arg20 : memref<!tpu.dma_semaphore, #tpu.memory_space<semaphore_mem>>) src(%arg10 : memref<128x64xbf16, #tpu.memory_space<vmem>>) dst(%dma_wait3A_168 : memref<10240x64xbf16, #tpu.memory_space<vmem_shared>>)
    %dma_start3A_169 = arith.constant 76 : i32
    %dma_start3A_170 = arith.constant 0 : i32
    %dma_start3A_171 = tpu.memref_slice %arg7[%dma_start3A_169, %dma_start3A_170] : memref<80x128xi32, #tpu.memory_space<vmem>> -> memref<1x128xi32, #tpu.memory_space<vmem>>
    %dma_start3A_172 = tpu.memref_squeeze %dma_start3A_171 : memref<1x128xi32, #tpu.memory_space<vmem>> -> memref<128xi32, #tpu.memory_space<vmem>>
    %dma_start3A_173 = arith.constant 0 : i32
    %dma_start3A_174 = arith.constant 0 : i32
    %dma_start3A_175 = tpu.memref_slice %arg23[%dma_start3A_173, %dma_start3A_174] : memref<10240x64xbf16, #tpu.memory_space<vmem_shared>> -> memref<10240x64xbf16, #tpu.memory_space<vmem_shared>>
    tpu.enqueue_indirect_dma source(%arg12 : memref<128x64xbf16, #tpu.memory_space<vmem>>) target(%dma_start3A_175 : memref<10240x64xbf16, #tpu.memory_space<vmem_shared>>) offsets(%dma_start3A_172 : memref<128xi32, #tpu.memory_space<vmem>>) semaphore(%arg20 : memref<!tpu.dma_semaphore, #tpu.memory_space<semaphore_mem>>) {add = true}
    %dma_wait3A_176 = arith.constant 77 : i32
    %dma_wait3A_177 = arith.constant 0 : i32
    %dma_wait3A_178 = tpu.memref_slice %arg6[%dma_wait3A_176, %dma_wait3A_177] : memref<80x128xi32, #tpu.memory_space<vmem>> -> memref<1x128xi32, #tpu.memory_space<vmem>>
    %dma_wait3A_179 = tpu.memref_squeeze %dma_wait3A_178 : memref<1x128xi32, #tpu.memory_space<vmem>> -> memref<128xi32, #tpu.memory_space<vmem>>
    %dma_wait3A_180 = arith.constant 0 : i32
    %dma_wait3A_181 = arith.constant 0 : i32
    %dma_wait3A_182 = tpu.memref_slice %arg2[%dma_wait3A_180, %dma_wait3A_181] : memref<10000x64xbf16, #tpu.memory_space<hbm>> -> memref<10000x64xbf16, #tpu.memory_space<hbm>>
    tpu.wait_indirect_dma semaphore(%arg19 : memref<!tpu.dma_semaphore, #tpu.memory_space<semaphore_mem>>) src(%dma_wait3A_182 : memref<10000x64xbf16, #tpu.memory_space<hbm>>) dst(%arg13 : memref<128x64xbf16, #tpu.memory_space<vmem>>)
    %dma_wait3A_183 = arith.constant 75 : i32
    %dma_wait3A_184 = arith.constant 0 : i32
    %dma_wait3A_185 = tpu.memref_slice %arg7[%dma_wait3A_183, %dma_wait3A_184] : memref<80x128xi32, #tpu.memory_space<vmem>> -> memref<1x128xi32, #tpu.memory_space<vmem>>
    %dma_wait3A_186 = tpu.memref_squeeze %dma_wait3A_185 : memref<1x128xi32, #tpu.memory_space<vmem>> -> memref<128xi32, #tpu.memory_space<vmem>>
    %dma_wait3A_187 = arith.constant 0 : i32
    %dma_wait3A_188 = arith.constant 0 : i32
    %dma_wait3A_189 = tpu.memref_slice %arg23[%dma_wait3A_187, %dma_wait3A_188] : memref<10240x64xbf16, #tpu.memory_space<vmem_shared>> -> memref<10240x64xbf16, #tpu.memory_space<vmem_shared>>
    tpu.wait_indirect_dma semaphore(%arg21 : memref<!tpu.dma_semaphore, #tpu.memory_space<semaphore_mem>>) src(%arg11 : memref<128x64xbf16, #tpu.memory_space<vmem>>) dst(%dma_wait3A_189 : memref<10240x64xbf16, #tpu.memory_space<vmem_shared>>)
    %dma_start3A_190 = arith.constant 77 : i32
    %dma_start3A_191 = arith.constant 0 : i32
    %dma_start3A_192 = tpu.memref_slice %arg7[%dma_start3A_190, %dma_start3A_191] : memref<80x128xi32, #tpu.memory_space<vmem>> -> memref<1x128xi32, #tpu.memory_space<vmem>>
    %dma_start3A_193 = tpu.memref_squeeze %dma_start3A_192 : memref<1x128xi32, #tpu.memory_space<vmem>> -> memref<128xi32, #tpu.memory_space<vmem>>
    %dma_start3A_194 = arith.constant 0 : i32
    %dma_start3A_195 = arith.constant 0 : i32
    %dma_start3A_196 = tpu.memref_slice %arg23[%dma_start3A_194, %dma_start3A_195] : memref<10240x64xbf16, #tpu.memory_space<vmem_shared>> -> memref<10240x64xbf16, #tpu.memory_space<vmem_shared>>
    tpu.enqueue_indirect_dma source(%arg13 : memref<128x64xbf16, #tpu.memory_space<vmem>>) target(%dma_start3A_196 : memref<10240x64xbf16, #tpu.memory_space<vmem_shared>>) offsets(%dma_start3A_193 : memref<128xi32, #tpu.memory_space<vmem>>) semaphore(%arg21 : memref<!tpu.dma_semaphore, #tpu.memory_space<semaphore_mem>>) {add = true}
    %dma_wait3A_197 = arith.constant 78 : i32
    %dma_wait3A_198 = arith.constant 0 : i32
    %dma_wait3A_199 = tpu.memref_slice %arg6[%dma_wait3A_197, %dma_wait3A_198] : memref<80x128xi32, #tpu.memory_space<vmem>> -> memref<1x128xi32, #tpu.memory_space<vmem>>
    %dma_wait3A_200 = tpu.memref_squeeze %dma_wait3A_199 : memref<1x128xi32, #tpu.memory_space<vmem>> -> memref<128xi32, #tpu.memory_space<vmem>>
    %dma_wait3A_201 = arith.constant 0 : i32
    %dma_wait3A_202 = arith.constant 0 : i32
    %dma_wait3A_203 = tpu.memref_slice %arg2[%dma_wait3A_201, %dma_wait3A_202] : memref<10000x64xbf16, #tpu.memory_space<hbm>> -> memref<10000x64xbf16, #tpu.memory_space<hbm>>
    tpu.wait_indirect_dma semaphore(%arg14 : memref<!tpu.dma_semaphore, #tpu.memory_space<semaphore_mem>>) src(%dma_wait3A_203 : memref<10000x64xbf16, #tpu.memory_space<hbm>>) dst(%arg8 : memref<128x64xbf16, #tpu.memory_space<vmem>>)
    %dma_wait3A_204 = arith.constant 76 : i32
    %dma_wait3A_205 = arith.constant 0 : i32
    %dma_wait3A_206 = tpu.memref_slice %arg7[%dma_wait3A_204, %dma_wait3A_205] : memref<80x128xi32, #tpu.memory_space<vmem>> -> memref<1x128xi32, #tpu.memory_space<vmem>>
    %dma_wait3A_207 = tpu.memref_squeeze %dma_wait3A_206 : memref<1x128xi32, #tpu.memory_space<vmem>> -> memref<128xi32, #tpu.memory_space<vmem>>
    %dma_wait3A_208 = arith.constant 0 : i32
    %dma_wait3A_209 = arith.constant 0 : i32
    %dma_wait3A_210 = tpu.memref_slice %arg23[%dma_wait3A_208, %dma_wait3A_209] : memref<10240x64xbf16, #tpu.memory_space<vmem_shared>> -> memref<10240x64xbf16, #tpu.memory_space<vmem_shared>>
    tpu.wait_indirect_dma semaphore(%arg20 : memref<!tpu.dma_semaphore, #tpu.memory_space<semaphore_mem>>) src(%arg12 : memref<128x64xbf16, #tpu.memory_space<vmem>>) dst(%dma_wait3A_210 : memref<10240x64xbf16, #tpu.memory_space<vmem_shared>>)
    %dma_start3A_211 = arith.constant 78 : i32
    %dma_start3A_212 = arith.constant 0 : i32
    %dma_start3A_213 = tpu.memref_slice %arg7[%dma_start3A_211, %dma_start3A_212] : memref<80x128xi32, #tpu.memory_space<vmem>> -> memref<1x128xi32, #tpu.memory_space<vmem>>
    %dma_start3A_214 = tpu.memref_squeeze %dma_start3A_213 : memref<1x128xi32, #tpu.memory_space<vmem>> -> memref<128xi32, #tpu.memory_space<vmem>>
    %dma_start3A_215 = arith.constant 0 : i32
    %dma_start3A_216 = arith.constant 0 : i32
    %dma_start3A_217 = tpu.memref_slice %arg23[%dma_start3A_215, %dma_start3A_216] : memref<10240x64xbf16, #tpu.memory_space<vmem_shared>> -> memref<10240x64xbf16, #tpu.memory_space<vmem_shared>>
    tpu.enqueue_indirect_dma source(%arg8 : memref<128x64xbf16, #tpu.memory_space<vmem>>) target(%dma_start3A_217 : memref<10240x64xbf16, #tpu.memory_space<vmem_shared>>) offsets(%dma_start3A_214 : memref<128xi32, #tpu.memory_space<vmem>>) semaphore(%arg20 : memref<!tpu.dma_semaphore, #tpu.memory_space<semaphore_mem>>) {add = true}
    %dma_wait3A_218 = arith.constant 79 : i32
    %dma_wait3A_219 = arith.constant 0 : i32
    %dma_wait3A_220 = tpu.memref_slice %arg6[%dma_wait3A_218, %dma_wait3A_219] : memref<80x128xi32, #tpu.memory_space<vmem>> -> memref<1x128xi32, #tpu.memory_space<vmem>>
    %dma_wait3A_221 = tpu.memref_squeeze %dma_wait3A_220 : memref<1x128xi32, #tpu.memory_space<vmem>> -> memref<128xi32, #tpu.memory_space<vmem>>
    %dma_wait3A_222 = arith.constant 0 : i32
    %dma_wait3A_223 = arith.constant 0 : i32
    %dma_wait3A_224 = tpu.memref_slice %arg2[%dma_wait3A_222, %dma_wait3A_223] : memref<10000x64xbf16, #tpu.memory_space<hbm>> -> memref<10000x64xbf16, #tpu.memory_space<hbm>>
    tpu.wait_indirect_dma semaphore(%arg15 : memref<!tpu.dma_semaphore, #tpu.memory_space<semaphore_mem>>) src(%dma_wait3A_224 : memref<10000x64xbf16, #tpu.memory_space<hbm>>) dst(%arg9 : memref<128x64xbf16, #tpu.memory_space<vmem>>)
    %dma_wait3A_225 = arith.constant 77 : i32
    %dma_wait3A_226 = arith.constant 0 : i32
    %dma_wait3A_227 = tpu.memref_slice %arg7[%dma_wait3A_225, %dma_wait3A_226] : memref<80x128xi32, #tpu.memory_space<vmem>> -> memref<1x128xi32, #tpu.memory_space<vmem>>
    %dma_wait3A_228 = tpu.memref_squeeze %dma_wait3A_227 : memref<1x128xi32, #tpu.memory_space<vmem>> -> memref<128xi32, #tpu.memory_space<vmem>>
    %dma_wait3A_229 = arith.constant 0 : i32
    %dma_wait3A_230 = arith.constant 0 : i32
    %dma_wait3A_231 = tpu.memref_slice %arg23[%dma_wait3A_229, %dma_wait3A_230] : memref<10240x64xbf16, #tpu.memory_space<vmem_shared>> -> memref<10240x64xbf16, #tpu.memory_space<vmem_shared>>
    tpu.wait_indirect_dma semaphore(%arg21 : memref<!tpu.dma_semaphore, #tpu.memory_space<semaphore_mem>>) src(%arg13 : memref<128x64xbf16, #tpu.memory_space<vmem>>) dst(%dma_wait3A_231 : memref<10240x64xbf16, #tpu.memory_space<vmem_shared>>)
    %dma_start3A_232 = arith.constant 79 : i32
    %dma_start3A_233 = arith.constant 0 : i32
    %dma_start3A_234 = tpu.memref_slice %arg7[%dma_start3A_232, %dma_start3A_233] : memref<80x128xi32, #tpu.memory_space<vmem>> -> memref<1x128xi32, #tpu.memory_space<vmem>>
    %dma_start3A_235 = tpu.memref_squeeze %dma_start3A_234 : memref<1x128xi32, #tpu.memory_space<vmem>> -> memref<128xi32, #tpu.memory_space<vmem>>
    %dma_start3A_236 = arith.constant 0 : i32
    %dma_start3A_237 = arith.constant 0 : i32
    %dma_start3A_238 = tpu.memref_slice %arg23[%dma_start3A_236, %dma_start3A_237] : memref<10240x64xbf16, #tpu.memory_space<vmem_shared>> -> memref<10240x64xbf16, #tpu.memory_space<vmem_shared>>
    tpu.enqueue_indirect_dma source(%arg9 : memref<128x64xbf16, #tpu.memory_space<vmem>>) target(%dma_start3A_238 : memref<10240x64xbf16, #tpu.memory_space<vmem_shared>>) offsets(%dma_start3A_235 : memref<128xi32, #tpu.memory_space<vmem>>) semaphore(%arg21 : memref<!tpu.dma_semaphore, #tpu.memory_space<semaphore_mem>>) {add = true}
    %dma_wait3A_239 = arith.constant 78 : i32
    %dma_wait3A_240 = arith.constant 0 : i32
    %dma_wait3A_241 = tpu.memref_slice %arg7[%dma_wait3A_239, %dma_wait3A_240] : memref<80x128xi32, #tpu.memory_space<vmem>> -> memref<1x128xi32, #tpu.memory_space<vmem>>
    %dma_wait3A_242 = tpu.memref_squeeze %dma_wait3A_241 : memref<1x128xi32, #tpu.memory_space<vmem>> -> memref<128xi32, #tpu.memory_space<vmem>>
    %dma_wait3A_243 = arith.constant 0 : i32
    %dma_wait3A_244 = arith.constant 0 : i32
    %dma_wait3A_245 = tpu.memref_slice %arg23[%dma_wait3A_243, %dma_wait3A_244] : memref<10240x64xbf16, #tpu.memory_space<vmem_shared>> -> memref<10240x64xbf16, #tpu.memory_space<vmem_shared>>
    tpu.wait_indirect_dma semaphore(%arg20 : memref<!tpu.dma_semaphore, #tpu.memory_space<semaphore_mem>>) src(%arg8 : memref<128x64xbf16, #tpu.memory_space<vmem>>) dst(%dma_wait3A_245 : memref<10240x64xbf16, #tpu.memory_space<vmem_shared>>)
    %dma_wait3A_246 = arith.constant 79 : i32
    %dma_wait3A_247 = arith.constant 0 : i32
    %dma_wait3A_248 = tpu.memref_slice %arg7[%dma_wait3A_246, %dma_wait3A_247] : memref<80x128xi32, #tpu.memory_space<vmem>> -> memref<1x128xi32, #tpu.memory_space<vmem>>
    %dma_wait3A_249 = tpu.memref_squeeze %dma_wait3A_248 : memref<1x128xi32, #tpu.memory_space<vmem>> -> memref<128xi32, #tpu.memory_space<vmem>>
    %dma_wait3A_250 = arith.constant 0 : i32
    %dma_wait3A_251 = arith.constant 0 : i32
    %dma_wait3A_252 = tpu.memref_slice %arg23[%dma_wait3A_250, %dma_wait3A_251] : memref<10240x64xbf16, #tpu.memory_space<vmem_shared>> -> memref<10240x64xbf16, #tpu.memory_space<vmem_shared>>
    tpu.wait_indirect_dma semaphore(%arg21 : memref<!tpu.dma_semaphore, #tpu.memory_space<semaphore_mem>>) src(%arg9 : memref<128x64xbf16, #tpu.memory_space<vmem>>) dst(%dma_wait3A_252 : memref<10240x64xbf16, #tpu.memory_space<vmem_shared>>)
    %barrier3A_253 = arith.constant 0 : index
    tpu.barrier barrier_id(%barrier3A_253)
    "tpu.region"() ({
      %run_scoped3A = tpu.sem_alloc : memref<!tpu.dma_semaphore, #tpu.memory_space<semaphore_mem>>
      %dma_start3A_254 = arith.constant 0 : i32
      %dma_start3A_255 = tpu.memref_slice %arg5[%arg0, %mul3A_2, %dma_start3A_254] : memref<2x10240x64xbf16, #tpu.memory_space<hbm>> -> memref<1x640x64xbf16, #tpu.memory_space<hbm>>
      %dma_start3A_256 = tpu.memref_squeeze %dma_start3A_255 : memref<1x640x64xbf16, #tpu.memory_space<hbm>> -> memref<640x64xbf16, #tpu.memory_space<hbm>>
      %dma_start3A_257 = arith.constant 0 : i32
      %dma_start3A_258 = tpu.memref_slice %arg23[%mul3A_2, %dma_start3A_257] : memref<10240x64xbf16, #tpu.memory_space<vmem_shared>> -> memref<640x64xbf16, #tpu.memory_space<vmem_shared>>
      tpu.enqueue_dma source(%dma_start3A_258 : memref<640x64xbf16, #tpu.memory_space<vmem_shared>>) target(%dma_start3A_256 : memref<640x64xbf16, #tpu.memory_space<hbm>>) target_semaphore(%run_scoped3A : memref<!tpu.dma_semaphore, #tpu.memory_space<semaphore_mem>>)
      %dma_wait3A_259 = arith.constant 0 : i32
      %dma_wait3A_260 = tpu.memref_slice %arg5[%arg0, %mul3A_2, %dma_wait3A_259] : memref<2x10240x64xbf16, #tpu.memory_space<hbm>> -> memref<1x640x64xbf16, #tpu.memory_space<hbm>>
      %dma_wait3A_261 = tpu.memref_squeeze %dma_wait3A_260 : memref<1x640x64xbf16, #tpu.memory_space<hbm>> -> memref<640x64xbf16, #tpu.memory_space<hbm>>
      %dma_wait3A_262 = arith.constant 0 : i32
      %dma_wait3A_263 = tpu.memref_slice %arg23[%mul3A_2, %dma_wait3A_262] : memref<10240x64xbf16, #tpu.memory_space<vmem_shared>> -> memref<640x64xbf16, #tpu.memory_space<vmem_shared>>
      tpu.wait_dma2 semaphore(%run_scoped3A : memref<!tpu.dma_semaphore, #tpu.memory_space<semaphore_mem>>) src(%dma_wait3A_263 : memref<640x64xbf16, #tpu.memory_space<vmem_shared>>) dst(%dma_wait3A_261 : memref<640x64xbf16, #tpu.memory_space<hbm>>)
      tpu.yield
    }) : () -> ()
    return
  }
}

module attributes {stable_mosaic.version = 14 : i64} {
  func.func @_mm_body(%arg0: i32, %arg1: memref<1000x128xf32, #tpu.memory_space<vmem>>, %arg2: memref<64x128xf32, #tpu.memory_space<vmem>>, %arg3: memref<1000x64xf32, #tpu.memory_space<vmem>>, %arg4: memref<1000x64xbf16, #tpu.memory_space<vmem>>) attributes {dimension_semantics = [#tpu.dimension_semantics<arbitrary>], iteration_bounds = array<i64: 10>, scalar_prefetch = 0 : i64, scratch_operands = 0 : i64, tpu.core_type = #tpu.core_type<tc>, window_params = [{transform_indices = @transform_0, window_bounds = array<i64: 1000, 128>}, {pipeline_mode = #tpu.pipeline_mode<synchronous>, transform_indices = @transform_1, window_bounds = array<i64: 64, 128>}, {transform_indices = @transform_2, window_bounds = array<i64: 1000, 64>}, {transform_indices = @transform_3, window_bounds = array<i64: 1000, 64>}]} {
    %get3A = arith.constant 0 : index
    %get3A_0 = arith.constant 0 : index
    %get3A_1 = vector.load %arg3[%get3A, %get3A_0] : memref<1000x64xf32, #tpu.memory_space<vmem>>, vector<1000x64xf32>
    %rsqrt3A = math.rsqrt %get3A_1 : vector<1000x64xf32>
    %get3A_2 = arith.constant 0 : index
    %get3A_3 = arith.constant 0 : index
    %get3A_4 = vector.load %arg1[%get3A_2, %get3A_3] : memref<1000x128xf32, #tpu.memory_space<vmem>>, vector<1000x128xf32>
    %get3A_5 = arith.constant 0 : index
    %get3A_6 = arith.constant 0 : index
    %get3A_7 = vector.load %arg2[%get3A_5, %get3A_6] : memref<64x128xf32, #tpu.memory_space<vmem>>, vector<64x128xf32>
    %dot_general3A = arith.constant dense<0.000000e+00> : vector<1000x64xf32>
    %dot_general3A_8 = tpu.matmul %get3A_4, %get3A_7, %dot_general3A {dimension_numbers = #tpu.dot_dimension_numbers<[1], [1], [0], [0], [0, 0, 1, 0], [], []>, precision = #tpu.contract_precision<fp32>, transpose_lhs_hint = false} : vector<1000x128xf32>, vector<64x128xf32>, vector<1000x64xf32> -> vector<1000x64xf32>
    %mul3A = arith.mulf %dot_general3A_8, %rsqrt3A : vector<1000x64xf32>
    %convert_element_type3A = arith.truncf %mul3A : vector<1000x64xf32> to vector<1000x64xbf16>
    %swap3A = arith.constant 0 : index
    %swap3A_9 = arith.constant 0 : index
    %swap3A_10 = vector.load %arg4[%swap3A, %swap3A_9] : memref<1000x64xbf16, #tpu.memory_space<vmem>>, vector<1000x64xbf16>
    tpu.vector_store %arg4[%swap3A, %swap3A_9], %convert_element_type3A {strides = array<i32>} : memref<1000x64xbf16, #tpu.memory_space<vmem>>, vector<1000x64xbf16>,
    return
  }
  func.func @transform_0(%arg0: i32) -> (i32, i32) {
    %c0_i32 = arith.constant 0 : i32
    %c0_i32_0 = arith.constant 0 : i32
    return %arg0, %c0_i32 : i32, i32
  }
  func.func @transform_1(%arg0: i32) -> (i32, i32) {
    %c0_i32 = arith.constant 0 : i32
    %c0_i32_0 = arith.constant 0 : i32
    %c0_i32_1 = arith.constant 0 : i32
    return %c0_i32, %c0_i32_0 : i32, i32
  }
  func.func @transform_2(%arg0: i32) -> (i32, i32) {
    %c0_i32 = arith.constant 0 : i32
    %c0_i32_0 = arith.constant 0 : i32
    return %arg0, %c0_i32 : i32, i32
  }
  func.func @transform_3(%arg0: i32) -> (i32, i32) {
    %c0_i32 = arith.constant 0 : i32
    %c0_i32_0 = arith.constant 0 : i32
    return %arg0, %c0_i32 : i32, i32
  }
}

module attributes {stable_mosaic.version = 14 : i64} {
  func.func @_comb_body(%arg0: i32, %arg1: memref<2x1000x64xbf16, #tpu.memory_space<vmem>>, %arg2: memref<1000x64xbf16, #tpu.memory_space<vmem>>, %arg3: memref<1000x64xf32, #tpu.memory_space<vmem>>, %arg4: memref<1000x64xbf16, #tpu.memory_space<vmem>>) attributes {dimension_semantics = [#tpu.dimension_semantics<arbitrary>], iteration_bounds = array<i64: 10>, scalar_prefetch = 0 : i64, scratch_operands = 0 : i64, tpu.core_type = #tpu.core_type<tc>, window_params = [{transform_indices = @transform_0, window_bounds = array<i64: 2, 1000, 64>}, {transform_indices = @transform_1, window_bounds = array<i64: 1000, 64>}, {transform_indices = @transform_2, window_bounds = array<i64: 1000, 64>}, {transform_indices = @transform_3, window_bounds = array<i64: 1000, 64>}]} {
    %get3A = arith.constant 0 : index
    %get3A_0 = arith.constant 0 : index
    %get3A_1 = arith.constant 0 : index
    %get3A_2 = vector.load %arg1[%get3A, %get3A_0, %get3A_1] : memref<2x1000x64xbf16, #tpu.memory_space<vmem>>, vector<2x1000x64xbf16>
    %convert_element_type3A = arith.extf %get3A_2 : vector<2x1000x64xbf16> to vector<2x1000x64xf32>
    %get3A_3 = arith.constant 0 : index
    %get3A_4 = arith.constant 0 : index
    %get3A_5 = vector.load %arg2[%get3A_3, %get3A_4] : memref<1000x64xbf16, #tpu.memory_space<vmem>>, vector<1000x64xbf16>
    %convert_element_type3A_6 = arith.extf %get3A_5 : vector<1000x64xbf16> to vector<1000x64xf32>
    %slice3A = vector.extract_strided_slice %convert_element_type3A {offsets = [0, 0, 0], sizes = [1, 1000, 64], strides = [1, 1, 1]} : vector<2x1000x64xf32> to vector<1x1000x64xf32>
    %squeeze3A = vector.shape_cast %slice3A : vector<1x1000x64xf32> to vector<1000x64xf32>
    %slice3A_7 = vector.extract_strided_slice %convert_element_type3A {offsets = [1, 0, 0], sizes = [1, 1000, 64], strides = [1, 1, 1]} : vector<2x1000x64xf32> to vector<1x1000x64xf32>
    %squeeze3A_8 = vector.shape_cast %slice3A_7 : vector<1x1000x64xf32> to vector<1000x64xf32>
    %add3A = arith.addf %squeeze3A, %squeeze3A_8 : vector<1000x64xf32>
    %add3A_9 = arith.addf %add3A, %convert_element_type3A_6 : vector<1000x64xf32>
    %get3A_10 = arith.constant 0 : index
    %get3A_11 = arith.constant 0 : index
    %get3A_12 = vector.load %arg3[%get3A_10, %get3A_11] : memref<1000x64xf32, #tpu.memory_space<vmem>>, vector<1000x64xf32>
    %div3A = arith.divf %add3A_9, %get3A_12 : vector<1000x64xf32>
    %convert_element_type3A_13 = arith.truncf %div3A : vector<1000x64xf32> to vector<1000x64xbf16>
    %swap3A = arith.constant 0 : index
    %swap3A_14 = arith.constant 0 : index
    %swap3A_15 = vector.load %arg4[%swap3A, %swap3A_14] : memref<1000x64xbf16, #tpu.memory_space<vmem>>, vector<1000x64xbf16>
    tpu.vector_store %arg4[%swap3A, %swap3A_14], %convert_element_type3A_13 {strides = array<i32>} : memref<1000x64xbf16, #tpu.memory_space<vmem>>, vector<1000x64xbf16>,
    return
  }
  func.func @transform_0(%arg0: i32) -> (i32, i32, i32) {
    %c0_i32 = arith.constant 0 : i32
    %c0_i32_0 = arith.constant 0 : i32
    %c0_i32_1 = arith.constant 0 : i32
    return %c0_i32, %arg0, %c0_i32_0 : i32, i32, i32
  }
  func.func @transform_1(%arg0: i32) -> (i32, i32) {
    %c0_i32 = arith.constant 0 : i32
    %c0_i32_0 = arith.constant 0 : i32
    return %arg0, %c0_i32 : i32, i32
  }
  func.func @transform_2(%arg0: i32) -> (i32, i32) {
    %c0_i32 = arith.constant 0 : i32
    %c0_i32_0 = arith.constant 0 : i32
    return %arg0, %c0_i32 : i32, i32
  }
  func.func @transform_3(%arg0: i32) -> (i32, i32) {
    %c0_i32 = arith.constant 0 : i32
    %c0_i32_0 = arith.constant 0 : i32
    return %arg0, %c0_i32 : i32, i32
  }
}

module attributes {stable_mosaic.version = 14 : i64} {
  func.func @_out_body(%arg0: i32, %arg1: memref<2x1000x64xbf16, #tpu.memory_space<vmem>>, %arg2: memref<1000x64xbf16, #tpu.memory_space<vmem>>, %arg3: memref<1000x64xf32, #tpu.memory_space<vmem>>, %arg4: memref<1x64xf32, #tpu.memory_space<vmem>>, %arg5: memref<1000x64xf32, #tpu.memory_space<vmem>>) attributes {dimension_semantics = [#tpu.dimension_semantics<arbitrary>], iteration_bounds = array<i64: 10>, scalar_prefetch = 0 : i64, scratch_operands = 0 : i64, tpu.core_type = #tpu.core_type<tc>, window_params = [{transform_indices = @transform_0, window_bounds = array<i64: 2, 1000, 64>}, {transform_indices = @transform_1, window_bounds = array<i64: 1000, 64>}, {transform_indices = @transform_2, window_bounds = array<i64: 1000, 64>}, {pipeline_mode = #tpu.pipeline_mode<synchronous>, transform_indices = @transform_3, window_bounds = array<i64: 1, 64>}, {transform_indices = @transform_4, window_bounds = array<i64: 1000, 64>}]} {
    %get3A = arith.constant 0 : index
    %get3A_0 = arith.constant 0 : index
    %get3A_1 = arith.constant 0 : index
    %get3A_2 = vector.load %arg1[%get3A, %get3A_0, %get3A_1] : memref<2x1000x64xbf16, #tpu.memory_space<vmem>>, vector<2x1000x64xbf16>
    %convert_element_type3A = arith.extf %get3A_2 : vector<2x1000x64xbf16> to vector<2x1000x64xf32>
    %get3A_3 = arith.constant 0 : index
    %get3A_4 = arith.constant 0 : index
    %get3A_5 = vector.load %arg2[%get3A_3, %get3A_4] : memref<1000x64xbf16, #tpu.memory_space<vmem>>, vector<1000x64xbf16>
    %convert_element_type3A_6 = arith.extf %get3A_5 : vector<1000x64xbf16> to vector<1000x64xf32>
    %slice3A = vector.extract_strided_slice %convert_element_type3A {offsets = [0, 0, 0], sizes = [1, 1000, 64], strides = [1, 1, 1]} : vector<2x1000x64xf32> to vector<1x1000x64xf32>
    %squeeze3A = vector.shape_cast %slice3A : vector<1x1000x64xf32> to vector<1000x64xf32>
    %slice3A_7 = vector.extract_strided_slice %convert_element_type3A {offsets = [1, 0, 0], sizes = [1, 1000, 64], strides = [1, 1, 1]} : vector<2x1000x64xf32> to vector<1x1000x64xf32>
    %squeeze3A_8 = vector.shape_cast %slice3A_7 : vector<1x1000x64xf32> to vector<1000x64xf32>
    %add3A = arith.addf %squeeze3A, %squeeze3A_8 : vector<1000x64xf32>
    %add3A_9 = arith.addf %add3A, %convert_element_type3A_6 : vector<1000x64xf32>
    %get3A_10 = arith.constant 0 : index
    %get3A_11 = arith.constant 0 : index
    %get3A_12 = vector.load %arg3[%get3A_10, %get3A_11] : memref<1000x64xf32, #tpu.memory_space<vmem>>, vector<1000x64xf32>
    %rsqrt3A = math.rsqrt %get3A_12 : vector<1000x64xf32>
    %mul3A = arith.mulf %add3A_9, %rsqrt3A : vector<1000x64xf32>
    %get3A_13 = arith.constant 0 : index
    %get3A_14 = arith.constant 0 : index
    %get3A_15 = vector.load %arg4[%get3A_13, %get3A_14] : memref<1x64xf32, #tpu.memory_space<vmem>>, vector<1x64xf32>
    %add3A_16 = vector.broadcast %get3A_15 : vector<1x64xf32> to vector<1000x64xf32>
    %add3A_17 = arith.addf %mul3A, %add3A_16 : vector<1000x64xf32>
    %swap3A = arith.constant 0 : index
    %swap3A_18 = arith.constant 0 : index
    %swap3A_19 = vector.load %arg5[%swap3A, %swap3A_18] : memref<1000x64xf32, #tpu.memory_space<vmem>>, vector<1000x64xf32>
    tpu.vector_store %arg5[%swap3A, %swap3A_18], %add3A_17 {strides = array<i32>} : memref<1000x64xf32, #tpu.memory_space<vmem>>, vector<1000x64xf32>,
    return
  }
  func.func @transform_0(%arg0: i32) -> (i32, i32, i32) {
    %c0_i32 = arith.constant 0 : i32
    %c0_i32_0 = arith.constant 0 : i32
    %c0_i32_1 = arith.constant 0 : i32
    return %c0_i32, %arg0, %c0_i32_0 : i32, i32, i32
  }
  func.func @transform_1(%arg0: i32) -> (i32, i32) {
    %c0_i32 = arith.constant 0 : i32
    %c0_i32_0 = arith.constant 0 : i32
    return %arg0, %c0_i32 : i32, i32
  }
  func.func @transform_2(%arg0: i32) -> (i32, i32) {
    %c0_i32 = arith.constant 0 : i32
    %c0_i32_0 = arith.constant 0 : i32
    return %arg0, %c0_i32 : i32, i32
  }
  func.func @transform_3(%arg0: i32) -> (i32, i32) {
    %c0_i32 = arith.constant 0 : i32
    %c0_i32_0 = arith.constant 0 : i32
    %c0_i32_1 = arith.constant 0 : i32
    return %c0_i32, %c0_i32_0 : i32, i32
  }
  func.func @transform_4(%arg0: i32) -> (i32, i32) {
    %c0_i32 = arith.constant 0 : i32
    %c0_i32_0 = arith.constant 0 : i32
    return %arg0, %c0_i32 : i32, i32
  }
}

</mosaic_0001>

<sc_bundles>
// kernel: kernel.11.cloned.1.call-start
scs
__scs_entry_jumppad:
0x0: {  	(pc) =	sbr.rel $0x88, $3  }
0x1: {  	(tag) =	ssettag $0x0;
	lr =	simm.s32 $0x1  }
0x2: {  	[smem:$0x3F9D] =	sst lr;
	_ =	strace $0xD0000000  }
0x3: {  	_ = 	snop  }
0x4: {  	_ = 	snop  }
0x5: {  	_ = 	snop  }
0x6: {  	_ = 	snop  }
0x7: {  	_ = 	snop  }
__scs_overlays_trampoline_lowered:
0x8: {  	[smem:$0x3FAC] =	sst s0  }
0x9: {  	[smem:$0x3FAD] =	sst s1  }
0xa: {  	[smem:$0x3FAE] =	sst s2  }
0xb: {  	[smem:$0x3FAF] =	sst s3  }
0xc: {  	[smem:$0x3FB0] =	sst s4  }
0xd: {  	[smem:$0x3FB1] =	sst s5  }
0xe: {  	[smem:$0x3FB2] =	sst s6  }
0xf: {  	[smem:$0x3FB3] =	sst s7  }
0x10: {  	[smem:$0x3FB4] =	sst s8  }
0x11: {  	[smem:$0x3FB5] =	sst s9;
	s0 =	simm.s32 @!p0 $0x0  }
0x12: {  	s1 =	sld [smem:$0x3F9B];
	s0 =	simm.s32 @p0 $0x1  }
0x13: {  	[smem:$0x3FB6] =	sst s0;
	s0 =	simm.s32 @!p1 $0x0  }
0x14: {  	s2 =	sld [smem:$0x3F9A];
	s0 =	simm.s32 @p1 $0x1  }
0x15: {  	[smem:$0x3FB7] =	sst s0;
	s0 =	simm.s32 @!p2 $0x0  }
0x16: {  	s3 =	sld [smem:$0x3FDB];
	s0 =	simm.s32 @p2 $0x1  }
0x17: {  	s4 =	simm.s32 $0x1BF5;
	[smem:$0x3FB9] =	sst s0  }
0x18: {  	s0 =	sld [smem:$0x3F9C];
	_ =	swait.ge [sflag:s4], $0x0  }
0x19: {  	s7 =	sld [smem:$0x3F9D]  }
0x1a: {  	s8 =	sadd.s32 $0xFFFFE003, lr  }
0x1b: {  	s9 =	sadd.s32 $0xFFFFFEF7, lr;
	s5 =	simm.s32 $0xFFFFFFFF;
	p2 =	slt.u32 s8, $0xFFFFF086  }
0x1c: {  	p1 =	slt.u32 s9, $0xF7A;
	s5 =	simm.s32 @!p2 $0x0  }
0x1d: {  	s5 =	simm.s32 @p1 $0x1;
	p0 =	seq.s32 s7, s2  }
0x1e: {  	s7 =	smul.u32 @!p0 $0xF7A, s2;
	p2 =	seq.s32 @!p0 s5, $0x0  }
0x1f: {  	s9 =	smul.u32 $0xF7A, s1;
	s8 =	simm.s32 @!p0 $0x1BF5;
	p2 =	por !p2, p0  }
0x20: {  	[sflag:s8] =	ssyncset.s32 @!p0 $0xFFFFF086;
	s6 =	sadd.s32 @!p0 s3, s7;
	s7 =	simm.s32 @!p0 $0x108  }
0x21: {  	s3 =	sadd.s32 s3, s9;
	s6 =	sadd.s32 @!p0 $0x88, s6;
	s7 =	simm.s32 @p2 $0x1082  }
0x22: {  	[simem:s7], [sflag:s8] =	dma.local @!p0 [hbm:s6], $0xF7A  }
0x23: {  	s9 =	sor.u32 $0xD0000000, s2;
	s6 =	simm.s32 $0x108;
	_ =	swait.ge @!p0 [sflag:s8], $0x0  }
0x24: {  	s3 =	sadd.s32 $0x88, s3;
	s6 =	simm.s32 @!p1 $0x1082;
	[sflag:s4] =	ssyncset.s32 $0xFFFFF086  }
0x25: {  	[simem:s6], [sflag:s4] =	dma.local [hbm:s3], $0xF7A  }
0x26: {  	[smem:$0x3F9D] =	sst s1;
	(tag) =	ssettag s2;
	_ =	strace s9  }
0x27: {  	s1 =	sld [smem:$0x3FAD]  }
0x28: {  	s2 =	sld [smem:$0x3FAE]  }
0x29: {  	s4 =	sld [smem:$0x3FB0]  }
0x2a: {  	p0 =	seq.s32 s5, $0x0;
	s5 =	sld [smem:$0x3FB1]  }
0x2b: {  	s6 =	sld [smem:$0x3FB2]  }
0x2c: {  	s7 =	sld [smem:$0x3FB3]  }
0x2d: {  	s3 =	simm.s32 $0x108;
	s8 =	sld [smem:$0x3FB4]  }
0x2e: {  	s3 =	simm.s32 @!p0 $0x1082;
	s9 =	sld [smem:$0x3FB5]  }
0x2f: {  	lr =	sadd.s32 s0, s3;
	s0 =	sld [smem:$0x3FAC]  }
0x30: {  	s3 =	sld [smem:$0x3FAF]  }
0x31: {  	[smem:$0x3FB8] =	sst s10  }
0x32: {  	s10 =	sld [smem:$0x3FB6];
	_ =	sdelay $0x3  }
0x33: {  	p0 =	seq.s32 s10, $0x1;
	s10 =	sld [smem:$0x3FB8];
	_ =	sdelay $0x3  }
0x34: {  	[smem:$0x3FB8] =	sst s10  }
0x35: {  	s10 =	sld [smem:$0x3FB7];
	_ =	sdelay $0x3  }
0x36: {  	p1 =	seq.s32 s10, $0x1;
	s10 =	sld [smem:$0x3FB8];
	_ =	sdelay $0x3  }
0x37: {  	[smem:$0x3FB8] =	sst s10  }
0x38: {  	s10 =	sld [smem:$0x3FB9]  }
0x39: {  	_ = 	snop;
	(pc) =	sbr.ind lr, $3  }
0x3a: {  	_ = 	snop  }
0x3b: {  	_ = 	snop  }
0x3c: {  	p2 =	seq.s32 s10, $0x1;
	s10 =	sld [smem:$0x3FB8]  }
0x3d: {  	_ =	shalt  }
0x3e: {  	_ =	shalt  }
0x3f: {  	_ =	shalt  }
0x40: {  	_ =	shalt  }
0x41: {  	_ =	shalt  }
0x42: {  	_ =	shalt  }
0x43: {  	_ =	shalt  }
0x44: {  	_ =	shalt  }
0x45: {  	_ =	shalt  }
0x46: {  	_ =	shalt  }
0x47: {  	_ =	shalt  }
0x48: {  	_ =	shalt  }
0x49: {  	_ =	shalt  }
0x4a: {  	_ =	shalt  }
0x4b: {  	_ =	shalt  }
0x4c: {  	_ =	shalt  }
0x4d: {  	_ =	shalt  }
0x4e: {  	_ =	shalt  }
0x4f: {  	_ =	shalt  }
0x50: {  	_ =	shalt  }
0x51: {  	_ =	shalt  }
0x52: {  	_ =	shalt  }
0x53: {  	_ =	shalt  }
0x54: {  	_ =	shalt  }
0x55: {  	_ =	shalt  }
0x56: {  	_ =	shalt  }
0x57: {  	_ =	shalt  }
0x58: {  	_ =	shalt  }
0x59: {  	_ =	shalt  }
0x5a: {  	_ =	shalt  }
0x5b: {  	_ =	shalt  }
0x5c: {  	_ =	shalt  }
0x5d: {  	_ =	shalt  }
0x5e: {  	_ =	shalt  }
0x5f: {  	_ =	shalt  }
0x60: {  	_ =	shalt  }
0x61: {  	_ =	shalt  }
0x62: {  	_ =	shalt  }
0x63: {  	_ =	shalt  }
0x64: {  	_ =	shalt  }
0x65: {  	_ =	shalt  }
0x66: {  	_ =	shalt  }
0x67: {  	_ =	shalt  }
0x68: {  	_ =	shalt  }
0x69: {  	_ =	shalt  }
0x6a: {  	_ =	shalt  }
0x6b: {  	_ =	shalt  }
0x6c: {  	_ =	shalt  }
0x6d: {  	_ =	shalt  }
0x6e: {  	_ =	shalt  }
0x6f: {  	_ =	shalt  }
0x70: {  	_ =	shalt  }
0x71: {  	_ =	shalt  }
0x72: {  	_ =	shalt  }
0x73: {  	_ =	shalt  }
0x74: {  	_ =	shalt  }
0x75: {  	_ =	shalt  }
0x76: {  	_ =	shalt  }
0x77: {  	_ =	shalt  }
0x78: {  	_ =	shalt  }
0x79: {  	_ =	shalt  }
0x7a: {  	_ =	shalt  }
0x7b: {  	_ =	shalt  }
0x7c: {  	_ =	shalt  }
0x7d: {  	_ =	shalt  }
0x7e: {  	_ =	shalt  }
0x7f: {  	_ =	shalt  }
0x80: {  	_ =	shalt  }
0x81: {  	_ =	shalt  }
0x82: {  	_ =	shalt  }
0x83: {  	_ =	shalt  }
0x84: {  	_ =	shalt  }
0x85: {  	_ =	shalt  }
0x86: {  	_ =	shalt  }
0x87: {  	_ =	shalt  }
.Lfunc_end0:
.L_simem_size_0:
called_computation.1_lowered:
.L_overlay_start_0:
0x88: {  	s2 =	sld [smem:$0x3FD9]  }
0x89: {  	s3 =	sld [smem:$0x3FFE];
	_ =	sdelay $0x1  }
0x8a: {  	s1 =	srdreg.scid  }
0x8b: {  	s0 =	sand.u32 $0x1, s1  }
0x8c: {  	s17 =	sshll.u32 s0, $0xA;
	s2 =	sadd.s32 s3, s2  }
0x8d: {  	s2 =	sadd.s32 s2, s17  }
0x8e: {  	[smem:$0x3FC4] =	sst s2  }
0x8f: {  	_ = 	snop  }
0x90: {  	s2 =	sld [smem:$0x3FD0];
	(tm) =	ssettm $0x1  }
0x91: {  	s18 =	sld [smem:$0x3FFB];
	_ =	sdelay $0x3  }
0x92: {  	_ =	strace s18  }
0x93: {  	s3 =	sld [smem:$0x3FFC];
	_ =	sdelay $0x3  }
0x94: {  	_ =	strace s3  }
0x95: {  	s3 =	sld [smem:$0x3FFD];
	_ =	sdelay $0x3  }
0x96: {  	_ =	strace s3  }
0x97: {  	_ =	strace $0x8FFFFFFF  }
0x98: {  	s19 =	sld [smem:$0x3FDB];
	_ =	sdelay $0x1  }
0x99: {  	s4 =	simm.s32 $_scs_section_size  }
0x9a: {  	s5 =	simm.s32 $_size__tile_overlayer_lowered;
	s6 =	simm.s32 $_tile_overlayer_lowered  }
0x9b: {  	s22 =	simm.s32 $0x1BFF;
	s21 =	sshll.u32 s6, $0x1;
	s3 =	sadd.s32 s4, s19  }
0x9c: {  	s7 =	simm.s32 $0x0;
	s20 =	sshll.u32 s5, $0x1;
	s5 =	sadd.s32 s21, s3  }
0x9d: {  	[timem:s7], [sflag:s22] =	dma.local [hbm:s5], s20  }
0x9e: {  	_ =	swait.ge [sflag:s22], s20  }
0x9f: {  	s4 =	ssub.s32 $0x0, s20;
	[sflag:s22] =	ssyncset.done $0x0  }
0xa0: {  	[sflag:s22] =	ssyncadd.s32 s4;
	_ =	sdelay $0x1  }
0xa1: {  	s23 =	simm.s32 $0x1B8B  }
0xa2: {  	_ =	swait.ge [sflag:s23], $0x1  }
0xa3: {  	[sflag:s23] =	ssyncset.done $0x0  }
0xa4: {  	s25 =	simm.s32 $0x1B8E;
	s24 =	sld [smem:$0x3FFE];
	[sflag:s23] =	ssyncadd.s32 $0xFFFFFFFF  }
0xa5: {  	s26 =	simm.s32 $execute0_lowered;
	[smem:$0x3FD2] =	sst s25  }
0xa6: {  	s5 =	sshll.u32 s26, $0x1;
	_ =	strace $0x80000049;
	[dreg:$0x1] =	wrdreg $0xFFFFFFFF  }
0xa7: {  	s28 =	simm.s32 $_size_execute0_lowered;
	s3 =	sadd.s32 s3, s5;
	[dreg:$0x0] =	wrdreg $0x0  }
0xa8: {  	s5 =	sshll.u32 s28, $0x1;
	[dreg:$0x2] =	wrdreg s3  }
0xa9: {  	[dreg:$0x3] =	wrdreg s5  }
0xaa: {  	[dreg:$0x4] =	wrdreg $0xC0  }
0xab: {  	_ =	task [dreg:s7], $0x5FFFF  }
0xac: {  	[dreg:$0x1] =	wrdreg $0xFFFFFFFF  }
0xad: {  	[dreg:$0x0] =	wrdreg $0x60  }
0xae: {  	[dreg:$0x2] =	wrdreg s24  }
0xaf: {  	[dreg:$0x3] =	wrdreg s2  }
0xb0: {  	[dreg:$0x4] =	wrdreg $0xBA000  }
0xb1: {  	[dreg:$0x5] =	wrdreg $0x9  }
0xb2: {  	_ =	task.clear_ibuf [dreg:s7], $0x6FFFF;
	_ =	strace $0x90000049  }
0xb3: {  	s29 =	simm.s32 $0x9;
	_ =	strace $0x8000004B  }
0xb4: {  	_ =	swait.ge [sflag:s29], $0x1  }
0xb5: {  	[sflag:s29] =	ssyncadd.s32 $0xFFFFFFFF  }
0xb6: {  	_ =	strace $0x9000004B  }
0xb7: {  	_ =	sfence  }
0xb8: {  	s30 =	sld [smem:$0x0];
	_ =	sdelay $0x2  }
0xb9: {  	s31 =	sshll.u32 s1, $0xD;
	s1 =	sshrl.u32 s1, $0x2  }
0xba: {  	s3 =	sand.u32 $0x4000, s31;
	s1 =	sadd.s32 s1, s30  }
0xbb: {  	s0 =	sor.u32 s3, s0;
	s1 =	sshll.u32 s1, $0x11  }
0xbc: {  	s0 =	sor.u32 s1, s0  }
0xbd: {  	s0 =	sadd.s32 $0x8F2B, s0  }
0xbe: {  	[sflag:s0] =	ssyncadd.remote.s32 $0x1  }
0xbf: {  	_ =	sfence.sel $0xFFFF  }
0xc0: {  	[dreg:$0x0] =	wrdreg $0xFFFFFFFF;
	(pc) =	sbr.abs _section_cstart, $3  }
0xc1: {  	[dreg:$0x1] =	wrdreg $0xFFFFFFFF  }
0xc2: {  	_ =	task.clear_ibuf [dreg:s7], $0x2FFFF;
	_ =	strace $0x9FFFFFFF  }
0xc3: {  	(tm) =	ssettm $0x7FFFFFFF  }
tec
execute0_lowered:
.L_overlay_start_1:
0x0: {  	(tag) =	ssettag $0x1  }
0x1: {  	s0 =	rddreg [dreg:$0x0]  }
0x2: {  	s1 =	rddreg [dreg:$0x1]  }
0x3: {  	s2 =	rddreg [dreg:$0x2];
	s3 =	srdreg.scid  }
0x4: {  	s9 =	stileid.u32;
	s17 =	simm.s32 $0xB000;
	s18 =	simm.s32 $0x9  }
0x5: {  	s19 =	simm.s32 $0x2800;
	s20 =	simm.s32 $0x80;
	s28 =	simm.s32 $0x1  }
0x6: {  	s30 =	simm.s32 $0x9000;
	s31 =	simm.s32 $0x2;
	s29 =	simm.s32 $0x7  }
0x7: {  	s5 =	sand.u32 $0x1, s3;
	s6 =	smul.u32 $0xA000, s9;
	s3 =	simm.s32 $0x0  }
0x8: {  	s4 =	sshll.u32 s5, $0x4;
	s7 =	smul.u32 $0xA0000, s5;
	[smem:$0x7FF] =	sst s3  }
0x9: {  	s5 =	ssub.s32 $0x2, s5;
	s4 =	sor.u32 s9, s4;
	s9 =	smul.u32 $0x14000, s9  }
0xa: {  	_ =	strace $0x8000004A;
	s21 =	sshrl.u32 s5, $0x1;
	s8 =	smul.u32 $0x500, s4  }
0xb: {  	s7 =	sadd.s32 s6, s7;
	s4 =	sadd.s32 $0xC000, s0;
	s6 =	sshrl.u32 s6, $0x1  }
0xc: {  	s7 =	sshrl.u32 s7, $0x4;
	s9 =	sshrl.u32 s9, $0x2;
	s13 =	sadd.s32 s8, s0  }
0xd: {  	s0 =	sadd.s32 s7, s0;
	s7 =	ssub.s32 s5, s21;
	s5 =	sadd.s32 s6, s2  }
0xe: {  	s22 =	sadd.s32 s9, s2;
	s14 =	sadd.s32 s1, s8;
	s21 =	simm.s32 $0x5000  }
0xf: {  	s1 =	simm.s32 $0xA000;
	s6 =	simm.s32 $0x5;
	s9 =	sadd.s32 $0xA00, s22  }
0x10: {  	s23 =	sadd.s32 $0x1400, s22;
	s24 =	sadd.s32 $0x1E00, s22;
	s25 =	sadd.s32 $0x2800, s22  }
0x11: {  	s26 =	sadd.s32 $0x3200, s22;
	s11 =	sadd.s32 $0x3C00, s22;
	[dreg:$0x4] =	wrdreg s9  }
0x12: {  	s12 =	sadd.s32 $0x4600, s22;
	s13 =	sadd.s32 $0x2000, s13;
	[dreg:$0x5] =	wrdreg s23  }
0x13: {  	s15 =	sadd.s32 $0x15E00, s0;
	s16 =	smax.u32 s7, $0x1;
	[dreg:$0x6] =	wrdreg s24  }
0x14: {  	s22 =	simm.s32 $0x6000;
	s0 =	simm.s32 $0x4;
	[dreg:$0x7] =	wrdreg s25  }
0x15: {  	s7 =	simm.s32 $0x6;
	[dreg:$0x8] =	wrdreg s26;
	s24 =	simm.s32 $0x7000  }
0x16: {  	v0 =	vimm.bf16 $0.0e+00;
	s26 =	simm.s32 $0x8000;
	s25 =	simm.s32 $0x3;
	s23 =	simm.s32 $0x8  }
.LBB2_1:
0x17: {  	s8 =	simm.s32 $0x80;
	s9 =	simm.s32 $0x0  }
.LBB2_2:
0x18: {  	p0 =	sne.s32 s8, $0x2780;
	[tilespmem:s9+$0xB000] =	vst v0;
	s10 =	smov.u32 s8;
	s8 =	sadd.s32 $0x80, s8  }
.Ltmp0:
0x19: {  	[tilespmem:s9+$0xB010] =	vst v0;
	(pc) =	sbr.rel @p0 .LBB2_2-.Ltmp0, $2  }
0x1a: {  	_ =	sdelay $0x2  }
0x1b: {  	s9 =	sshra.s32 s10, $0x2  }
0x1c: {  	[tilespmem:s9+$0xB000] =	vst v0  }
0x1d: {  	[tilespmem:s9+$0xB010] =	vst v0  }
0x1e: {  	[spmem:s5] =	stream.linear.scatter [tilespmem:s17], [sflag:$0x9], $0xA00, $0x38;
	[tilespmem:$0x10A00] =	vst v63  }
0x1f: {  	_ =	swait.ge [sflag:s18], $0xA00  }
0x20: {  	[sflag:s18] =	ssyncset.done $0x0  }
0x21: {  	s8 =	rddreg [dreg:$0x4];
	[sflag:s18] =	ssyncadd.s32 $0xFFFFF600  }
0x22: {  	[spmem:s8] =	stream.linear.scatter [tilespmem:s17], [sflag:$0x9], $0xA00, $0x38;
	[tilespmem:$0x10A00] =	vst v63  }
0x23: {  	_ =	swait.ge [sflag:s18], $0xA00  }
0x24: {  	[sflag:s18] =	ssyncset.done $0x0  }
0x25: {  	s10 =	rddreg [dreg:$0x5];
	[sflag:s18] =	ssyncadd.s32 $0xFFFFF600  }
0x26: {  	[spmem:s10] =	stream.linear.scatter [tilespmem:s17], [sflag:$0x9], $0xA00, $0x38;
	[tilespmem:$0x10A00] =	vst v63  }
0x27: {  	_ =	swait.ge [sflag:s18], $0xA00  }
0x28: {  	[sflag:s18] =	ssyncset.done $0x0  }
0x29: {  	s9 =	rddreg [dreg:$0x6];
	[sflag:s18] =	ssyncadd.s32 $0xFFFFF600  }
0x2a: {  	[spmem:s9] =	stream.linear.scatter [tilespmem:s17], [sflag:$0x9], $0xA00, $0x38;
	[tilespmem:$0x10A00] =	vst v63  }
0x2b: {  	_ =	swait.ge [sflag:s18], $0xA00  }
0x2c: {  	[sflag:s18] =	ssyncset.done $0x0  }
0x2d: {  	s10 =	rddreg [dreg:$0x7];
	[sflag:s18] =	ssyncadd.s32 $0xFFFFF600  }
0x2e: {  	[spmem:s10] =	stream.linear.scatter [tilespmem:s17], [sflag:$0x9], $0xA00, $0x38;
	[tilespmem:$0x10A00] =	vst v63  }
0x2f: {  	_ =	swait.ge [sflag:s18], $0xA00  }
0x30: {  	[sflag:s18] =	ssyncset.done $0x0  }
0x31: {  	s9 =	rddreg [dreg:$0x8];
	[sflag:s18] =	ssyncadd.s32 $0xFFFFF600  }
0x32: {  	[spmem:s9] =	stream.linear.scatter [tilespmem:s17], [sflag:$0x9], $0xA00, $0x38;
	[tilespmem:$0x10A00] =	vst v63  }
0x33: {  	_ =	swait.ge [sflag:s18], $0xA00  }
0x34: {  	[sflag:s18] =	ssyncset.done $0x0  }
0x35: {  	[sflag:s18] =	ssyncadd.s32 $0xFFFFF600  }
0x36: {  	[spmem:s11] =	stream.linear.scatter [tilespmem:s17], [sflag:$0x9], $0xA00, $0x38;
	[tilespmem:$0x10A00] =	vst v63  }
0x37: {  	_ =	swait.ge [sflag:s18], $0xA00  }
0x38: {  	[sflag:s18] =	ssyncset.done $0x0  }
0x39: {  	[sflag:s18] =	ssyncadd.s32 $0xFFFFF600  }
0x3a: {  	[spmem:s12] =	stream.linear.scatter [tilespmem:s17], [sflag:$0x9], $0xA00, $0x38;
	[tilespmem:$0x10A00] =	vst v63  }
0x3b: {  	_ =	swait.ge [sflag:s18], $0xA00  }
0x3c: {  	[sflag:s18] =	ssyncset.done $0x0  }
0x3d: {  	s10 =	simm.s32 $0x0;
	[sflag:s18] =	ssyncadd.s32 $0xFFFFF600  }
0x3e: {  	[tilespmem:s10], [sflag:$0x9] =	stream.linear.gather [hbm4b:s13+s10], $0x2800, $0x38;
	[tilespmem:$0x10A00] =	vst v63  }
0x3f: {  	_ =	swait.ge [sflag:s18], $0x2800  }
0x40: {  	[sflag:s18] =	ssyncset.done $0x0  }
0x41: {  	[sflag:s18] =	ssyncadd.s32 $0xFFFFD800  }
0x42: {  	[tilespmem:s19], [sflag:$0x9] =	stream.linear.gather [hbm4b:s14+s10], $0x2800, $0x38;
	[tilespmem:$0x10A00] =	vst v63  }
0x43: {  	_ =	swait.ge [sflag:s18], $0x2800  }
0x44: {  	[sflag:s18] =	ssyncset.done $0x0  }
0x45: {  	[sflag:s18] =	ssyncadd.s32 $0xFFFFD800  }
0x46: {  	[tilespmem:s21], [sflag:$0x1] =	stream.indirect.gather [hbm4b:s4+s20], $0x20, s10, s20, $0xb8;
	[tilespmem:$0x10A00] =	vst v63  }
0x47: {  	_ = 	snop  }
0x48: {  	[tilespmem:s22], [sflag:$0x2] =	stream.indirect.gather [hbm4b:s4+s20], $0x20, s20, s20, $0xb8;
	[tilespmem:$0x10A00] =	vst v63  }
0x49: {  	s9 =	simm.s32 $0x100  }
0x4a: {  	[tilespmem:s24], [sflag:$0x3] =	stream.indirect.gather [hbm4b:s4+s20], $0x20, s9, s20, $0xb8;
	[tilespmem:$0x10A00] =	vst v63  }
0x4b: {  	s10 =	simm.s32 $0x180  }
0x4c: {  	[tilespmem:s26], [sflag:$0x4] =	stream.indirect.gather [hbm4b:s4+s20], $0x20, s10, s20, $0xb8;
	[tilespmem:$0x10A00] =	vst v63  }
0x4d: {  	[bflag:$0x0] =	sbarrier.arrive $0xFFFF  }
0x4e: {  	_ =	swait.ge [sflag:s28], $0x1000  }
0x4f: {  	[sflag:s28] =	ssyncset.done $0x0  }
0x50: {  	[sflag:s28] =	ssyncadd.s32 $0xFFFFF000  }
0x51: {  	[spmem:s2] =	stream.indirect.scatter.add.bf16 [tilespmem:s21], [sflag:$0x7], $0x20, s19, s20, $0xb8;
	[tilespmem:$0x10A00] =	vst v63  }
0x52: {  	s9 =	simm.s32 $0x200  }
0x53: {  	[tilespmem:s30], [sflag:$0x5] =	stream.indirect.gather [hbm4b:s4+s20], $0x20, s9, s20, $0xb8;
	[tilespmem:$0x10A00] =	vst v63  }
0x54: {  	_ =	swait.ge [sflag:s31], $0x1000  }
0x55: {  	[sflag:s31] =	ssyncset.done $0x0  }
0x56: {  	s10 =	simm.s32 $0x2880;
	[sflag:s31] =	ssyncadd.s32 $0xFFFFF000  }
0x57: {  	[spmem:s2] =	stream.indirect.scatter.add.bf16 [tilespmem:s22], [sflag:$0x8], $0x20, s10, s20, $0xb8;
	[tilespmem:$0x10A00] =	vst v63  }
0x58: {  	s9 =	simm.s32 $0x280  }
0x59: {  	[tilespmem:s1], [sflag:$0x6] =	stream.indirect.gather [hbm4b:s4+s20], $0x20, s9, s20, $0xb8;
	[tilespmem:$0x10A00] =	vst v63  }
0x5a: {  	_ =	swait.ge [sflag:s25], $0x1000  }
0x5b: {  	[sflag:s25] =	ssyncset.done $0x0  }
0x5c: {  	[sflag:s25] =	ssyncadd.s32 $0xFFFFF000  }
0x5d: {  	_ =	swait.ge [sflag:s29], $0x1000  }
0x5e: {  	[sflag:s29] =	ssyncset.done $0x0  }
0x5f: {  	s10 =	simm.s32 $0x2900;
	[sflag:s29] =	ssyncadd.s32 $0xFFFFF000  }
0x60: {  	[spmem:s2] =	stream.indirect.scatter.add.bf16 [tilespmem:s24], [sflag:$0x7], $0x20, s10, s20, $0xb8;
	[tilespmem:$0x10A00] =	vst v63  }
0x61: {  	s9 =	simm.s32 $0x300  }
0x62: {  	[tilespmem:s21], [sflag:$0x1] =	stream.indirect.gather [hbm4b:s4+s20], $0x20, s9, s20, $0xb8;
	[tilespmem:$0x10A00] =	vst v63  }
0x63: {  	_ =	swait.ge [sflag:s0], $0x1000  }
0x64: {  	[sflag:s0] =	ssyncset.done $0x0  }
0x65: {  	[sflag:s0] =	ssyncadd.s32 $0xFFFFF000  }
0x66: {  	_ =	swait.ge [sflag:s23], $0x1000  }
0x67: {  	[sflag:s23] =	ssyncset.done $0x0  }
0x68: {  	s10 =	simm.s32 $0x2980;
	[sflag:s23] =	ssyncadd.s32 $0xFFFFF000  }
0x69: {  	[spmem:s2] =	stream.indirect.scatter.add.bf16 [tilespmem:s26], [sflag:$0x8], $0x20, s10, s20, $0xb8;
	[tilespmem:$0x10A00] =	vst v63  }
0x6a: {  	s9 =	simm.s32 $0x380  }
0x6b: {  	[tilespmem:s22], [sflag:$0x2] =	stream.indirect.gather [hbm4b:s4+s20], $0x20, s9, s20, $0xb8;
	[tilespmem:$0x10A00] =	vst v63  }
0x6c: {  	_ =	swait.ge [sflag:s6], $0x1000  }
0x6d: {  	[sflag:s6] =	ssyncset.done $0x0  }
0x6e: {  	[sflag:s6] =	ssyncadd.s32 $0xFFFFF000  }
0x6f: {  	_ =	swait.ge [sflag:s29], $0x1000  }
0x70: {  	[sflag:s29] =	ssyncset.done $0x0  }
0x71: {  	s10 =	simm.s32 $0x2A00;
	[sflag:s29] =	ssyncadd.s32 $0xFFFFF000  }
0x72: {  	[spmem:s2] =	stream.indirect.scatter.add.bf16 [tilespmem:s30], [sflag:$0x7], $0x20, s10, s20, $0xb8;
	[tilespmem:$0x10A00] =	vst v63  }
0x73: {  	s9 =	simm.s32 $0x400  }
0x74: {  	[tilespmem:s24], [sflag:$0x3] =	stream.indirect.gather [hbm4b:s4+s20], $0x20, s9, s20, $0xb8;
	[tilespmem:$0x10A00] =	vst v63  }
0x75: {  	_ =	swait.ge [sflag:s7], $0x1000  }
0x76: {  	[sflag:s7] =	ssyncset.done $0x0  }
0x77: {  	[sflag:s7] =	ssyncadd.s32 $0xFFFFF000  }
0x78: {  	_ =	swait.ge [sflag:s23], $0x1000  }
0x79: {  	[sflag:s23] =	ssyncset.done $0x0  }
0x7a: {  	s10 =	simm.s32 $0x2A80;
	[sflag:s23] =	ssyncadd.s32 $0xFFFFF000  }
0x7b: {  	[spmem:s2] =	stream.indirect.scatter.add.bf16 [tilespmem:s1], [sflag:$0x8], $0x20, s10, s20, $0xb8;
	[tilespmem:$0x10A00] =	vst v63  }
0x7c: {  	s9 =	simm.s32 $0x480  }
0x7d: {  	[tilespmem:s26], [sflag:$0x4] =	stream.indirect.gather [hbm4b:s4+s20], $0x20, s9, s20, $0xb8;
	[tilespmem:$0x10A00] =	vst v63  }
0x7e: {  	_ =	swait.ge [sflag:s28], $0x1000  }
0x7f: {  	[sflag:s28] =	ssyncset.done $0x0  }
0x80: {  	[sflag:s28] =	ssyncadd.s32 $0xFFFFF000  }
0x81: {  	_ =	swait.ge [sflag:s29], $0x1000  }
0x82: {  	[sflag:s29] =	ssyncset.done $0x0  }
0x83: {  	s10 =	simm.s32 $0x2B00;
	[sflag:s29] =	ssyncadd.s32 $0xFFFFF000  }
0x84: {  	[spmem:s2] =	stream.indirect.scatter.add.bf16 [tilespmem:s21], [sflag:$0x7], $0x20, s10, s20, $0xb8;
	[tilespmem:$0x10A00] =	vst v63  }
0x85: {  	s9 =	simm.s32 $0x500  }
0x86: {  	[tilespmem:s30], [sflag:$0x5] =	stream.indirect.gather [hbm4b:s4+s20], $0x20, s9, s20, $0xb8;
	[tilespmem:$0x10A00] =	vst v63  }
0x87: {  	_ =	swait.ge [sflag:s31], $0x1000  }
0x88: {  	[sflag:s31] =	ssyncset.done $0x0  }
0x89: {  	[sflag:s31] =	ssyncadd.s32 $0xFFFFF000  }
0x8a: {  	_ =	swait.ge [sflag:s23], $0x1000  }
0x8b: {  	[sflag:s23] =	ssyncset.done $0x0  }
0x8c: {  	s10 =	simm.s32 $0x2B80;
	[sflag:s23] =	ssyncadd.s32 $0xFFFFF000  }
0x8d: {  	[spmem:s2] =	stream.indirect.scatter.add.bf16 [tilespmem:s22], [sflag:$0x8], $0x20, s10, s20, $0xb8;
	[tilespmem:$0x10A00] =	vst v63  }
0x8e: {  	s9 =	simm.s32 $0x580  }
0x8f: {  	[tilespmem:s1], [sflag:$0x6] =	stream.indirect.gather [hbm4b:s4+s20], $0x20, s9, s20, $0xb8;
	[tilespmem:$0x10A00] =	vst v63  }
0x90: {  	_ =	swait.ge [sflag:s25], $0x1000  }
0x91: {  	[sflag:s25] =	ssyncset.done $0x0  }
0x92: {  	[sflag:s25] =	ssyncadd.s32 $0xFFFFF000  }
0x93: {  	_ =	swait.ge [sflag:s29], $0x1000  }
0x94: {  	[sflag:s29] =	ssyncset.done $0x0  }
0x95: {  	s10 =	simm.s32 $0x2C00;
	[sflag:s29] =	ssyncadd.s32 $0xFFFFF000  }
0x96: {  	[spmem:s2] =	stream.indirect.scatter.add.bf16 [tilespmem:s24], [sflag:$0x7], $0x20, s10, s20, $0xb8;
	[tilespmem:$0x10A00] =	vst v63  }
0x97: {  	s9 =	simm.s32 $0x600  }
0x98: {  	[tilespmem:s21], [sflag:$0x1] =	stream.indirect.gather [hbm4b:s4+s20], $0x20, s9, s20, $0xb8;
	[tilespmem:$0x10A00] =	vst v63  }
0x99: {  	_ =	swait.ge [sflag:s0], $0x1000  }
0x9a: {  	[sflag:s0] =	ssyncset.done $0x0  }
0x9b: {  	[sflag:s0] =	ssyncadd.s32 $0xFFFFF000  }
0x9c: {  	_ =	swait.ge [sflag:s23], $0x1000  }
0x9d: {  	s8 =	simm.s32 $0xC00;
	[sflag:s23] =	ssyncset.done $0x0  }
0x9e: {  	s10 =	simm.s32 $0x2C80;
	s9 =	simm.s32 $0x680;
	[sflag:s23] =	ssyncadd.s32 $0xFFFFF000  }
0x9f: {  	[spmem:s2] =	stream.indirect.scatter.add.bf16 [tilespmem:s26], [sflag:$0x8], $0x20, s10, s20, $0xb8;
	[tilespmem:$0x10A00] =	vst v63  }
.LBB2_4:
0xa0: {  	[tilespmem:s22], [sflag:$0x2] =	stream.indirect.gather [hbm4b:s4+s20], $0x20, s9, s20, $0xb8;
	[tilespmem:$0x10A00] =	vst v63  }
0xa1: {  	s9 =	smov.u32 s8  }
0xa2: {  	p0 =	sne.s32 s8, $0x8400;
	s8 =	sadd.s32 $0xC00, s8;
	_ =	swait.ge [sflag:s6], $0x1000  }
0xa3: {  	[sflag:s6] =	ssyncset.done $0x0  }
0xa4: {  	[sflag:s6] =	ssyncadd.s32 $0xFFFFF000  }
0xa5: {  	_ =	swait.ge [sflag:s29], $0x1000  }
0xa6: {  	s9 =	sshra.s32 s9, $0x2;
	[sflag:s29] =	ssyncset.done $0x0  }
0xa7: {  	s10 =	sadd.s32 $0x2A00, s9;
	[sflag:s29] =	ssyncadd.s32 $0xFFFFF000  }
0xa8: {  	[spmem:s2] =	stream.indirect.scatter.add.bf16 [tilespmem:s30], [sflag:$0x7], $0x20, s10, s20, $0xb8;
	[tilespmem:$0x10A00] =	vst v63  }
0xa9: {  	s10 =	sadd.s32 $0x400, s9  }
0xaa: {  	[tilespmem:s24], [sflag:$0x3] =	stream.indirect.gather [hbm4b:s4+s20], $0x20, s10, s20, $0xb8;
	[tilespmem:$0x10A00] =	vst v63  }
0xab: {  	_ =	swait.ge [sflag:s7], $0x1000  }
0xac: {  	[sflag:s7] =	ssyncset.done $0x0  }
0xad: {  	[sflag:s7] =	ssyncadd.s32 $0xFFFFF000  }
0xae: {  	_ =	swait.ge [sflag:s23], $0x1000  }
0xaf: {  	[sflag:s23] =	ssyncset.done $0x0  }
0xb0: {  	s10 =	sadd.s32 $0x2A80, s9;
	[sflag:s23] =	ssyncadd.s32 $0xFFFFF000  }
0xb1: {  	[spmem:s2] =	stream.indirect.scatter.add.bf16 [tilespmem:s1], [sflag:$0x8], $0x20, s10, s20, $0xb8;
	[tilespmem:$0x10A00] =	vst v63  }
0xb2: {  	s10 =	sadd.s32 $0x480, s9  }
0xb3: {  	[tilespmem:s26], [sflag:$0x4] =	stream.indirect.gather [hbm4b:s4+s20], $0x20, s10, s20, $0xb8;
	[tilespmem:$0x10A00] =	vst v63  }
0xb4: {  	_ =	swait.ge [sflag:s28], $0x1000  }
0xb5: {  	[sflag:s28] =	ssyncset.done $0x0  }
0xb6: {  	[sflag:s28] =	ssyncadd.s32 $0xFFFFF000  }
0xb7: {  	_ =	swait.ge [sflag:s29], $0x1000  }
0xb8: {  	[sflag:s29] =	ssyncset.done $0x0  }
0xb9: {  	s10 =	sadd.s32 $0x2B00, s9;
	[sflag:s29] =	ssyncadd.s32 $0xFFFFF000  }
0xba: {  	[spmem:s2] =	stream.indirect.scatter.add.bf16 [tilespmem:s21], [sflag:$0x7], $0x20, s10, s20, $0xb8;
	[tilespmem:$0x10A00] =	vst v63  }
0xbb: {  	s10 =	sadd.s32 $0x500, s9  }
0xbc: {  	[tilespmem:s30], [sflag:$0x5] =	stream.indirect.gather [hbm4b:s4+s20], $0x20, s10, s20, $0xb8;
	[tilespmem:$0x10A00] =	vst v63  }
0xbd: {  	_ =	swait.ge [sflag:s31], $0x1000  }
0xbe: {  	[sflag:s31] =	ssyncset.done $0x0  }
0xbf: {  	[sflag:s31] =	ssyncadd.s32 $0xFFFFF000  }
0xc0: {  	_ =	swait.ge [sflag:s23], $0x1000  }
0xc1: {  	[sflag:s23] =	ssyncset.done $0x0  }
0xc2: {  	s10 =	sadd.s32 $0x2B80, s9;
	[sflag:s23] =	ssyncadd.s32 $0xFFFFF000  }
0xc3: {  	[spmem:s2] =	stream.indirect.scatter.add.bf16 [tilespmem:s22], [sflag:$0x8], $0x20, s10, s20, $0xb8;
	[tilespmem:$0x10A00] =	vst v63  }
0xc4: {  	s10 =	sadd.s32 $0x580, s9  }
0xc5: {  	[tilespmem:s1], [sflag:$0x6] =	stream.indirect.gather [hbm4b:s4+s20], $0x20, s10, s20, $0xb8;
	[tilespmem:$0x10A00] =	vst v63  }
0xc6: {  	_ =	swait.ge [sflag:s25], $0x1000  }
0xc7: {  	[sflag:s25] =	ssyncset.done $0x0  }
0xc8: {  	[sflag:s25] =	ssyncadd.s32 $0xFFFFF000  }
0xc9: {  	_ =	swait.ge [sflag:s29], $0x1000  }
0xca: {  	[sflag:s29] =	ssyncset.done $0x0  }
0xcb: {  	s10 =	sadd.s32 $0x2C00, s9;
	[sflag:s29] =	ssyncadd.s32 $0xFFFFF000  }
0xcc: {  	[spmem:s2] =	stream.indirect.scatter.add.bf16 [tilespmem:s24], [sflag:$0x7], $0x20, s10, s20, $0xb8;
	[tilespmem:$0x10A00] =	vst v63  }
0xcd: {  	s10 =	sadd.s32 $0x600, s9  }
0xce: {  	[tilespmem:s21], [sflag:$0x1] =	stream.indirect.gather [hbm4b:s4+s20], $0x20, s10, s20, $0xb8;
	[tilespmem:$0x10A00] =	vst v63  }
0xcf: {  	_ =	swait.ge [sflag:s0], $0x1000  }
0xd0: {  	[sflag:s0] =	ssyncset.done $0x0  }
0xd1: {  	[sflag:s0] =	ssyncadd.s32 $0xFFFFF000  }
.Ltmp1:
0xd2: {  	_ =	swait.ge [sflag:s23], $0x1000;
	(pc) =	sbr.rel @p0 .LBB2_4-.Ltmp1, $4  }
0xd3: {  	[sflag:s23] =	ssyncset.done $0x0  }
0xd4: {  	s10 =	sadd.s32 $0x2C80, s9;
	[sflag:s23] =	ssyncadd.s32 $0xFFFFF000  }
0xd5: {  	[spmem:s2] =	stream.indirect.scatter.add.bf16 [tilespmem:s26], [sflag:$0x8], $0x20, s10, s20, $0xb8;
	[tilespmem:$0x10A00] =	vst v63  }
0xd6: {  	s9 =	sadd.s32 $0x680, s9  }
0xd7: {  	[tilespmem:s22], [sflag:$0x2] =	stream.indirect.gather [hbm4b:s4+s20], $0x20, s9, s20, $0xb8;
	[tilespmem:$0x10A00] =	vst v63  }
0xd8: {  	_ =	swait.ge [sflag:s6], $0x1000  }
0xd9: {  	[sflag:s6] =	ssyncset.done $0x0  }
0xda: {  	[sflag:s6] =	ssyncadd.s32 $0xFFFFF000  }
0xdb: {  	_ =	swait.ge [sflag:s29], $0x1000  }
0xdc: {  	[sflag:s29] =	ssyncset.done $0x0  }
0xdd: {  	s8 =	simm.s32 $0x4E00;
	[sflag:s29] =	ssyncadd.s32 $0xFFFFF000  }
0xde: {  	[spmem:s2] =	stream.indirect.scatter.add.bf16 [tilespmem:s30], [sflag:$0x7], $0x20, s8, s20, $0xb8;
	[tilespmem:$0x10A00] =	vst v63  }
0xdf: {  	_ =	swait.ge [sflag:s7], $0x1000  }
0xe0: {  	[sflag:s7] =	ssyncset.done $0x0  }
0xe1: {  	[sflag:s7] =	ssyncadd.s32 $0xFFFFF000  }
0xe2: {  	_ =	swait.ge [sflag:s23], $0x1000  }
0xe3: {  	[sflag:s23] =	ssyncset.done $0x0  }
0xe4: {  	s10 =	simm.s32 $0x4E80;
	[sflag:s23] =	ssyncadd.s32 $0xFFFFF000  }
0xe5: {  	[spmem:s2] =	stream.indirect.scatter.add.bf16 [tilespmem:s1], [sflag:$0x8], $0x20, s10, s20, $0xb8;
	[tilespmem:$0x10A00] =	vst v63  }
0xe6: {  	_ =	swait.ge [sflag:s28], $0x1000  }
0xe7: {  	[sflag:s28] =	ssyncset.done $0x0  }
0xe8: {  	[sflag:s28] =	ssyncadd.s32 $0xFFFFF000  }
0xe9: {  	_ =	swait.ge [sflag:s29], $0x1000  }
0xea: {  	[sflag:s29] =	ssyncset.done $0x0  }
0xeb: {  	s9 =	simm.s32 $0x4F00;
	[sflag:s29] =	ssyncadd.s32 $0xFFFFF000  }
0xec: {  	[spmem:s2] =	stream.indirect.scatter.add.bf16 [tilespmem:s21], [sflag:$0x7], $0x20, s9, s20, $0xb8;
	[tilespmem:$0x10A00] =	vst v63  }
0xed: {  	_ =	swait.ge [sflag:s31], $0x1000  }
0xee: {  	[sflag:s31] =	ssyncset.done $0x0  }
0xef: {  	[sflag:s31] =	ssyncadd.s32 $0xFFFFF000  }
0xf0: {  	_ =	swait.ge [sflag:s23], $0x1000  }
0xf1: {  	[sflag:s23] =	ssyncset.done $0x0  }
0xf2: {  	s10 =	simm.s32 $0x4F80;
	[sflag:s23] =	ssyncadd.s32 $0xFFFFF000  }
0xf3: {  	[spmem:s2] =	stream.indirect.scatter.add.bf16 [tilespmem:s22], [sflag:$0x8], $0x20, s10, s20, $0xb8;
	[tilespmem:$0x10A00] =	vst v63  }
0xf4: {  	_ =	swait.ge [sflag:s29], $0x1000  }
0xf5: {  	[sflag:s29] =	ssyncset.done $0x0  }
0xf6: {  	[sflag:s29] =	ssyncadd.s32 $0xFFFFF000  }
0xf7: {  	s9 =	stileid.u32;
	_ =	swait.ge [sflag:s23], $0x1000  }
0xf8: {  	s3 =	sadd.s32 $0x1, s3;
	s8 =	sshll.u32 s9, $0x6;
	[sflag:s23] =	ssyncset.done $0x0  }
0xf9: {  	p0 =	sne.s32 s3, s16;
	s8 =	sor.u32 $0x1C09, s8;
	[sflag:s23] =	ssyncadd.s32 $0xFFFFF000  }
.Ltmp2:
0xfa: {  	s10 =	sshrl.u32 s5, $0x3;
	[bflag:$0x0] =	sbarrier.arrive $0xFFFF;
	(pc) =	sbr.rel @p0 .LBB2_1-.Ltmp2, $4  }
0xfb: {  	[hbm:s15], [sflag:s8] =	dma.local [spmem:s10], $0xA00  }
0xfc: {  	_ =	swait.ge [sflag:s18], $0xA00  }
0xfd: {  	[sflag:s18] =	ssyncset.done $0x0  }
0xfe: {  	[sflag:s18] =	ssyncadd.s32 $0xFFFFF600  }
0xff: {  	_ =	sfence.sel $0x180000  }
0x100: {  	[bflag:$0x0] =	sbarrier.arrive $0xFFFF  }
0x101: {  	_ =	strace $0x9000004A  }
0x102: {  	s0 =	stileid.u32;
	[bflag:$0x2] =	sbarrier.arrive $0xFFFF  }
0x103: {  	p0 =	sne.s32 s0, $0x0;
	s0 =	rddreg [dreg:$0x3]  }
0x104: {  	s0 =	sadd.s32 @!p0 $0x100000, s0  }
0x105: {  	[sflag:s0] =	ssyncadd.tile.s32 @!p0 $0x1;
	_ =	shalt  }
.Lfunc_end2:
_tile_overlayer_lowered:
.L_overlay_start_2:
0x106: {  	(tag) =	ssettag $0x2  }
0x107: {  	s0 =	rddreg [dreg:$0x0];
	s2 =	stileid.u32  }
0x108: {  	s1 =	rddreg [dreg:$0x1];
	p0 =	sne.s32 s2, $0x0  }
0x109: {  	s3 =	rddreg [dreg:$0x2];
	[bflag:$0x3] =	sbarrier.arrive $0xFFFF;
	s2 =	simm.s32 @!p0 $0x1C09  }
0x10a: {  	[timem:s3], [sflag:s2] =	dma.local @!p0 [hbm:s0], s1  }
0x10b: {  	s0 =	simm.s32 @!p0 $0x9  }
0x10c: {  	_ =	swait.ge @!p0 [sflag:s0], s1  }
0x10d: {  	s1 =	ssub.s32 @!p0 $0x0, s1;
	[sflag:s0] =	ssyncset.done @!p0 $0x0  }
0x10e: {  	[sflag:s0] =	ssyncadd.s32 @!p0 s1  }
0x10f: {  	[bflag:$0x3] =	sbarrier.arrive $0xFFFF  }
0x110: {  	_ =	shalt  }

// kernel: kernel.14.cloned.1.call-start
scs
__scs_entry_jumppad:
0x0: {  	(pc) =	sbr.rel $0x88, $3  }
0x1: {  	(tag) =	ssettag $0x0;
	lr =	simm.s32 $0x1  }
0x2: {  	[smem:$0x3F9D] =	sst lr;
	_ =	strace $0xD0000000  }
0x3: {  	_ = 	snop  }
0x4: {  	_ = 	snop  }
0x5: {  	_ = 	snop  }
0x6: {  	_ = 	snop  }
0x7: {  	_ = 	snop  }
__scs_overlays_trampoline_lowered:
0x8: {  	[smem:$0x3FAC] =	sst s0  }
0x9: {  	[smem:$0x3FAD] =	sst s1  }
0xa: {  	[smem:$0x3FAE] =	sst s2  }
0xb: {  	[smem:$0x3FAF] =	sst s3  }
0xc: {  	[smem:$0x3FB0] =	sst s4  }
0xd: {  	[smem:$0x3FB1] =	sst s5  }
0xe: {  	[smem:$0x3FB2] =	sst s6  }
0xf: {  	[smem:$0x3FB3] =	sst s7  }
0x10: {  	[smem:$0x3FB4] =	sst s8  }
0x11: {  	[smem:$0x3FB5] =	sst s9;
	s0 =	simm.s32 @!p0 $0x0  }
0x12: {  	s1 =	sld [smem:$0x3F9B];
	s0 =	simm.s32 @p0 $0x1  }
0x13: {  	[smem:$0x3FB6] =	sst s0;
	s0 =	simm.s32 @!p1 $0x0  }
0x14: {  	s2 =	sld [smem:$0x3F9A];
	s0 =	simm.s32 @p1 $0x1  }
0x15: {  	[smem:$0x3FB7] =	sst s0;
	s0 =	simm.s32 @!p2 $0x0  }
0x16: {  	s3 =	sld [smem:$0x3FDB];
	s0 =	simm.s32 @p2 $0x1  }
0x17: {  	s4 =	simm.s32 $0x1BF5;
	[smem:$0x3FB9] =	sst s0  }
0x18: {  	s0 =	sld [smem:$0x3F9C];
	_ =	swait.ge [sflag:s4], $0x0  }
0x19: {  	s7 =	sld [smem:$0x3F9D]  }
0x1a: {  	s8 =	sadd.s32 $0xFFFFE003, lr  }
0x1b: {  	s9 =	sadd.s32 $0xFFFFFEF7, lr;
	s5 =	simm.s32 $0xFFFFFFFF;
	p2 =	slt.u32 s8, $0xFFFFF086  }
0x1c: {  	p1 =	slt.u32 s9, $0xF7A;
	s5 =	simm.s32 @!p2 $0x0  }
0x1d: {  	s5 =	simm.s32 @p1 $0x1;
	p0 =	seq.s32 s7, s2  }
0x1e: {  	s7 =	smul.u32 @!p0 $0xF7A, s2;
	p2 =	seq.s32 @!p0 s5, $0x0  }
0x1f: {  	s9 =	smul.u32 $0xF7A, s1;
	s8 =	simm.s32 @!p0 $0x1BF5;
	p2 =	por !p2, p0  }
0x20: {  	[sflag:s8] =	ssyncset.s32 @!p0 $0xFFFFF086;
	s6 =	sadd.s32 @!p0 s3, s7;
	s7 =	simm.s32 @!p0 $0x108  }
0x21: {  	s3 =	sadd.s32 s3, s9;
	s6 =	sadd.s32 @!p0 $0x88, s6;
	s7 =	simm.s32 @p2 $0x1082  }
0x22: {  	[simem:s7], [sflag:s8] =	dma.local @!p0 [hbm:s6], $0xF7A  }
0x23: {  	s9 =	sor.u32 $0xD0000000, s2;
	s6 =	simm.s32 $0x108;
	_ =	swait.ge @!p0 [sflag:s8], $0x0  }
0x24: {  	s3 =	sadd.s32 $0x88, s3;
	s6 =	simm.s32 @!p1 $0x1082;
	[sflag:s4] =	ssyncset.s32 $0xFFFFF086  }
0x25: {  	[simem:s6], [sflag:s4] =	dma.local [hbm:s3], $0xF7A  }
0x26: {  	[smem:$0x3F9D] =	sst s1;
	(tag) =	ssettag s2;
	_ =	strace s9  }
0x27: {  	s1 =	sld [smem:$0x3FAD]  }
0x28: {  	s2 =	sld [smem:$0x3FAE]  }
0x29: {  	s4 =	sld [smem:$0x3FB0]  }
0x2a: {  	p0 =	seq.s32 s5, $0x0;
	s5 =	sld [smem:$0x3FB1]  }
0x2b: {  	s6 =	sld [smem:$0x3FB2]  }
0x2c: {  	s7 =	sld [smem:$0x3FB3]  }
0x2d: {  	s3 =	simm.s32 $0x108;
	s8 =	sld [smem:$0x3FB4]  }
0x2e: {  	s3 =	simm.s32 @!p0 $0x1082;
	s9 =	sld [smem:$0x3FB5]  }
0x2f: {  	lr =	sadd.s32 s0, s3;
	s0 =	sld [smem:$0x3FAC]  }
0x30: {  	s3 =	sld [smem:$0x3FAF]  }
0x31: {  	[smem:$0x3FB8] =	sst s10  }
0x32: {  	s10 =	sld [smem:$0x3FB6];
	_ =	sdelay $0x3  }
0x33: {  	p0 =	seq.s32 s10, $0x1;
	s10 =	sld [smem:$0x3FB8];
	_ =	sdelay $0x3  }
0x34: {  	[smem:$0x3FB8] =	sst s10  }
0x35: {  	s10 =	sld [smem:$0x3FB7];
	_ =	sdelay $0x3  }
0x36: {  	p1 =	seq.s32 s10, $0x1;
	s10 =	sld [smem:$0x3FB8];
	_ =	sdelay $0x3  }
0x37: {  	[smem:$0x3FB8] =	sst s10  }
0x38: {  	s10 =	sld [smem:$0x3FB9]  }
0x39: {  	_ = 	snop;
	(pc) =	sbr.ind lr, $3  }
0x3a: {  	_ = 	snop  }
0x3b: {  	_ = 	snop  }
0x3c: {  	p2 =	seq.s32 s10, $0x1;
	s10 =	sld [smem:$0x3FB8]  }
0x3d: {  	_ =	shalt  }
0x3e: {  	_ =	shalt  }
0x3f: {  	_ =	shalt  }
0x40: {  	_ =	shalt  }
0x41: {  	_ =	shalt  }
0x42: {  	_ =	shalt  }
0x43: {  	_ =	shalt  }
0x44: {  	_ =	shalt  }
0x45: {  	_ =	shalt  }
0x46: {  	_ =	shalt  }
0x47: {  	_ =	shalt  }
0x48: {  	_ =	shalt  }
0x49: {  	_ =	shalt  }
0x4a: {  	_ =	shalt  }
0x4b: {  	_ =	shalt  }
0x4c: {  	_ =	shalt  }
0x4d: {  	_ =	shalt  }
0x4e: {  	_ =	shalt  }
0x4f: {  	_ =	shalt  }
0x50: {  	_ =	shalt  }
0x51: {  	_ =	shalt  }
0x52: {  	_ =	shalt  }
0x53: {  	_ =	shalt  }
0x54: {  	_ =	shalt  }
0x55: {  	_ =	shalt  }
0x56: {  	_ =	shalt  }
0x57: {  	_ =	shalt  }
0x58: {  	_ =	shalt  }
0x59: {  	_ =	shalt  }
0x5a: {  	_ =	shalt  }
0x5b: {  	_ =	shalt  }
0x5c: {  	_ =	shalt  }
0x5d: {  	_ =	shalt  }
0x5e: {  	_ =	shalt  }
0x5f: {  	_ =	shalt  }
0x60: {  	_ =	shalt  }
0x61: {  	_ =	shalt  }
0x62: {  	_ =	shalt  }
0x63: {  	_ =	shalt  }
0x64: {  	_ =	shalt  }
0x65: {  	_ =	shalt  }
0x66: {  	_ =	shalt  }
0x67: {  	_ =	shalt  }
0x68: {  	_ =	shalt  }
0x69: {  	_ =	shalt  }
0x6a: {  	_ =	shalt  }
0x6b: {  	_ =	shalt  }
0x6c: {  	_ =	shalt  }
0x6d: {  	_ =	shalt  }
0x6e: {  	_ =	shalt  }
0x6f: {  	_ =	shalt  }
0x70: {  	_ =	shalt  }
0x71: {  	_ =	shalt  }
0x72: {  	_ =	shalt  }
0x73: {  	_ =	shalt  }
0x74: {  	_ =	shalt  }
0x75: {  	_ =	shalt  }
0x76: {  	_ =	shalt  }
0x77: {  	_ =	shalt  }
0x78: {  	_ =	shalt  }
0x79: {  	_ =	shalt  }
0x7a: {  	_ =	shalt  }
0x7b: {  	_ =	shalt  }
0x7c: {  	_ =	shalt  }
0x7d: {  	_ =	shalt  }
0x7e: {  	_ =	shalt  }
0x7f: {  	_ =	shalt  }
0x80: {  	_ =	shalt  }
0x81: {  	_ =	shalt  }
0x82: {  	_ =	shalt  }
0x83: {  	_ =	shalt  }
0x84: {  	_ =	shalt  }
0x85: {  	_ =	shalt  }
0x86: {  	_ =	shalt  }
0x87: {  	_ =	shalt  }
.Lfunc_end0:
.L_simem_size_0:
called_computation.2_lowered:
.L_overlay_start_0:
0x88: {  	s2 =	sld [smem:$0x3FD9]  }
0x89: {  	s3 =	sld [smem:$0x3FFE];
	_ =	sdelay $0x1  }
0x8a: {  	s1 =	srdreg.scid  }
0x8b: {  	s0 =	sand.u32 $0x1, s1  }
0x8c: {  	s17 =	sshll.u32 s0, $0xA;
	s2 =	sadd.s32 s3, s2  }
0x8d: {  	s2 =	sadd.s32 s2, s17  }
0x8e: {  	[smem:$0x3FC4] =	sst s2  }
0x8f: {  	_ = 	snop  }
0x90: {  	s2 =	sld [smem:$0x3FD0];
	(tm) =	ssettm $0x1  }
0x91: {  	s18 =	sld [smem:$0x3FFB];
	_ =	sdelay $0x3  }
0x92: {  	_ =	strace s18  }
0x93: {  	s3 =	sld [smem:$0x3FFC];
	_ =	sdelay $0x3  }
0x94: {  	_ =	strace s3  }
0x95: {  	s3 =	sld [smem:$0x3FFD];
	_ =	sdelay $0x3  }
0x96: {  	_ =	strace s3  }
0x97: {  	_ =	strace $0x8FFFFFFF  }
0x98: {  	s19 =	sld [smem:$0x3FDB];
	_ =	sdelay $0x1  }
0x99: {  	s4 =	simm.s32 $_scs_section_size  }
0x9a: {  	s5 =	simm.s32 $_size__tile_overlayer_lowered;
	s6 =	simm.s32 $_tile_overlayer_lowered  }
0x9b: {  	s22 =	simm.s32 $0x1BFF;
	s21 =	sshll.u32 s6, $0x1;
	s3 =	sadd.s32 s4, s19  }
0x9c: {  	s7 =	simm.s32 $0x0;
	s20 =	sshll.u32 s5, $0x1;
	s5 =	sadd.s32 s21, s3  }
0x9d: {  	[timem:s7], [sflag:s22] =	dma.local [hbm:s5], s20  }
0x9e: {  	_ =	swait.ge [sflag:s22], s20  }
0x9f: {  	s4 =	ssub.s32 $0x0, s20;
	[sflag:s22] =	ssyncset.done $0x0  }
0xa0: {  	[sflag:s22] =	ssyncadd.s32 s4;
	_ =	sdelay $0x1  }
0xa1: {  	s23 =	simm.s32 $0x1B8B  }
0xa2: {  	_ =	swait.ge [sflag:s23], $0x1  }
0xa3: {  	[sflag:s23] =	ssyncset.done $0x0  }
0xa4: {  	s25 =	simm.s32 $0x1B8E;
	s24 =	sld [smem:$0x3FFE];
	[sflag:s23] =	ssyncadd.s32 $0xFFFFFFFF  }
0xa5: {  	s26 =	simm.s32 $execute0_lowered;
	[smem:$0x3FD2] =	sst s25  }
0xa6: {  	s5 =	sshll.u32 s26, $0x1;
	_ =	strace $0x8000004C;
	[dreg:$0x1] =	wrdreg $0xFFFFFFFF  }
0xa7: {  	s28 =	simm.s32 $_size_execute0_lowered;
	s3 =	sadd.s32 s3, s5;
	[dreg:$0x0] =	wrdreg $0x0  }
0xa8: {  	s5 =	sshll.u32 s28, $0x1;
	[dreg:$0x2] =	wrdreg s3  }
0xa9: {  	[dreg:$0x3] =	wrdreg s5  }
0xaa: {  	[dreg:$0x4] =	wrdreg $0xC0  }
0xab: {  	_ =	task [dreg:s7], $0x5FFFF  }
0xac: {  	[dreg:$0x1] =	wrdreg $0xFFFFFFFF  }
0xad: {  	[dreg:$0x0] =	wrdreg $0x60  }
0xae: {  	[dreg:$0x2] =	wrdreg s24  }
0xaf: {  	[dreg:$0x3] =	wrdreg s2  }
0xb0: {  	[dreg:$0x4] =	wrdreg $0xBA000  }
0xb1: {  	[dreg:$0x5] =	wrdreg $0x9  }
0xb2: {  	_ =	task.clear_ibuf [dreg:s7], $0x6FFFF;
	_ =	strace $0x9000004C  }
0xb3: {  	s29 =	simm.s32 $0x9;
	_ =	strace $0x8000004E  }
0xb4: {  	_ =	swait.ge [sflag:s29], $0x1  }
0xb5: {  	[sflag:s29] =	ssyncadd.s32 $0xFFFFFFFF  }
0xb6: {  	_ =	strace $0x9000004E  }
0xb7: {  	_ =	sfence  }
0xb8: {  	s30 =	sld [smem:$0x0];
	_ =	sdelay $0x2  }
0xb9: {  	s31 =	sshll.u32 s1, $0xD;
	s1 =	sshrl.u32 s1, $0x2  }
0xba: {  	s3 =	sand.u32 $0x4000, s31;
	s1 =	sadd.s32 s1, s30  }
0xbb: {  	s0 =	sor.u32 s3, s0;
	s1 =	sshll.u32 s1, $0x11  }
0xbc: {  	s0 =	sor.u32 s1, s0  }
0xbd: {  	s0 =	sadd.s32 $0x8F2B, s0  }
0xbe: {  	[sflag:s0] =	ssyncadd.remote.s32 $0x1  }
0xbf: {  	_ =	sfence.sel $0xFFFF  }
0xc0: {  	[dreg:$0x0] =	wrdreg $0xFFFFFFFF;
	(pc) =	sbr.abs _section_cstart, $3  }
0xc1: {  	[dreg:$0x1] =	wrdreg $0xFFFFFFFF  }
0xc2: {  	_ =	task.clear_ibuf [dreg:s7], $0x2FFFF;
	_ =	strace $0x9FFFFFFF  }
0xc3: {  	(tm) =	ssettm $0x7FFFFFFF  }
tec
execute0_lowered:
.L_overlay_start_1:
0x0: {  	(tag) =	ssettag $0x1  }
0x1: {  	s0 =	rddreg [dreg:$0x0]  }
0x2: {  	s1 =	rddreg [dreg:$0x1]  }
0x3: {  	s2 =	rddreg [dreg:$0x2];
	s3 =	srdreg.scid  }
0x4: {  	s9 =	stileid.u32;
	s17 =	simm.s32 $0xB000;
	s18 =	simm.s32 $0x9  }
0x5: {  	s19 =	simm.s32 $0x2800;
	s20 =	simm.s32 $0x80;
	s28 =	simm.s32 $0x1  }
0x6: {  	s30 =	simm.s32 $0x9000;
	s31 =	simm.s32 $0x2;
	s29 =	simm.s32 $0x7  }
0x7: {  	s5 =	sand.u32 $0x1, s3;
	s6 =	smul.u32 $0xA000, s9;
	s3 =	simm.s32 $0x0  }
0x8: {  	s4 =	sshll.u32 s5, $0x4;
	s7 =	smul.u32 $0xA0000, s5;
	[smem:$0x7FF] =	sst s3  }
0x9: {  	s5 =	ssub.s32 $0x2, s5;
	s4 =	sor.u32 s9, s4;
	s9 =	smul.u32 $0x14000, s9  }
0xa: {  	_ =	strace $0x8000004D;
	s21 =	sshrl.u32 s5, $0x1;
	s8 =	smul.u32 $0x500, s4  }
0xb: {  	s7 =	sadd.s32 s6, s7;
	s4 =	sadd.s32 $0xC000, s0;
	s6 =	sshrl.u32 s6, $0x1  }
0xc: {  	s7 =	sshrl.u32 s7, $0x4;
	s9 =	sshrl.u32 s9, $0x2;
	s13 =	sadd.s32 s8, s0  }
0xd: {  	s0 =	sadd.s32 s7, s0;
	s7 =	ssub.s32 s5, s21;
	s5 =	sadd.s32 s6, s2  }
0xe: {  	s22 =	sadd.s32 s9, s2;
	s14 =	sadd.s32 s1, s8;
	s21 =	simm.s32 $0x5000  }
0xf: {  	s1 =	simm.s32 $0xA000;
	s6 =	simm.s32 $0x5;
	s9 =	sadd.s32 $0xA00, s22  }
0x10: {  	s23 =	sadd.s32 $0x1400, s22;
	s24 =	sadd.s32 $0x1E00, s22;
	s25 =	sadd.s32 $0x2800, s22  }
0x11: {  	s26 =	sadd.s32 $0x3200, s22;
	s11 =	sadd.s32 $0x3C00, s22;
	[dreg:$0x4] =	wrdreg s9  }
0x12: {  	s12 =	sadd.s32 $0x4600, s22;
	s13 =	sadd.s32 $0x2000, s13;
	[dreg:$0x5] =	wrdreg s23  }
0x13: {  	s15 =	sadd.s32 $0x15E00, s0;
	s16 =	smax.u32 s7, $0x1;
	[dreg:$0x6] =	wrdreg s24  }
0x14: {  	s22 =	simm.s32 $0x6000;
	s0 =	simm.s32 $0x4;
	[dreg:$0x7] =	wrdreg s25  }
0x15: {  	s7 =	simm.s32 $0x6;
	[dreg:$0x8] =	wrdreg s26;
	s24 =	simm.s32 $0x7000  }
0x16: {  	v0 =	vimm.bf16 $0.0e+00;
	s26 =	simm.s32 $0x8000;
	s25 =	simm.s32 $0x3;
	s23 =	simm.s32 $0x8  }
.LBB2_1:
0x17: {  	s8 =	simm.s32 $0x80;
	s9 =	simm.s32 $0x0  }
.LBB2_2:
0x18: {  	p0 =	sne.s32 s8, $0x2780;
	[tilespmem:s9+$0xB000] =	vst v0;
	s10 =	smov.u32 s8;
	s8 =	sadd.s32 $0x80, s8  }
.Ltmp0:
0x19: {  	[tilespmem:s9+$0xB010] =	vst v0;
	(pc) =	sbr.rel @p0 .LBB2_2-.Ltmp0, $2  }
0x1a: {  	_ =	sdelay $0x2  }
0x1b: {  	s9 =	sshra.s32 s10, $0x2  }
0x1c: {  	[tilespmem:s9+$0xB000] =	vst v0  }
0x1d: {  	[tilespmem:s9+$0xB010] =	vst v0  }
0x1e: {  	[spmem:s5] =	stream.linear.scatter [tilespmem:s17], [sflag:$0x9], $0xA00, $0x38;
	[tilespmem:$0x10A00] =	vst v63  }
0x1f: {  	_ =	swait.ge [sflag:s18], $0xA00  }
0x20: {  	[sflag:s18] =	ssyncset.done $0x0  }
0x21: {  	s8 =	rddreg [dreg:$0x4];
	[sflag:s18] =	ssyncadd.s32 $0xFFFFF600  }
0x22: {  	[spmem:s8] =	stream.linear.scatter [tilespmem:s17], [sflag:$0x9], $0xA00, $0x38;
	[tilespmem:$0x10A00] =	vst v63  }
0x23: {  	_ =	swait.ge [sflag:s18], $0xA00  }
0x24: {  	[sflag:s18] =	ssyncset.done $0x0  }
0x25: {  	s10 =	rddreg [dreg:$0x5];
	[sflag:s18] =	ssyncadd.s32 $0xFFFFF600  }
0x26: {  	[spmem:s10] =	stream.linear.scatter [tilespmem:s17], [sflag:$0x9], $0xA00, $0x38;
	[tilespmem:$0x10A00] =	vst v63  }
0x27: {  	_ =	swait.ge [sflag:s18], $0xA00  }
0x28: {  	[sflag:s18] =	ssyncset.done $0x0  }
0x29: {  	s9 =	rddreg [dreg:$0x6];
	[sflag:s18] =	ssyncadd.s32 $0xFFFFF600  }
0x2a: {  	[spmem:s9] =	stream.linear.scatter [tilespmem:s17], [sflag:$0x9], $0xA00, $0x38;
	[tilespmem:$0x10A00] =	vst v63  }
0x2b: {  	_ =	swait.ge [sflag:s18], $0xA00  }
0x2c: {  	[sflag:s18] =	ssyncset.done $0x0  }
0x2d: {  	s10 =	rddreg [dreg:$0x7];
	[sflag:s18] =	ssyncadd.s32 $0xFFFFF600  }
0x2e: {  	[spmem:s10] =	stream.linear.scatter [tilespmem:s17], [sflag:$0x9], $0xA00, $0x38;
	[tilespmem:$0x10A00] =	vst v63  }
0x2f: {  	_ =	swait.ge [sflag:s18], $0xA00  }
0x30: {  	[sflag:s18] =	ssyncset.done $0x0  }
0x31: {  	s9 =	rddreg [dreg:$0x8];
	[sflag:s18] =	ssyncadd.s32 $0xFFFFF600  }
0x32: {  	[spmem:s9] =	stream.linear.scatter [tilespmem:s17], [sflag:$0x9], $0xA00, $0x38;
	[tilespmem:$0x10A00] =	vst v63  }
0x33: {  	_ =	swait.ge [sflag:s18], $0xA00  }
0x34: {  	[sflag:s18] =	ssyncset.done $0x0  }
0x35: {  	[sflag:s18] =	ssyncadd.s32 $0xFFFFF600  }
0x36: {  	[spmem:s11] =	stream.linear.scatter [tilespmem:s17], [sflag:$0x9], $0xA00, $0x38;
	[tilespmem:$0x10A00] =	vst v63  }
0x37: {  	_ =	swait.ge [sflag:s18], $0xA00  }
0x38: {  	[sflag:s18] =	ssyncset.done $0x0  }
0x39: {  	[sflag:s18] =	ssyncadd.s32 $0xFFFFF600  }
0x3a: {  	[spmem:s12] =	stream.linear.scatter [tilespmem:s17], [sflag:$0x9], $0xA00, $0x38;
	[tilespmem:$0x10A00] =	vst v63  }
0x3b: {  	_ =	swait.ge [sflag:s18], $0xA00  }
0x3c: {  	[sflag:s18] =	ssyncset.done $0x0  }
0x3d: {  	s10 =	simm.s32 $0x0;
	[sflag:s18] =	ssyncadd.s32 $0xFFFFF600  }
0x3e: {  	[tilespmem:s10], [sflag:$0x9] =	stream.linear.gather [hbm4b:s13+s10], $0x2800, $0x38;
	[tilespmem:$0x10A00] =	vst v63  }
0x3f: {  	_ =	swait.ge [sflag:s18], $0x2800  }
0x40: {  	[sflag:s18] =	ssyncset.done $0x0  }
0x41: {  	[sflag:s18] =	ssyncadd.s32 $0xFFFFD800  }
0x42: {  	[tilespmem:s19], [sflag:$0x9] =	stream.linear.gather [hbm4b:s14+s10], $0x2800, $0x38;
	[tilespmem:$0x10A00] =	vst v63  }
0x43: {  	_ =	swait.ge [sflag:s18], $0x2800  }
0x44: {  	[sflag:s18] =	ssyncset.done $0x0  }
0x45: {  	[sflag:s18] =	ssyncadd.s32 $0xFFFFD800  }
0x46: {  	[tilespmem:s21], [sflag:$0x1] =	stream.indirect.gather [hbm4b:s4+s20], $0x20, s10, s20, $0xb8;
	[tilespmem:$0x10A00] =	vst v63  }
0x47: {  	_ = 	snop  }
0x48: {  	[tilespmem:s22], [sflag:$0x2] =	stream.indirect.gather [hbm4b:s4+s20], $0x20, s20, s20, $0xb8;
	[tilespmem:$0x10A00] =	vst v63  }
0x49: {  	s9 =	simm.s32 $0x100  }
0x4a: {  	[tilespmem:s24], [sflag:$0x3] =	stream.indirect.gather [hbm4b:s4+s20], $0x20, s9, s20, $0xb8;
	[tilespmem:$0x10A00] =	vst v63  }
0x4b: {  	s10 =	simm.s32 $0x180  }
0x4c: {  	[tilespmem:s26], [sflag:$0x4] =	stream.indirect.gather [hbm4b:s4+s20], $0x20, s10, s20, $0xb8;
	[tilespmem:$0x10A00] =	vst v63  }
0x4d: {  	[bflag:$0x0] =	sbarrier.arrive $0xFFFF  }
0x4e: {  	_ =	swait.ge [sflag:s28], $0x1000  }
0x4f: {  	[sflag:s28] =	ssyncset.done $0x0  }
0x50: {  	[sflag:s28] =	ssyncadd.s32 $0xFFFFF000  }
0x51: {  	[spmem:s2] =	stream.indirect.scatter.add.bf16 [tilespmem:s21], [sflag:$0x7], $0x20, s19, s20, $0xb8;
	[tilespmem:$0x10A00] =	vst v63  }
0x52: {  	s9 =	simm.s32 $0x200  }
0x53: {  	[tilespmem:s30], [sflag:$0x5] =	stream.indirect.gather [hbm4b:s4+s20], $0x20, s9, s20, $0xb8;
	[tilespmem:$0x10A00] =	vst v63  }
0x54: {  	_ =	swait.ge [sflag:s31], $0x1000  }
0x55: {  	[sflag:s31] =	ssyncset.done $0x0  }
0x56: {  	s10 =	simm.s32 $0x2880;
	[sflag:s31] =	ssyncadd.s32 $0xFFFFF000  }
0x57: {  	[spmem:s2] =	stream.indirect.scatter.add.bf16 [tilespmem:s22], [sflag:$0x8], $0x20, s10, s20, $0xb8;
	[tilespmem:$0x10A00] =	vst v63  }
0x58: {  	s9 =	simm.s32 $0x280  }
0x59: {  	[tilespmem:s1], [sflag:$0x6] =	stream.indirect.gather [hbm4b:s4+s20], $0x20, s9, s20, $0xb8;
	[tilespmem:$0x10A00] =	vst v63  }
0x5a: {  	_ =	swait.ge [sflag:s25], $0x1000  }
0x5b: {  	[sflag:s25] =	ssyncset.done $0x0  }
0x5c: {  	[sflag:s25] =	ssyncadd.s32 $0xFFFFF000  }
0x5d: {  	_ =	swait.ge [sflag:s29], $0x1000  }
0x5e: {  	[sflag:s29] =	ssyncset.done $0x0  }
0x5f: {  	s10 =	simm.s32 $0x2900;
	[sflag:s29] =	ssyncadd.s32 $0xFFFFF000  }
0x60: {  	[spmem:s2] =	stream.indirect.scatter.add.bf16 [tilespmem:s24], [sflag:$0x7], $0x20, s10, s20, $0xb8;
	[tilespmem:$0x10A00] =	vst v63  }
0x61: {  	s9 =	simm.s32 $0x300  }
0x62: {  	[tilespmem:s21], [sflag:$0x1] =	stream.indirect.gather [hbm4b:s4+s20], $0x20, s9, s20, $0xb8;
	[tilespmem:$0x10A00] =	vst v63  }
0x63: {  	_ =	swait.ge [sflag:s0], $0x1000  }
0x64: {  	[sflag:s0] =	ssyncset.done $0x0  }
0x65: {  	[sflag:s0] =	ssyncadd.s32 $0xFFFFF000  }
0x66: {  	_ =	swait.ge [sflag:s23], $0x1000  }
0x67: {  	[sflag:s23] =	ssyncset.done $0x0  }
0x68: {  	s10 =	simm.s32 $0x2980;
	[sflag:s23] =	ssyncadd.s32 $0xFFFFF000  }
0x69: {  	[spmem:s2] =	stream.indirect.scatter.add.bf16 [tilespmem:s26], [sflag:$0x8], $0x20, s10, s20, $0xb8;
	[tilespmem:$0x10A00] =	vst v63  }
0x6a: {  	s9 =	simm.s32 $0x380  }
0x6b: {  	[tilespmem:s22], [sflag:$0x2] =	stream.indirect.gather [hbm4b:s4+s20], $0x20, s9, s20, $0xb8;
	[tilespmem:$0x10A00] =	vst v63  }
0x6c: {  	_ =	swait.ge [sflag:s6], $0x1000  }
0x6d: {  	[sflag:s6] =	ssyncset.done $0x0  }
0x6e: {  	[sflag:s6] =	ssyncadd.s32 $0xFFFFF000  }
0x6f: {  	_ =	swait.ge [sflag:s29], $0x1000  }
0x70: {  	[sflag:s29] =	ssyncset.done $0x0  }
0x71: {  	s10 =	simm.s32 $0x2A00;
	[sflag:s29] =	ssyncadd.s32 $0xFFFFF000  }
0x72: {  	[spmem:s2] =	stream.indirect.scatter.add.bf16 [tilespmem:s30], [sflag:$0x7], $0x20, s10, s20, $0xb8;
	[tilespmem:$0x10A00] =	vst v63  }
0x73: {  	s9 =	simm.s32 $0x400  }
0x74: {  	[tilespmem:s24], [sflag:$0x3] =	stream.indirect.gather [hbm4b:s4+s20], $0x20, s9, s20, $0xb8;
	[tilespmem:$0x10A00] =	vst v63  }
0x75: {  	_ =	swait.ge [sflag:s7], $0x1000  }
0x76: {  	[sflag:s7] =	ssyncset.done $0x0  }
0x77: {  	[sflag:s7] =	ssyncadd.s32 $0xFFFFF000  }
0x78: {  	_ =	swait.ge [sflag:s23], $0x1000  }
0x79: {  	[sflag:s23] =	ssyncset.done $0x0  }
0x7a: {  	s10 =	simm.s32 $0x2A80;
	[sflag:s23] =	ssyncadd.s32 $0xFFFFF000  }
0x7b: {  	[spmem:s2] =	stream.indirect.scatter.add.bf16 [tilespmem:s1], [sflag:$0x8], $0x20, s10, s20, $0xb8;
	[tilespmem:$0x10A00] =	vst v63  }
0x7c: {  	s9 =	simm.s32 $0x480  }
0x7d: {  	[tilespmem:s26], [sflag:$0x4] =	stream.indirect.gather [hbm4b:s4+s20], $0x20, s9, s20, $0xb8;
	[tilespmem:$0x10A00] =	vst v63  }
0x7e: {  	_ =	swait.ge [sflag:s28], $0x1000  }
0x7f: {  	[sflag:s28] =	ssyncset.done $0x0  }
0x80: {  	[sflag:s28] =	ssyncadd.s32 $0xFFFFF000  }
0x81: {  	_ =	swait.ge [sflag:s29], $0x1000  }
0x82: {  	[sflag:s29] =	ssyncset.done $0x0  }
0x83: {  	s10 =	simm.s32 $0x2B00;
	[sflag:s29] =	ssyncadd.s32 $0xFFFFF000  }
0x84: {  	[spmem:s2] =	stream.indirect.scatter.add.bf16 [tilespmem:s21], [sflag:$0x7], $0x20, s10, s20, $0xb8;
	[tilespmem:$0x10A00] =	vst v63  }
0x85: {  	s9 =	simm.s32 $0x500  }
0x86: {  	[tilespmem:s30], [sflag:$0x5] =	stream.indirect.gather [hbm4b:s4+s20], $0x20, s9, s20, $0xb8;
	[tilespmem:$0x10A00] =	vst v63  }
0x87: {  	_ =	swait.ge [sflag:s31], $0x1000  }
0x88: {  	[sflag:s31] =	ssyncset.done $0x0  }
0x89: {  	[sflag:s31] =	ssyncadd.s32 $0xFFFFF000  }
0x8a: {  	_ =	swait.ge [sflag:s23], $0x1000  }
0x8b: {  	[sflag:s23] =	ssyncset.done $0x0  }
0x8c: {  	s10 =	simm.s32 $0x2B80;
	[sflag:s23] =	ssyncadd.s32 $0xFFFFF000  }
0x8d: {  	[spmem:s2] =	stream.indirect.scatter.add.bf16 [tilespmem:s22], [sflag:$0x8], $0x20, s10, s20, $0xb8;
	[tilespmem:$0x10A00] =	vst v63  }
0x8e: {  	s9 =	simm.s32 $0x580  }
0x8f: {  	[tilespmem:s1], [sflag:$0x6] =	stream.indirect.gather [hbm4b:s4+s20], $0x20, s9, s20, $0xb8;
	[tilespmem:$0x10A00] =	vst v63  }
0x90: {  	_ =	swait.ge [sflag:s25], $0x1000  }
0x91: {  	[sflag:s25] =	ssyncset.done $0x0  }
0x92: {  	[sflag:s25] =	ssyncadd.s32 $0xFFFFF000  }
0x93: {  	_ =	swait.ge [sflag:s29], $0x1000  }
0x94: {  	[sflag:s29] =	ssyncset.done $0x0  }
0x95: {  	s10 =	simm.s32 $0x2C00;
	[sflag:s29] =	ssyncadd.s32 $0xFFFFF000  }
0x96: {  	[spmem:s2] =	stream.indirect.scatter.add.bf16 [tilespmem:s24], [sflag:$0x7], $0x20, s10, s20, $0xb8;
	[tilespmem:$0x10A00] =	vst v63  }
0x97: {  	s9 =	simm.s32 $0x600  }
0x98: {  	[tilespmem:s21], [sflag:$0x1] =	stream.indirect.gather [hbm4b:s4+s20], $0x20, s9, s20, $0xb8;
	[tilespmem:$0x10A00] =	vst v63  }
0x99: {  	_ =	swait.ge [sflag:s0], $0x1000  }
0x9a: {  	[sflag:s0] =	ssyncset.done $0x0  }
0x9b: {  	[sflag:s0] =	ssyncadd.s32 $0xFFFFF000  }
0x9c: {  	_ =	swait.ge [sflag:s23], $0x1000  }
0x9d: {  	s8 =	simm.s32 $0xC00;
	[sflag:s23] =	ssyncset.done $0x0  }
0x9e: {  	s10 =	simm.s32 $0x2C80;
	s9 =	simm.s32 $0x680;
	[sflag:s23] =	ssyncadd.s32 $0xFFFFF000  }
0x9f: {  	[spmem:s2] =	stream.indirect.scatter.add.bf16 [tilespmem:s26], [sflag:$0x8], $0x20, s10, s20, $0xb8;
	[tilespmem:$0x10A00] =	vst v63  }
.LBB2_4:
0xa0: {  	[tilespmem:s22], [sflag:$0x2] =	stream.indirect.gather [hbm4b:s4+s20], $0x20, s9, s20, $0xb8;
	[tilespmem:$0x10A00] =	vst v63  }
0xa1: {  	s9 =	smov.u32 s8  }
0xa2: {  	p0 =	sne.s32 s8, $0x8400;
	s8 =	sadd.s32 $0xC00, s8;
	_ =	swait.ge [sflag:s6], $0x1000  }
0xa3: {  	[sflag:s6] =	ssyncset.done $0x0  }
0xa4: {  	[sflag:s6] =	ssyncadd.s32 $0xFFFFF000  }
0xa5: {  	_ =	swait.ge [sflag:s29], $0x1000  }
0xa6: {  	s9 =	sshra.s32 s9, $0x2;
	[sflag:s29] =	ssyncset.done $0x0  }
0xa7: {  	s10 =	sadd.s32 $0x2A00, s9;
	[sflag:s29] =	ssyncadd.s32 $0xFFFFF000  }
0xa8: {  	[spmem:s2] =	stream.indirect.scatter.add.bf16 [tilespmem:s30], [sflag:$0x7], $0x20, s10, s20, $0xb8;
	[tilespmem:$0x10A00] =	vst v63  }
0xa9: {  	s10 =	sadd.s32 $0x400, s9  }
0xaa: {  	[tilespmem:s24], [sflag:$0x3] =	stream.indirect.gather [hbm4b:s4+s20], $0x20, s10, s20, $0xb8;
	[tilespmem:$0x10A00] =	vst v63  }
0xab: {  	_ =	swait.ge [sflag:s7], $0x1000  }
0xac: {  	[sflag:s7] =	ssyncset.done $0x0  }
0xad: {  	[sflag:s7] =	ssyncadd.s32 $0xFFFFF000  }
0xae: {  	_ =	swait.ge [sflag:s23], $0x1000  }
0xaf: {  	[sflag:s23] =	ssyncset.done $0x0  }
0xb0: {  	s10 =	sadd.s32 $0x2A80, s9;
	[sflag:s23] =	ssyncadd.s32 $0xFFFFF000  }
0xb1: {  	[spmem:s2] =	stream.indirect.scatter.add.bf16 [tilespmem:s1], [sflag:$0x8], $0x20, s10, s20, $0xb8;
	[tilespmem:$0x10A00] =	vst v63  }
0xb2: {  	s10 =	sadd.s32 $0x480, s9  }
0xb3: {  	[tilespmem:s26], [sflag:$0x4] =	stream.indirect.gather [hbm4b:s4+s20], $0x20, s10, s20, $0xb8;
	[tilespmem:$0x10A00] =	vst v63  }
0xb4: {  	_ =	swait.ge [sflag:s28], $0x1000  }
0xb5: {  	[sflag:s28] =	ssyncset.done $0x0  }
0xb6: {  	[sflag:s28] =	ssyncadd.s32 $0xFFFFF000  }
0xb7: {  	_ =	swait.ge [sflag:s29], $0x1000  }
0xb8: {  	[sflag:s29] =	ssyncset.done $0x0  }
0xb9: {  	s10 =	sadd.s32 $0x2B00, s9;
	[sflag:s29] =	ssyncadd.s32 $0xFFFFF000  }
0xba: {  	[spmem:s2] =	stream.indirect.scatter.add.bf16 [tilespmem:s21], [sflag:$0x7], $0x20, s10, s20, $0xb8;
	[tilespmem:$0x10A00] =	vst v63  }
0xbb: {  	s10 =	sadd.s32 $0x500, s9  }
0xbc: {  	[tilespmem:s30], [sflag:$0x5] =	stream.indirect.gather [hbm4b:s4+s20], $0x20, s10, s20, $0xb8;
	[tilespmem:$0x10A00] =	vst v63  }
0xbd: {  	_ =	swait.ge [sflag:s31], $0x1000  }
0xbe: {  	[sflag:s31] =	ssyncset.done $0x0  }
0xbf: {  	[sflag:s31] =	ssyncadd.s32 $0xFFFFF000  }
0xc0: {  	_ =	swait.ge [sflag:s23], $0x1000  }
0xc1: {  	[sflag:s23] =	ssyncset.done $0x0  }
0xc2: {  	s10 =	sadd.s32 $0x2B80, s9;
	[sflag:s23] =	ssyncadd.s32 $0xFFFFF000  }
0xc3: {  	[spmem:s2] =	stream.indirect.scatter.add.bf16 [tilespmem:s22], [sflag:$0x8], $0x20, s10, s20, $0xb8;
	[tilespmem:$0x10A00] =	vst v63  }
0xc4: {  	s10 =	sadd.s32 $0x580, s9  }
0xc5: {  	[tilespmem:s1], [sflag:$0x6] =	stream.indirect.gather [hbm4b:s4+s20], $0x20, s10, s20, $0xb8;
	[tilespmem:$0x10A00] =	vst v63  }
0xc6: {  	_ =	swait.ge [sflag:s25], $0x1000  }
0xc7: {  	[sflag:s25] =	ssyncset.done $0x0  }
0xc8: {  	[sflag:s25] =	ssyncadd.s32 $0xFFFFF000  }
0xc9: {  	_ =	swait.ge [sflag:s29], $0x1000  }
0xca: {  	[sflag:s29] =	ssyncset.done $0x0  }
0xcb: {  	s10 =	sadd.s32 $0x2C00, s9;
	[sflag:s29] =	ssyncadd.s32 $0xFFFFF000  }
0xcc: {  	[spmem:s2] =	stream.indirect.scatter.add.bf16 [tilespmem:s24], [sflag:$0x7], $0x20, s10, s20, $0xb8;
	[tilespmem:$0x10A00] =	vst v63  }
0xcd: {  	s10 =	sadd.s32 $0x600, s9  }
0xce: {  	[tilespmem:s21], [sflag:$0x1] =	stream.indirect.gather [hbm4b:s4+s20], $0x20, s10, s20, $0xb8;
	[tilespmem:$0x10A00] =	vst v63  }
0xcf: {  	_ =	swait.ge [sflag:s0], $0x1000  }
0xd0: {  	[sflag:s0] =	ssyncset.done $0x0  }
0xd1: {  	[sflag:s0] =	ssyncadd.s32 $0xFFFFF000  }
.Ltmp1:
0xd2: {  	_ =	swait.ge [sflag:s23], $0x1000;
	(pc) =	sbr.rel @p0 .LBB2_4-.Ltmp1, $4  }
0xd3: {  	[sflag:s23] =	ssyncset.done $0x0  }
0xd4: {  	s10 =	sadd.s32 $0x2C80, s9;
	[sflag:s23] =	ssyncadd.s32 $0xFFFFF000  }
0xd5: {  	[spmem:s2] =	stream.indirect.scatter.add.bf16 [tilespmem:s26], [sflag:$0x8], $0x20, s10, s20, $0xb8;
	[tilespmem:$0x10A00] =	vst v63  }
0xd6: {  	s9 =	sadd.s32 $0x680, s9  }
0xd7: {  	[tilespmem:s22], [sflag:$0x2] =	stream.indirect.gather [hbm4b:s4+s20], $0x20, s9, s20, $0xb8;
	[tilespmem:$0x10A00] =	vst v63  }
0xd8: {  	_ =	swait.ge [sflag:s6], $0x1000  }
0xd9: {  	[sflag:s6] =	ssyncset.done $0x0  }
0xda: {  	[sflag:s6] =	ssyncadd.s32 $0xFFFFF000  }
0xdb: {  	_ =	swait.ge [sflag:s29], $0x1000  }
0xdc: {  	[sflag:s29] =	ssyncset.done $0x0  }
0xdd: {  	s8 =	simm.s32 $0x4E00;
	[sflag:s29] =	ssyncadd.s32 $0xFFFFF000  }
0xde: {  	[spmem:s2] =	stream.indirect.scatter.add.bf16 [tilespmem:s30], [sflag:$0x7], $0x20, s8, s20, $0xb8;
	[tilespmem:$0x10A00] =	vst v63  }
0xdf: {  	_ =	swait.ge [sflag:s7], $0x1000  }
0xe0: {  	[sflag:s7] =	ssyncset.done $0x0  }
0xe1: {  	[sflag:s7] =	ssyncadd.s32 $0xFFFFF000  }
0xe2: {  	_ =	swait.ge [sflag:s23], $0x1000  }
0xe3: {  	[sflag:s23] =	ssyncset.done $0x0  }
0xe4: {  	s10 =	simm.s32 $0x4E80;
	[sflag:s23] =	ssyncadd.s32 $0xFFFFF000  }
0xe5: {  	[spmem:s2] =	stream.indirect.scatter.add.bf16 [tilespmem:s1], [sflag:$0x8], $0x20, s10, s20, $0xb8;
	[tilespmem:$0x10A00] =	vst v63  }
0xe6: {  	_ =	swait.ge [sflag:s28], $0x1000  }
0xe7: {  	[sflag:s28] =	ssyncset.done $0x0  }
0xe8: {  	[sflag:s28] =	ssyncadd.s32 $0xFFFFF000  }
0xe9: {  	_ =	swait.ge [sflag:s29], $0x1000  }
0xea: {  	[sflag:s29] =	ssyncset.done $0x0  }
0xeb: {  	s9 =	simm.s32 $0x4F00;
	[sflag:s29] =	ssyncadd.s32 $0xFFFFF000  }
0xec: {  	[spmem:s2] =	stream.indirect.scatter.add.bf16 [tilespmem:s21], [sflag:$0x7], $0x20, s9, s20, $0xb8;
	[tilespmem:$0x10A00] =	vst v63  }
0xed: {  	_ =	swait.ge [sflag:s31], $0x1000  }
0xee: {  	[sflag:s31] =	ssyncset.done $0x0  }
0xef: {  	[sflag:s31] =	ssyncadd.s32 $0xFFFFF000  }
0xf0: {  	_ =	swait.ge [sflag:s23], $0x1000  }
0xf1: {  	[sflag:s23] =	ssyncset.done $0x0  }
0xf2: {  	s10 =	simm.s32 $0x4F80;
	[sflag:s23] =	ssyncadd.s32 $0xFFFFF000  }
0xf3: {  	[spmem:s2] =	stream.indirect.scatter.add.bf16 [tilespmem:s22], [sflag:$0x8], $0x20, s10, s20, $0xb8;
	[tilespmem:$0x10A00] =	vst v63  }
0xf4: {  	_ =	swait.ge [sflag:s29], $0x1000  }
0xf5: {  	[sflag:s29] =	ssyncset.done $0x0  }
0xf6: {  	[sflag:s29] =	ssyncadd.s32 $0xFFFFF000  }
0xf7: {  	s9 =	stileid.u32;
	_ =	swait.ge [sflag:s23], $0x1000  }
0xf8: {  	s3 =	sadd.s32 $0x1, s3;
	s8 =	sshll.u32 s9, $0x6;
	[sflag:s23] =	ssyncset.done $0x0  }
0xf9: {  	p0 =	sne.s32 s3, s16;
	s8 =	sor.u32 $0x1C09, s8;
	[sflag:s23] =	ssyncadd.s32 $0xFFFFF000  }
.Ltmp2:
0xfa: {  	s10 =	sshrl.u32 s5, $0x3;
	[bflag:$0x0] =	sbarrier.arrive $0xFFFF;
	(pc) =	sbr.rel @p0 .LBB2_1-.Ltmp2, $4  }
0xfb: {  	[hbm:s15], [sflag:s8] =	dma.local [spmem:s10], $0xA00  }
0xfc: {  	_ =	swait.ge [sflag:s18], $0xA00  }
0xfd: {  	[sflag:s18] =	ssyncset.done $0x0  }
0xfe: {  	[sflag:s18] =	ssyncadd.s32 $0xFFFFF600  }
0xff: {  	_ =	sfence.sel $0x180000  }
0x100: {  	[bflag:$0x0] =	sbarrier.arrive $0xFFFF  }
0x101: {  	_ =	strace $0x9000004D  }
0x102: {  	s0 =	stileid.u32;
	[bflag:$0x2] =	sbarrier.arrive $0xFFFF  }
0x103: {  	p0 =	sne.s32 s0, $0x0;
	s0 =	rddreg [dreg:$0x3]  }
0x104: {  	s0 =	sadd.s32 @!p0 $0x100000, s0  }
0x105: {  	[sflag:s0] =	ssyncadd.tile.s32 @!p0 $0x1;
	_ =	shalt  }
.Lfunc_end2:
_tile_overlayer_lowered:
.L_overlay_start_2:
0x106: {  	(tag) =	ssettag $0x2  }
0x107: {  	s0 =	rddreg [dreg:$0x0];
	s2 =	stileid.u32  }
0x108: {  	s1 =	rddreg [dreg:$0x1];
	p0 =	sne.s32 s2, $0x0  }
0x109: {  	s3 =	rddreg [dreg:$0x2];
	[bflag:$0x3] =	sbarrier.arrive $0xFFFF;
	s2 =	simm.s32 @!p0 $0x1C09  }
0x10a: {  	[timem:s3], [sflag:s2] =	dma.local @!p0 [hbm:s0], s1  }
0x10b: {  	s0 =	simm.s32 @!p0 $0x9  }
0x10c: {  	_ =	swait.ge @!p0 [sflag:s0], s1  }
0x10d: {  	s1 =	ssub.s32 @!p0 $0x0, s1;
	[sflag:s0] =	ssyncset.done @!p0 $0x0  }
0x10e: {  	[sflag:s0] =	ssyncadd.s32 @!p0 s1  }
0x10f: {  	[bflag:$0x3] =	sbarrier.arrive $0xFFFF  }
0x110: {  	_ =	shalt  }

// kernel: kernel.8.cloned.1.call-start
scs
__scs_entry_jumppad:
0x0: {  	(pc) =	sbr.rel $0x88, $3  }
0x1: {  	(tag) =	ssettag $0x0;
	lr =	simm.s32 $0x1  }
0x2: {  	[smem:$0x3F9D] =	sst lr;
	_ =	strace $0xD0000000  }
0x3: {  	_ = 	snop  }
0x4: {  	_ = 	snop  }
0x5: {  	_ = 	snop  }
0x6: {  	_ = 	snop  }
0x7: {  	_ = 	snop  }
__scs_overlays_trampoline_lowered:
0x8: {  	[smem:$0x3FAC] =	sst s0  }
0x9: {  	[smem:$0x3FAD] =	sst s1  }
0xa: {  	[smem:$0x3FAE] =	sst s2  }
0xb: {  	[smem:$0x3FAF] =	sst s3  }
0xc: {  	[smem:$0x3FB0] =	sst s4  }
0xd: {  	[smem:$0x3FB1] =	sst s5  }
0xe: {  	[smem:$0x3FB2] =	sst s6  }
0xf: {  	[smem:$0x3FB3] =	sst s7  }
0x10: {  	[smem:$0x3FB4] =	sst s8  }
0x11: {  	[smem:$0x3FB5] =	sst s9;
	s0 =	simm.s32 @!p0 $0x0  }
0x12: {  	s1 =	sld [smem:$0x3F9B];
	s0 =	simm.s32 @p0 $0x1  }
0x13: {  	[smem:$0x3FB6] =	sst s0;
	s0 =	simm.s32 @!p1 $0x0  }
0x14: {  	s2 =	sld [smem:$0x3F9A];
	s0 =	simm.s32 @p1 $0x1  }
0x15: {  	[smem:$0x3FB7] =	sst s0;
	s0 =	simm.s32 @!p2 $0x0  }
0x16: {  	s3 =	sld [smem:$0x3FDB];
	s0 =	simm.s32 @p2 $0x1  }
0x17: {  	s4 =	simm.s32 $0x1BF5;
	[smem:$0x3FB9] =	sst s0  }
0x18: {  	s0 =	sld [smem:$0x3F9C];
	_ =	swait.ge [sflag:s4], $0x0  }
0x19: {  	s7 =	sld [smem:$0x3F9D]  }
0x1a: {  	s8 =	sadd.s32 $0xFFFFE003, lr  }
0x1b: {  	s9 =	sadd.s32 $0xFFFFFEF7, lr;
	s5 =	simm.s32 $0xFFFFFFFF;
	p2 =	slt.u32 s8, $0xFFFFF086  }
0x1c: {  	p1 =	slt.u32 s9, $0xF7A;
	s5 =	simm.s32 @!p2 $0x0  }
0x1d: {  	s5 =	simm.s32 @p1 $0x1;
	p0 =	seq.s32 s7, s2  }
0x1e: {  	s7 =	smul.u32 @!p0 $0xF7A, s2;
	p2 =	seq.s32 @!p0 s5, $0x0  }
0x1f: {  	s9 =	smul.u32 $0xF7A, s1;
	s8 =	simm.s32 @!p0 $0x1BF5;
	p2 =	por !p2, p0  }
0x20: {  	[sflag:s8] =	ssyncset.s32 @!p0 $0xFFFFF086;
	s6 =	sadd.s32 @!p0 s3, s7;
	s7 =	simm.s32 @!p0 $0x108  }
0x21: {  	s3 =	sadd.s32 s3, s9;
	s6 =	sadd.s32 @!p0 $0x88, s6;
	s7 =	simm.s32 @p2 $0x1082  }
0x22: {  	[simem:s7], [sflag:s8] =	dma.local @!p0 [hbm:s6], $0xF7A  }
0x23: {  	s9 =	sor.u32 $0xD0000000, s2;
	s6 =	simm.s32 $0x108;
	_ =	swait.ge @!p0 [sflag:s8], $0x0  }
0x24: {  	s3 =	sadd.s32 $0x88, s3;
	s6 =	simm.s32 @!p1 $0x1082;
	[sflag:s4] =	ssyncset.s32 $0xFFFFF086  }
0x25: {  	[simem:s6], [sflag:s4] =	dma.local [hbm:s3], $0xF7A  }
0x26: {  	[smem:$0x3F9D] =	sst s1;
	(tag) =	ssettag s2;
	_ =	strace s9  }
0x27: {  	s1 =	sld [smem:$0x3FAD]  }
0x28: {  	s2 =	sld [smem:$0x3FAE]  }
0x29: {  	s4 =	sld [smem:$0x3FB0]  }
0x2a: {  	p0 =	seq.s32 s5, $0x0;
	s5 =	sld [smem:$0x3FB1]  }
0x2b: {  	s6 =	sld [smem:$0x3FB2]  }
0x2c: {  	s7 =	sld [smem:$0x3FB3]  }
0x2d: {  	s3 =	simm.s32 $0x108;
	s8 =	sld [smem:$0x3FB4]  }
0x2e: {  	s3 =	simm.s32 @!p0 $0x1082;
	s9 =	sld [smem:$0x3FB5]  }
0x2f: {  	lr =	sadd.s32 s0, s3;
	s0 =	sld [smem:$0x3FAC]  }
0x30: {  	s3 =	sld [smem:$0x3FAF]  }
0x31: {  	[smem:$0x3FB8] =	sst s10  }
0x32: {  	s10 =	sld [smem:$0x3FB6];
	_ =	sdelay $0x3  }
0x33: {  	p0 =	seq.s32 s10, $0x1;
	s10 =	sld [smem:$0x3FB8];
	_ =	sdelay $0x3  }
0x34: {  	[smem:$0x3FB8] =	sst s10  }
0x35: {  	s10 =	sld [smem:$0x3FB7];
	_ =	sdelay $0x3  }
0x36: {  	p1 =	seq.s32 s10, $0x1;
	s10 =	sld [smem:$0x3FB8];
	_ =	sdelay $0x3  }
0x37: {  	[smem:$0x3FB8] =	sst s10  }
0x38: {  	s10 =	sld [smem:$0x3FB9]  }
0x39: {  	_ = 	snop;
	(pc) =	sbr.ind lr, $3  }
0x3a: {  	_ = 	snop  }
0x3b: {  	_ = 	snop  }
0x3c: {  	p2 =	seq.s32 s10, $0x1;
	s10 =	sld [smem:$0x3FB8]  }
0x3d: {  	_ =	shalt  }
0x3e: {  	_ =	shalt  }
0x3f: {  	_ =	shalt  }
0x40: {  	_ =	shalt  }
0x41: {  	_ =	shalt  }
0x42: {  	_ =	shalt  }
0x43: {  	_ =	shalt  }
0x44: {  	_ =	shalt  }
0x45: {  	_ =	shalt  }
0x46: {  	_ =	shalt  }
0x47: {  	_ =	shalt  }
0x48: {  	_ =	shalt  }
0x49: {  	_ =	shalt  }
0x4a: {  	_ =	shalt  }
0x4b: {  	_ =	shalt  }
0x4c: {  	_ =	shalt  }
0x4d: {  	_ =	shalt  }
0x4e: {  	_ =	shalt  }
0x4f: {  	_ =	shalt  }
0x50: {  	_ =	shalt  }
0x51: {  	_ =	shalt  }
0x52: {  	_ =	shalt  }
0x53: {  	_ =	shalt  }
0x54: {  	_ =	shalt  }
0x55: {  	_ =	shalt  }
0x56: {  	_ =	shalt  }
0x57: {  	_ =	shalt  }
0x58: {  	_ =	shalt  }
0x59: {  	_ =	shalt  }
0x5a: {  	_ =	shalt  }
0x5b: {  	_ =	shalt  }
0x5c: {  	_ =	shalt  }
0x5d: {  	_ =	shalt  }
0x5e: {  	_ =	shalt  }
0x5f: {  	_ =	shalt  }
0x60: {  	_ =	shalt  }
0x61: {  	_ =	shalt  }
0x62: {  	_ =	shalt  }
0x63: {  	_ =	shalt  }
0x64: {  	_ =	shalt  }
0x65: {  	_ =	shalt  }
0x66: {  	_ =	shalt  }
0x67: {  	_ =	shalt  }
0x68: {  	_ =	shalt  }
0x69: {  	_ =	shalt  }
0x6a: {  	_ =	shalt  }
0x6b: {  	_ =	shalt  }
0x6c: {  	_ =	shalt  }
0x6d: {  	_ =	shalt  }
0x6e: {  	_ =	shalt  }
0x6f: {  	_ =	shalt  }
0x70: {  	_ =	shalt  }
0x71: {  	_ =	shalt  }
0x72: {  	_ =	shalt  }
0x73: {  	_ =	shalt  }
0x74: {  	_ =	shalt  }
0x75: {  	_ =	shalt  }
0x76: {  	_ =	shalt  }
0x77: {  	_ =	shalt  }
0x78: {  	_ =	shalt  }
0x79: {  	_ =	shalt  }
0x7a: {  	_ =	shalt  }
0x7b: {  	_ =	shalt  }
0x7c: {  	_ =	shalt  }
0x7d: {  	_ =	shalt  }
0x7e: {  	_ =	shalt  }
0x7f: {  	_ =	shalt  }
0x80: {  	_ =	shalt  }
0x81: {  	_ =	shalt  }
0x82: {  	_ =	shalt  }
0x83: {  	_ =	shalt  }
0x84: {  	_ =	shalt  }
0x85: {  	_ =	shalt  }
0x86: {  	_ =	shalt  }
0x87: {  	_ =	shalt  }
.Lfunc_end0:
.L_simem_size_0:
called_computation_lowered:
.L_overlay_start_0:
0x88: {  	s2 =	sld [smem:$0x3FD9]  }
0x89: {  	s3 =	sld [smem:$0x3FFE];
	_ =	sdelay $0x1  }
0x8a: {  	s1 =	srdreg.scid  }
0x8b: {  	s0 =	sand.u32 $0x1, s1  }
0x8c: {  	s17 =	sshll.u32 s0, $0xA;
	s2 =	sadd.s32 s3, s2  }
0x8d: {  	s2 =	sadd.s32 s2, s17  }
0x8e: {  	[smem:$0x3FC4] =	sst s2  }
0x8f: {  	_ = 	snop  }
0x90: {  	s2 =	sld [smem:$0x3FD0];
	(tm) =	ssettm $0x1  }
0x91: {  	s18 =	sld [smem:$0x3FFB];
	_ =	sdelay $0x3  }
0x92: {  	_ =	strace s18  }
0x93: {  	s3 =	sld [smem:$0x3FFC];
	_ =	sdelay $0x3  }
0x94: {  	_ =	strace s3  }
0x95: {  	s3 =	sld [smem:$0x3FFD];
	_ =	sdelay $0x3  }
0x96: {  	_ =	strace s3  }
0x97: {  	_ =	strace $0x8FFFFFFF  }
0x98: {  	s19 =	sld [smem:$0x3FDB];
	_ =	sdelay $0x1  }
0x99: {  	s4 =	simm.s32 $_scs_section_size  }
0x9a: {  	s5 =	simm.s32 $_size__tile_overlayer_lowered;
	s6 =	simm.s32 $_tile_overlayer_lowered  }
0x9b: {  	s22 =	simm.s32 $0x1BFF;
	s21 =	sshll.u32 s6, $0x1;
	s3 =	sadd.s32 s4, s19  }
0x9c: {  	s7 =	simm.s32 $0x0;
	s20 =	sshll.u32 s5, $0x1;
	s5 =	sadd.s32 s21, s3  }
0x9d: {  	[timem:s7], [sflag:s22] =	dma.local [hbm:s5], s20  }
0x9e: {  	_ =	swait.ge [sflag:s22], s20  }
0x9f: {  	s4 =	ssub.s32 $0x0, s20;
	[sflag:s22] =	ssyncset.done $0x0  }
0xa0: {  	[sflag:s22] =	ssyncadd.s32 s4;
	_ =	sdelay $0x1  }
0xa1: {  	s23 =	simm.s32 $0x1B8B  }
0xa2: {  	_ =	swait.ge [sflag:s23], $0x1  }
0xa3: {  	[sflag:s23] =	ssyncset.done $0x0  }
0xa4: {  	s25 =	simm.s32 $0x1B8E;
	s24 =	sld [smem:$0x3FFE];
	[sflag:s23] =	ssyncadd.s32 $0xFFFFFFFF  }
0xa5: {  	s26 =	simm.s32 $execute0_lowered;
	[smem:$0x3FD2] =	sst s25  }
0xa6: {  	s5 =	sshll.u32 s26, $0x1;
	_ =	strace $0x80000046;
	[dreg:$0x1] =	wrdreg $0xFFFFFFFF  }
0xa7: {  	s28 =	simm.s32 $_size_execute0_lowered;
	s3 =	sadd.s32 s3, s5;
	[dreg:$0x0] =	wrdreg $0x0  }
0xa8: {  	s5 =	sshll.u32 s28, $0x1;
	[dreg:$0x2] =	wrdreg s3  }
0xa9: {  	[dreg:$0x3] =	wrdreg s5  }
0xaa: {  	[dreg:$0x4] =	wrdreg $0xC0  }
0xab: {  	_ =	task [dreg:s7], $0x5FFFF  }
0xac: {  	[dreg:$0x1] =	wrdreg $0xFFFFFFFF  }
0xad: {  	[dreg:$0x0] =	wrdreg $0x60  }
0xae: {  	[dreg:$0x2] =	wrdreg s2  }
0xaf: {  	[dreg:$0x3] =	wrdreg s24  }
0xb0: {  	[dreg:$0x4] =	wrdreg $0x2B000  }
0xb1: {  	[dreg:$0x5] =	wrdreg $0x9  }
0xb2: {  	_ =	task.clear_ibuf [dreg:s7], $0x6FFFF;
	_ =	strace $0x90000046  }
0xb3: {  	s29 =	simm.s32 $0x9;
	_ =	strace $0x80000048  }
0xb4: {  	_ =	swait.ge [sflag:s29], $0x1  }
0xb5: {  	[sflag:s29] =	ssyncadd.s32 $0xFFFFFFFF  }
0xb6: {  	_ =	strace $0x90000048  }
0xb7: {  	_ =	sfence  }
0xb8: {  	s30 =	sld [smem:$0x0];
	_ =	sdelay $0x2  }
0xb9: {  	s31 =	sshll.u32 s1, $0xD;
	s1 =	sshrl.u32 s1, $0x2  }
0xba: {  	s3 =	sand.u32 $0x4000, s31;
	s1 =	sadd.s32 s1, s30  }
0xbb: {  	s0 =	sor.u32 s3, s0;
	s1 =	sshll.u32 s1, $0x11  }
0xbc: {  	s0 =	sor.u32 s1, s0  }
0xbd: {  	s0 =	sadd.s32 $0x8F2B, s0  }
0xbe: {  	[sflag:s0] =	ssyncadd.remote.s32 $0x1  }
0xbf: {  	_ =	sfence.sel $0xFFFF  }
0xc0: {  	[dreg:$0x0] =	wrdreg $0xFFFFFFFF;
	(pc) =	sbr.abs _section_cstart, $3  }
0xc1: {  	[dreg:$0x1] =	wrdreg $0xFFFFFFFF  }
0xc2: {  	_ =	task.clear_ibuf [dreg:s7], $0x2FFFF;
	_ =	strace $0x9FFFFFFF  }
0xc3: {  	(tm) =	ssettm $0x7FFFFFFF  }
tec
execute0_lowered:
.L_overlay_start_1:
0x0: {  	(tag) =	ssettag $0x1  }
0x1: {  	s5 =	rddreg [dreg:$0x0]  }
0x2: {  	s4 =	rddreg [dreg:$0x1]  }
0x3: {  	s2 =	rddreg [dreg:$0x2]  }
0x4: {  	s0 =	rddreg [dreg:$0x3]  }
0x5: {  	s6 =	srdreg.scid;
	s1 =	stileid.u32;
	s3 =	simm.s32 $0x0  }
0x6: {  	s11 =	simm.s32 $0x2800;
	s12 =	simm.s32 $0x1;
	s15 =	simm.s32 $0x0  }
0x7: {  	s6 =	sand.u32 $0x1, s6;
	s7 =	smul.u32 $0x280, s1;
	[smem:$0x7FF] =	sst s3  }
0x8: {  	s13 =	sshll.u32 s1, $0x6;
	s8 =	smul.u32 $0x2800, s6;
	s9 =	sshll.u32 s6, $0x4  }
0x9: {  	_ =	strace $0x80000047;
	s6 =	ssub.s32 $0x2, s6;
	s9 =	sor.u32 s1, s9  }
0xa: {  	s10 =	sshrl.u32 s6, $0x1;
	s8 =	sadd.s32 s7, s8;
	s9 =	smul.u32 $0x500, s9  }
0xb: {  	s13 =	sor.u32 $0x1C02, s13;
	s10 =	ssub.s32 s6, s10;
	s8 =	sshrl.u32 s8, $0x3  }
0xc: {  	s8 =	sadd.s32 s8, s4;
	s4 =	sadd.s32 s7, s2;
	s5 =	sadd.s32 s5, s9  }
0xd: {  	s7 =	smax.u32 s10, $0x1;
	s9 =	simm.s32 $0x2;
	s10 =	simm.s32 $0x80  }
0xe: {  	v0 =	vimm.f32 $1.000000000e+00;
	v1 =	vimm.f32 $0.0e+00;
	s6 =	sadd.s32 $0x1600, s8;
	s8 =	simm.s32 $0x2880;
	s14 =	sshrl.u32 s4, $0x3  }
.LBB2_1:
0xf: {  	[tilespmem:$0x2800] =	vst v0  }
0x10: {  	[tilespmem:$0x2810] =	vst v0  }
0x11: {  	[tilespmem:$0x2820] =	vst v0  }
0x12: {  	[tilespmem:$0x2830] =	vst v0  }
0x13: {  	[tilespmem:$0x2840] =	vst v0  }
0x14: {  	[tilespmem:$0x2850] =	vst v0  }
0x15: {  	[tilespmem:$0x2860] =	vst v0  }
0x16: {  	[tilespmem:$0x2870] =	vst v0  }
0x17: {  	[tilespmem:$0x2880] =	vst v1  }
0x18: {  	[tilespmem:$0x2890] =	vst v1  }
0x19: {  	[tilespmem:$0x28A0] =	vst v1  }
0x1a: {  	[tilespmem:$0x28B0] =	vst v1  }
0x1b: {  	[tilespmem:$0x28C0] =	vst v1  }
0x1c: {  	[tilespmem:$0x28D0] =	vst v1  }
0x1d: {  	[tilespmem:$0x28E0] =	vst v1  }
0x1e: {  	[tilespmem:$0x28F0] =	vst v1  }
0x1f: {  	[tilespmem:$0x2900] =	vst v1  }
0x20: {  	[tilespmem:$0x2910] =	vst v1  }
0x21: {  	[tilespmem:$0x2920] =	vst v1  }
0x22: {  	[tilespmem:$0x2930] =	vst v1  }
0x23: {  	[tilespmem:$0x2940] =	vst v1  }
0x24: {  	[tilespmem:$0x2950] =	vst v1  }
0x25: {  	[tilespmem:$0x2960] =	vst v1  }
0x26: {  	[tilespmem:$0x2970] =	vst v1  }
0x27: {  	[tilespmem:$0x2980] =	vst v1  }
0x28: {  	[tilespmem:$0x2990] =	vst v1  }
0x29: {  	[tilespmem:$0x29A0] =	vst v1  }
0x2a: {  	[tilespmem:$0x29B0] =	vst v1  }
0x2b: {  	[tilespmem:$0x29C0] =	vst v1  }
0x2c: {  	[tilespmem:$0x29D0] =	vst v1  }
0x2d: {  	[tilespmem:$0x29E0] =	vst v1  }
0x2e: {  	[tilespmem:$0x29F0] =	vst v1  }
0x2f: {  	[tilespmem:$0x2A00] =	vst v1  }
0x30: {  	[tilespmem:$0x2A10] =	vst v1  }
0x31: {  	[tilespmem:$0x2A20] =	vst v1  }
0x32: {  	[tilespmem:$0x2A30] =	vst v1  }
0x33: {  	[tilespmem:$0x2A40] =	vst v1  }
0x34: {  	[tilespmem:$0x2A50] =	vst v1  }
0x35: {  	[tilespmem:$0x2A60] =	vst v1  }
0x36: {  	[tilespmem:$0x2A70] =	vst v1  }
0x37: {  	[tilespmem:$0x2A80] =	vst v1  }
0x38: {  	[tilespmem:$0x2A90] =	vst v1  }
0x39: {  	[tilespmem:$0x2AA0] =	vst v1  }
0x3a: {  	[tilespmem:$0x2AB0] =	vst v1  }
0x3b: {  	[tilespmem:$0x2AC0] =	vst v1  }
0x3c: {  	[tilespmem:$0x2AD0] =	vst v1  }
0x3d: {  	[tilespmem:$0x2AE0] =	vst v1  }
0x3e: {  	[tilespmem:$0x2AF0] =	vst v1  }
0x3f: {  	[spmem:s4] =	stream.linear.scatter [tilespmem:s8], [sflag:$0x2], $0x280, $0x38;
	[tilespmem:$0x2D80] =	vst v63  }
0x40: {  	_ =	swait.ge [sflag:s9], $0x280  }
0x41: {  	[sflag:s9] =	ssyncset.done $0x0  }
0x42: {  	[sflag:s9] =	ssyncadd.s32 $0xFFFFFD80  }
0x43: {  	[tilespmem:s3], [sflag:$0x2] =	stream.linear.gather [hbm4b:s5+s3], $0x2800, $0x38;
	[tilespmem:$0x2D80] =	vst v63  }
0x44: {  	_ =	swait.ge [sflag:s9], $0x2800  }
0x45: {  	[sflag:s9] =	ssyncset.done $0x0  }
0x46: {  	[sflag:s9] =	ssyncadd.s32 $0xFFFFD800  }
0x47: {  	s16 =	simm.s32 $0x0;
	[bflag:$0x0] =	sbarrier.arrive $0xFFFF  }
.LBB2_2:
0x48: {  	p0 =	sne.s32 s16, $0x9E00  }
.Ltmp0:
0x49: {  	_ = 	snop;
	(pc) =	sbr.rel @p0 .LBB2_2-.Ltmp0, $3  }
0x4a: {  	_ =	sdelay $0x1  }
0x4b: {  	s17 =	sshra.s32 s16, $0x2;
	s16 =	sadd.s32 $0x200, s16  }
0x4c: {  	[spmem:s2] =	stream.indirect.scatter.add.f32 [tilespmem:s11], [sflag:$0x1], $0x1, s17, s10, $0xb8;
	[tilespmem:$0x2D80] =	vst v63  }
0x4d: {  	_ =	swait.ge [sflag:s12], $0x80  }
0x4e: {  	s16 =	simm.s32 $0x4F;
	[sflag:s12] =	ssyncset.done $0x0  }
.LBB2_4:
0x4f: {  	p0 =	sne.s32 s16, $0x1;
	s16 =	sadd.s32 $0xFFFFFFFF, s16;
	[sflag:s12] =	ssyncadd.s32 $0xFFFFFF80  }
.Ltmp1:
0x50: {  	(pc) =	sbr.rel @p0 .LBB2_4-.Ltmp1, $3  }
0x51: {  	_ =	sdelay $0x1  }
0x52: {  	_ =	swait.ge [sflag:s12], $0x80  }
0x53: {  	[sflag:s12] =	ssyncset.done $0x0  }
0x54: {  	s15 =	sadd.s32 $0x1, s15  }
0x55: {  	[sflag:s12] =	ssyncadd.s32 $0xFFFFFF80;
	p0 =	sne.s32 s15, s7  }
.Ltmp2:
0x56: {  	[bflag:$0x0] =	sbarrier.arrive $0xFFFF;
	(pc) =	sbr.rel @p0 .LBB2_1-.Ltmp2, $4  }
0x57: {  	[hbm:s6], [sflag:s13] =	dma.local [spmem:s14], $0x50  }
0x58: {  	_ =	swait.ge [sflag:s9], $0x50  }
0x59: {  	[sflag:s9] =	ssyncset.done $0x0  }
0x5a: {  	[sflag:s9] =	ssyncadd.s32 $0xFFFFFFB0  }
0x5b: {  	_ =	sfence.sel $0x180000  }
0x5c: {  	[bflag:$0x0] =	sbarrier.arrive $0xFFFF  }
0x5d: {  	p0 =	sne.s32 s1, $0x0;
	_ =	strace $0x90000047  }
0x5e: {  	s0 =	sadd.s32 @!p0 $0x100000, s0;
	[bflag:$0x2] =	sbarrier.arrive $0xFFFF  }
0x5f: {  	[sflag:s0] =	ssyncadd.tile.s32 @!p0 $0x1;
	_ =	shalt  }
.Lfunc_end2:
_tile_overlayer_lowered:
.L_overlay_start_2:
0x60: {  	(tag) =	ssettag $0x2  }
0x61: {  	s0 =	rddreg [dreg:$0x0];
	s2 =	stileid.u32  }
0x62: {  	s1 =	rddreg [dreg:$0x1];
	p0 =	sne.s32 s2, $0x0  }
0x63: {  	s3 =	rddreg [dreg:$0x2];
	[bflag:$0x3] =	sbarrier.arrive $0xFFFF;
	s2 =	simm.s32 @!p0 $0x1C02  }
0x64: {  	[timem:s3], [sflag:s2] =	dma.local @!p0 [hbm:s0], s1  }
0x65: {  	s0 =	simm.s32 @!p0 $0x2  }
0x66: {  	_ =	swait.ge @!p0 [sflag:s0], s1  }
0x67: {  	s1 =	ssub.s32 @!p0 $0x0, s1;
	[sflag:s0] =	ssyncset.done @!p0 $0x0  }
0x68: {  	[sflag:s0] =	ssyncadd.s32 @!p0 s1  }
0x69: {  	[bflag:$0x3] =	sbarrier.arrive $0xFFFF  }
0x6a: {  	_ =	shalt  }

</sc_bundles>
